<compile_context>
chip_gen: v7x
topology: tpu7x:2x2x1
jax: 0.10.2.dev20260603
libtpu: 0.0.44.dev20260713+nightly
codegen_flags: <defaults>
</compile_context>

<pallas_src>
import functools

import jax
import jax.numpy as jnp
from jax import lax
from jax.experimental import pallas as pl
from jax.experimental.pallas import tpu as pltpu
from jax.experimental.pallas import tpu_sc as plsc

N = 10000
E = 320000
HID = 32
NC, NS = 2, 16
NW = NC * NS
CHUNK = 128
NBUF = 4
CPW = NBUF * (-(-E // (NW * CHUNK * NBUF)))
EPW = CPW * CHUNK
E_PAD = NW * EPW
NPAD = 10240
RPT = NPAD // NS
SINK = N

_mesh = plsc.VectorSubcoreMesh(core_axis_name="c", subcore_axis_name="s",
                               num_cores=NC, num_subcores=NS)
_sc_params = pltpu.CompilerParams(use_tc_tiling_on_sc=False,
                                 skip_device_barrier=True)


@functools.partial(
    pl.kernel,
    out_type=jax.ShapeDtypeStruct((NC, NPAD, 16), jnp.float32),
    mesh=_mesh,
    scratch_types=[
        pltpu.VMEM((CPW, CHUNK), jnp.int32),
        pltpu.VMEM((CHUNK, 16), jnp.float32),
        pltpu.VMEM_SHARED((NPAD, 16), jnp.float32),
        pltpu.SemaphoreType.DMA,
    ],
    compiler_params=_sc_params,
)
def _deg_kernel(dst_hbm, out_hbm, dstbuf, buf, deg_sh, ssem):
    c = lax.axis_index("c")
    s = lax.axis_index("s")
    wid = s * NC + c
    pltpu.sync_copy(dst_hbm.at[wid], dstbuf)

    def _zfill(i, _):
        buf[i, :] = jnp.zeros((16,), jnp.float32)
        return 0
    lax.fori_loop(0, CHUNK, _zfill, 0)
    for k in range(RPT // CHUNK):
        pltpu.sync_copy(buf, deg_sh.at[pl.ds(s * RPT + k * CHUNK, CHUNK)])

    def _ofill(i, _):
        buf[i, :] = jnp.ones((16,), jnp.float32)
        return 0
    lax.fori_loop(0, CHUNK, _ofill, 0)
    plsc.subcore_barrier()

    def _scat(j, _):
        pltpu.async_copy(buf, deg_sh.at[dstbuf.at[j]], ssem, add=True)
        return 0
    lax.fori_loop(0, CPW, _scat, 0)

    def _drain(j, _):
        pltpu.make_async_copy(buf, deg_sh.at[dstbuf.at[0]], ssem).wait()
        return 0
    lax.fori_loop(0, CPW, _drain, 0)
    plsc.subcore_barrier()
    pltpu.sync_copy(deg_sh.at[pl.ds(s * RPT, RPT)],
                    out_hbm.at[c, pl.ds(s * RPT, RPT)])


@functools.partial(
    pl.kernel,
    out_type=jax.ShapeDtypeStruct((NC, NPAD, HID), jnp.float32),
    mesh=_mesh,
    scratch_types=[
        pltpu.VMEM((CPW, CHUNK), jnp.int32),
        pltpu.VMEM((CPW, CHUNK), jnp.int32),
        pltpu.VMEM((NBUF, CHUNK, HID), jnp.float32),
        pltpu.VMEM((CHUNK, HID), jnp.float32),
        pltpu.VMEM((RPT, HID), jnp.float32),
        pltpu.VMEM_SHARED((NPAD, HID), jnp.float32),
        pltpu.VMEM_SHARED((NPAD, HID), jnp.float32),
    ] + [pltpu.SemaphoreType.DMA] * (2 * NBUF),
    compiler_params=_sc_params,
)
def _agg_kernel(y_hbm, src_hbm, dst_hbm, out_hbm,
                srcbuf, dstbuf, rows, zbuf, ybuf, y_sh, agg_sh, *sems):
    gsem = sems[:NBUF]
    ssem = sems[NBUF:]
    c = lax.axis_index("c")
    s = lax.axis_index("s")
    wid = s * NC + c
    pltpu.async_copy(src_hbm.at[wid], srcbuf, gsem[0])
    pltpu.async_copy(dst_hbm.at[wid], dstbuf, gsem[1])
    pltpu.async_copy(y_hbm.at[pl.ds(s * RPT, RPT)], ybuf, gsem[2])

    def _zfill(i, _):
        zbuf[i, pl.ds(0, 16)] = jnp.zeros((16,), jnp.float32)
        zbuf[i, pl.ds(16, 16)] = jnp.zeros((16,), jnp.float32)
        return 0
    lax.fori_loop(0, CHUNK, _zfill, 0)
    for k in range(RPT // CHUNK):
        pltpu.sync_copy(zbuf, agg_sh.at[pl.ds(s * RPT + k * CHUNK, CHUNK)])
    pltpu.make_async_copy(src_hbm.at[wid], srcbuf, gsem[0]).wait()
    pltpu.make_async_copy(dst_hbm.at[wid], dstbuf, gsem[1]).wait()
    pltpu.make_async_copy(y_hbm.at[pl.ds(s * RPT, RPT)], ybuf,
                          gsem[2]).wait()
    pltpu.sync_copy(ybuf, y_sh.at[pl.ds(s * RPT, RPT)])
    plsc.subcore_barrier()

    def _g(j, b):
        pltpu.async_copy(y_sh.at[srcbuf.at[j]], rows.at[b], gsem[b])

    def _wg(j, b):
        pltpu.make_async_copy(y_sh.at[srcbuf.at[j]], rows.at[b],
                              gsem[b]).wait()

    def _s(j, b):
        pltpu.async_copy(rows.at[b], agg_sh.at[dstbuf.at[j]], ssem[b],
                         add=True)

    def _ws(b):
        pltpu.make_async_copy(rows.at[b], agg_sh.at[dstbuf.at[0]],
                              ssem[b]).wait()

    T = CPW // NBUF
    _g(0, 0)
    _g(1, 1)

    def _step(t, _):
        for b in range(NBUF):
            bg = (b + 2) % NBUF
            if b < 2:
                @pl.when(t > 0)
                def _():
                    _ws(bg)
                _g(NBUF * t + b + 2, bg)
            else:
                _ws(bg)

                @pl.when(t < T - 1)
                def _():
                    _g(NBUF * t + b + 2, bg)
            _wg(NBUF * t + b, b)
            _s(NBUF * t + b, b)
        return 0
    lax.fori_loop(0, T, _step, 0)
    _ws(2)
    _ws(3)
    plsc.subcore_barrier()
    pltpu.sync_copy(agg_sh.at[pl.ds(s * RPT, RPT)],
                    out_hbm.at[c, pl.ds(s * RPT, RPT)])


def _tc_mm_body(x_ref, w1_ref, xw_ref):
    xw_ref[...] = jnp.dot(x_ref[...], w1_ref[...],
                          preferred_element_type=jnp.float32)


_tc_mm = pl.pallas_call(
    _tc_mm_body,
    out_shape=jax.ShapeDtypeStruct((N, HID), jnp.float32),
)


def _tc_a_body(xw_ref, degp_ref, y1_ref, dinv_ref):
    deg = degp_ref[0, :N, 0:1] + degp_ref[1, :N, 0:1] + 1.0
    dinv = lax.rsqrt(deg)
    y1_ref[pl.ds(0, N)] = xw_ref[...] * dinv
    y1_ref[pl.ds(N, NPAD - N)] = jnp.zeros((NPAD - N, HID), jnp.float32)
    dinv_ref[...] = dinv


_tc_a = pl.pallas_call(
    _tc_a_body,
    out_shape=[jax.ShapeDtypeStruct((NPAD, HID), jnp.float32),
               jax.ShapeDtypeStruct((N, 1), jnp.float32)],
)


def _tc_b_body(p_ref, y1_ref, dinv_ref, b1_ref, w2_ref, y2_ref):
    dinv = dinv_ref[...]
    agg = p_ref[0, :N, :] + p_ref[1, :N, :] + y1_ref[pl.ds(0, N)]
    h1 = jnp.maximum(dinv * agg + b1_ref[...], 0.0)
    xw2 = jnp.dot(h1, w2_ref[...], preferred_element_type=jnp.float32)
    y2_ref[pl.ds(0, N)] = xw2 * dinv
    y2_ref[pl.ds(N, NPAD - N)] = jnp.zeros((NPAD - N, HID), jnp.float32)


_tc_b = pl.pallas_call(
    _tc_b_body,
    out_shape=jax.ShapeDtypeStruct((NPAD, HID), jnp.float32),
)


def _tc_c_body(p_ref, y2_ref, dinv_ref, b2_ref, wout_ref, bout_ref,
               out_ref):
    dinv = dinv_ref[...]
    agg = p_ref[0, :N, :] + p_ref[1, :N, :] + y2_ref[pl.ds(0, N)]
    h2 = jnp.maximum(dinv * agg + b2_ref[...], 0.0)
    z = jnp.dot(h2, wout_ref[...], preferred_element_type=jnp.float32)
    out_ref[...] = jax.nn.sigmoid(z + bout_ref[...])


_tc_c = pl.pallas_call(
    _tc_c_body,
    out_shape=jax.ShapeDtypeStruct((N, 1), jnp.float32),
)


def kernel(x, edge_index, W1, b1, W2, b2, Wout, bout):
    ei = edge_index.astype(jnp.int32)
    src = jnp.concatenate([ei[0], jnp.zeros((E_PAD - E,), jnp.int32)])
    dst = jnp.concatenate([ei[1], jnp.full((E_PAD - E,), SINK, jnp.int32)])
    src3 = src.reshape(NW, CPW, CHUNK)
    dst3 = dst.reshape(NW, CPW, CHUNK)

    xw1 = _tc_mm(x, W1)
    degp = _deg_kernel(dst3)
    y1, dinv = _tc_a(xw1, degp)

    p1 = _agg_kernel(y1, src3, dst3)
    y2 = _tc_b(p1, y1, dinv, b1.reshape(1, HID), W2)

    p2 = _agg_kernel(y2, src3, dst3)
    out = _tc_c(p2, y2, dinv, b2.reshape(1, HID), Wout, bout.reshape(1, 1))
    return out

# --- scband reference (transcript-rebuilt; emitter-appended) ---
"""Pipeline reference for scband-causal-gnn-69904887709752 (READ-ONLY COPY).

The authoritative reference and input builder live on the scoring server;
editing this copy changes nothing except your own understanding.
"""

import jax, jax.numpy as jnp
import numpy as np

N_NODES = 10000
N_EDGES = 320000
IN_CH = 128
HID = 32


def gcn_conv(x, edge_index, W, b):
    n = x.shape[0]
    src = edge_index[0]
    dst = edge_index[1]
    # add self-loops (PyG GCNConv default)
    loop = jnp.arange(n, dtype=edge_index.dtype)
    src = jnp.concatenate([src, loop])
    dst = jnp.concatenate([dst, loop])
    # linear transform first (in_ch -> out_ch), then propagate
    xw = x @ W
    # symmetric normalization: deg computed on dst with unit edge weights
    deg = jnp.zeros((n,), dtype=x.dtype).at[dst].add(1.0)
    dinv = jnp.where(deg > 0, deg ** -0.5, 0.0)
    norm = dinv[src] * dinv[dst]
    msg = xw[src] * norm[:, None]
    out = jnp.zeros((n, W.shape[1]), dtype=x.dtype).at[dst].add(msg)
    return out + b


def setup_inputs(seed: int = 0) -> dict:
    key = jax.random.key(seed)
    ks = jax.random.split(key, 8)
    x = jax.random.normal(ks[0], (N_NODES, IN_CH), dtype=jnp.float32)
    edge_index = jax.random.randint(ks[1], (2, N_EDGES), 0, N_NODES, dtype=jnp.int64)
    W1 = jax.random.normal(ks[2], (IN_CH, HID), dtype=jnp.float32) * (1.0 / np.sqrt(IN_CH))
    b1 = jnp.zeros((HID,), dtype=jnp.float32)
    W2 = jax.random.normal(ks[3], (HID, HID), dtype=jnp.float32) * (1.0 / np.sqrt(HID))
    b2 = jnp.zeros((HID,), dtype=jnp.float32)
    Wout = jax.random.normal(ks[4], (HID, 1), dtype=jnp.float32) * (1.0 / np.sqrt(HID))
    bout = jnp.zeros((1,), dtype=jnp.float32)
    return {"x": x, "edge_index": edge_index, "W1": W1, "b1": b1, "W2": W2, "b2": b2, "Wout": Wout, "bout": bout}


def reference(x, edge_index, W1, b1, W2, b2, Wout, bout):
    h = jax.nn.relu(gcn_conv(x, edge_index, W1, b1))
    h = jax.nn.relu(gcn_conv(h, edge_index, W2, b2))
    out = h @ Wout + bout
    return jax.nn.sigmoid(out)

if __name__ == "__main__":
    import jax
    _d = setup_inputs()
    print(jax.jit(kernel)(*tuple(_d.values())))

</pallas_src>

<mosaic_0001>
#map = affine_map<(d0, d1) -> (0, 0, 0)>
module attributes {stable_mosaic.version = 14 : i64} {
  func.func @_deg_kernel(%arg0: i32, %arg1: i32, %arg2: memref<32x80x128xi32, #tpu.memory_space<hbm>>, %arg3: memref<2x10240x16xf32, #tpu.memory_space<hbm>>, %arg4: memref<80x128xi32, #tpu.memory_space<vmem>>, %arg5: memref<128x16xf32, #tpu.memory_space<vmem>>, %arg6: memref<10240x16xf32, #tpu.memory_space<vmem_shared>>, %arg7: memref<!tpu.dma_semaphore, #tpu.memory_space<semaphore_mem>>) attributes {dimension_semantics = [#tpu.dimension_semantics<core_parallel>, #tpu.dimension_semantics<subcore_parallel>], iteration_bounds = array<i64: 2, 16>, scalar_prefetch = 0 : i64, scratch_operands = 4 : i64, tpu.core_type = #tpu.core_type<sc_vector_subcore>, window_params = [{transform_indices = #map}, {transform_indices = #map}]} {
    %mul3A = arith.constant 2 : i32
    %mul3A_0 = arith.muli %arg1, %mul3A : i32
    %add3A = arith.addi %mul3A_0, %arg0 : i32
    "tpu.region"() ({
      %run_scoped3A = tpu.sem_alloc : memref<!tpu.dma_semaphore, #tpu.memory_space<semaphore_mem>>
      %dma_start3A = arith.constant 0 : i32
      %dma_start3A_53 = arith.constant 0 : i32
      %dma_start3A_54 = tpu.memref_slice %arg2[%add3A, %dma_start3A, %dma_start3A_53] : memref<32x80x128xi32, #tpu.memory_space<hbm>> -> memref<1x80x128xi32, #tpu.memory_space<hbm>>
      %dma_start3A_55 = tpu.memref_squeeze %dma_start3A_54 : memref<1x80x128xi32, #tpu.memory_space<hbm>> -> memref<80x128xi32, #tpu.memory_space<hbm>>
      %dma_start3A_56 = arith.constant 0 : i32
      %dma_start3A_57 = arith.constant 0 : i32
      %dma_start3A_58 = tpu.memref_slice %arg2[%add3A, %dma_start3A_56, %dma_start3A_57] : memref<32x80x128xi32, #tpu.memory_space<hbm>> -> memref<1x80x128xi32, #tpu.memory_space<hbm>>
      %dma_start3A_59 = tpu.memref_squeeze %dma_start3A_58 : memref<1x80x128xi32, #tpu.memory_space<hbm>> -> memref<80x128xi32, #tpu.memory_space<hbm>>
      tpu.enqueue_dma source(%dma_start3A_59 : memref<80x128xi32, #tpu.memory_space<hbm>>) target(%arg4 : memref<80x128xi32, #tpu.memory_space<vmem>>) target_semaphore(%run_scoped3A : memref<!tpu.dma_semaphore, #tpu.memory_space<semaphore_mem>>)
      %dma_wait3A = arith.constant 0 : i32
      %dma_wait3A_60 = arith.constant 0 : i32
      %dma_wait3A_61 = tpu.memref_slice %arg2[%add3A, %dma_wait3A, %dma_wait3A_60] : memref<32x80x128xi32, #tpu.memory_space<hbm>> -> memref<1x80x128xi32, #tpu.memory_space<hbm>>
      %dma_wait3A_62 = tpu.memref_squeeze %dma_wait3A_61 : memref<1x80x128xi32, #tpu.memory_space<hbm>> -> memref<80x128xi32, #tpu.memory_space<hbm>>
      %dma_wait3A_63 = arith.constant 0 : i32
      %dma_wait3A_64 = arith.constant 0 : i32
      %dma_wait3A_65 = tpu.memref_slice %arg2[%add3A, %dma_wait3A_63, %dma_wait3A_64] : memref<32x80x128xi32, #tpu.memory_space<hbm>> -> memref<1x80x128xi32, #tpu.memory_space<hbm>>
      %dma_wait3A_66 = tpu.memref_squeeze %dma_wait3A_65 : memref<1x80x128xi32, #tpu.memory_space<hbm>> -> memref<80x128xi32, #tpu.memory_space<hbm>>
      tpu.wait_dma2 semaphore(%run_scoped3A : memref<!tpu.dma_semaphore, #tpu.memory_space<semaphore_mem>>) src(%dma_wait3A_66 : memref<80x128xi32, #tpu.memory_space<hbm>>) dst(%arg4 : memref<80x128xi32, #tpu.memory_space<vmem>>)
      tpu.yield
    }) : () -> ()
    %scan3A = arith.constant 0 : i32
    %scan3A_1 = arith.constant 0 : i32
    %scan3A_2 = arith.constant 128 : i32
    %scan3A_3 = arith.addi %scan3A_1, %scan3A_2 : i32
    %scan3A_4 = arith.constant 1 : i32
    %scan3A_5 = scf.for %scan3A_53 = %scan3A_1 to %scan3A_3 step %scan3A_4 iter_args(%scan3A_54 = %scan3A) -> (i32)  : i32 {
      %broadcast_in_dim3A = arith.constant 0.000000e+00 : f32
      %broadcast_in_dim3A_55 = vector.broadcast %broadcast_in_dim3A : f32 to vector<16xf32>
      %swap3A = arith.index_cast %scan3A_53 : i32 to index
      %swap3A_56 = arith.constant 0 : index
      %swap3A_57 = tpu.vector_load %arg5[%swap3A, %swap3A_56] {strides = array<i32>} : memref<128x16xf32, #tpu.memory_space<vmem>>, vector<1x16xf32>,
      %swap3A_58 = vector.shape_cast %swap3A_57 : vector<1x16xf32> to vector<16xf32>
      %swap3A_59 = vector.shape_cast %broadcast_in_dim3A_55 : vector<16xf32> to vector<1x16xf32>
      tpu.vector_store %arg5[%swap3A, %swap3A_56], %swap3A_59 {strides = array<i32>} : memref<128x16xf32, #tpu.memory_space<vmem>>, vector<1x16xf32>,
      %scan3A_60 = arith.constant 0 : i32
      scf.yield %scan3A_60 : i32
    }
    %scan3A_6 = arith.constant 128 : i32
    %mul3A_7 = arith.constant 640 : i32
    %mul3A_8 = arith.muli %arg1, %mul3A_7 : i32
    %add3A_9 = arith.constant 0 : i32
    %add3A_10 = arith.addi %mul3A_8, %add3A_9 : i32
    "tpu.region"() ({
      %run_scoped3A = tpu.sem_alloc : memref<!tpu.dma_semaphore, #tpu.memory_space<semaphore_mem>>
      %dma_start3A = arith.constant 0 : i32
      %dma_start3A_53 = tpu.memref_slice %arg6[%add3A_10, %dma_start3A] : memref<10240x16xf32, #tpu.memory_space<vmem_shared>> -> memref<128x16xf32, #tpu.memory_space<vmem_shared>>
      %dma_start3A_54 = arith.constant 0 : i32
      %dma_start3A_55 = tpu.memref_slice %arg6[%add3A_10, %dma_start3A_54] : memref<10240x16xf32, #tpu.memory_space<vmem_shared>> -> memref<128x16xf32, #tpu.memory_space<vmem_shared>>
      tpu.enqueue_dma source(%arg5 : memref<128x16xf32, #tpu.memory_space<vmem>>) target(%dma_start3A_55 : memref<128x16xf32, #tpu.memory_space<vmem_shared>>) target_semaphore(%run_scoped3A : memref<!tpu.dma_semaphore, #tpu.memory_space<semaphore_mem>>)
      %dma_wait3A = arith.constant 0 : i32
      %dma_wait3A_56 = tpu.memref_slice %arg6[%add3A_10, %dma_wait3A] : memref<10240x16xf32, #tpu.memory_space<vmem_shared>> -> memref<128x16xf32, #tpu.memory_space<vmem_shared>>
      %dma_wait3A_57 = arith.constant 0 : i32
      %dma_wait3A_58 = tpu.memref_slice %arg6[%add3A_10, %dma_wait3A_57] : memref<10240x16xf32, #tpu.memory_space<vmem_shared>> -> memref<128x16xf32, #tpu.memory_space<vmem_shared>>
      tpu.wait_dma2 semaphore(%run_scoped3A : memref<!tpu.dma_semaphore, #tpu.memory_space<semaphore_mem>>) src(%arg5 : memref<128x16xf32, #tpu.memory_space<vmem>>) dst(%dma_wait3A_58 : memref<128x16xf32, #tpu.memory_space<vmem_shared>>)
      tpu.yield
    }) : () -> ()
    %mul3A_11 = arith.constant 640 : i32
    %mul3A_12 = arith.muli %arg1, %mul3A_11 : i32
    %add3A_13 = arith.constant 128 : i32
    %add3A_14 = arith.addi %mul3A_12, %add3A_13 : i32
    "tpu.region"() ({
      %run_scoped3A = tpu.sem_alloc : memref<!tpu.dma_semaphore, #tpu.memory_space<semaphore_mem>>
      %dma_start3A = arith.constant 0 : i32
      %dma_start3A_53 = tpu.memref_slice %arg6[%add3A_14, %dma_start3A] : memref<10240x16xf32, #tpu.memory_space<vmem_shared>> -> memref<128x16xf32, #tpu.memory_space<vmem_shared>>
      %dma_start3A_54 = arith.constant 0 : i32
      %dma_start3A_55 = tpu.memref_slice %arg6[%add3A_14, %dma_start3A_54] : memref<10240x16xf32, #tpu.memory_space<vmem_shared>> -> memref<128x16xf32, #tpu.memory_space<vmem_shared>>
      tpu.enqueue_dma source(%arg5 : memref<128x16xf32, #tpu.memory_space<vmem>>) target(%dma_start3A_55 : memref<128x16xf32, #tpu.memory_space<vmem_shared>>) target_semaphore(%run_scoped3A : memref<!tpu.dma_semaphore, #tpu.memory_space<semaphore_mem>>)
      %dma_wait3A = arith.constant 0 : i32
      %dma_wait3A_56 = tpu.memref_slice %arg6[%add3A_14, %dma_wait3A] : memref<10240x16xf32, #tpu.memory_space<vmem_shared>> -> memref<128x16xf32, #tpu.memory_space<vmem_shared>>
      %dma_wait3A_57 = arith.constant 0 : i32
      %dma_wait3A_58 = tpu.memref_slice %arg6[%add3A_14, %dma_wait3A_57] : memref<10240x16xf32, #tpu.memory_space<vmem_shared>> -> memref<128x16xf32, #tpu.memory_space<vmem_shared>>
      tpu.wait_dma2 semaphore(%run_scoped3A : memref<!tpu.dma_semaphore, #tpu.memory_space<semaphore_mem>>) src(%arg5 : memref<128x16xf32, #tpu.memory_space<vmem>>) dst(%dma_wait3A_58 : memref<128x16xf32, #tpu.memory_space<vmem_shared>>)
      tpu.yield
    }) : () -> ()
    %mul3A_15 = arith.constant 640 : i32
    %mul3A_16 = arith.muli %arg1, %mul3A_15 : i32
    %add3A_17 = arith.constant 256 : i32
    %add3A_18 = arith.addi %mul3A_16, %add3A_17 : i32
    "tpu.region"() ({
      %run_scoped3A = tpu.sem_alloc : memref<!tpu.dma_semaphore, #tpu.memory_space<semaphore_mem>>
      %dma_start3A = arith.constant 0 : i32
      %dma_start3A_53 = tpu.memref_slice %arg6[%add3A_18, %dma_start3A] : memref<10240x16xf32, #tpu.memory_space<vmem_shared>> -> memref<128x16xf32, #tpu.memory_space<vmem_shared>>
      %dma_start3A_54 = arith.constant 0 : i32
      %dma_start3A_55 = tpu.memref_slice %arg6[%add3A_18, %dma_start3A_54] : memref<10240x16xf32, #tpu.memory_space<vmem_shared>> -> memref<128x16xf32, #tpu.memory_space<vmem_shared>>
      tpu.enqueue_dma source(%arg5 : memref<128x16xf32, #tpu.memory_space<vmem>>) target(%dma_start3A_55 : memref<128x16xf32, #tpu.memory_space<vmem_shared>>) target_semaphore(%run_scoped3A : memref<!tpu.dma_semaphore, #tpu.memory_space<semaphore_mem>>)
      %dma_wait3A = arith.constant 0 : i32
      %dma_wait3A_56 = tpu.memref_slice %arg6[%add3A_18, %dma_wait3A] : memref<10240x16xf32, #tpu.memory_space<vmem_shared>> -> memref<128x16xf32, #tpu.memory_space<vmem_shared>>
      %dma_wait3A_57 = arith.constant 0 : i32
      %dma_wait3A_58 = tpu.memref_slice %arg6[%add3A_18, %dma_wait3A_57] : memref<10240x16xf32, #tpu.memory_space<vmem_shared>> -> memref<128x16xf32, #tpu.memory_space<vmem_shared>>
      tpu.wait_dma2 semaphore(%run_scoped3A : memref<!tpu.dma_semaphore, #tpu.memory_space<semaphore_mem>>) src(%arg5 : memref<128x16xf32, #tpu.memory_space<vmem>>) dst(%dma_wait3A_58 : memref<128x16xf32, #tpu.memory_space<vmem_shared>>)
      tpu.yield
    }) : () -> ()
    %mul3A_19 = arith.constant 640 : i32
    %mul3A_20 = arith.muli %arg1, %mul3A_19 : i32
    %add3A_21 = arith.constant 384 : i32
    %add3A_22 = arith.addi %mul3A_20, %add3A_21 : i32
    "tpu.region"() ({
      %run_scoped3A = tpu.sem_alloc : memref<!tpu.dma_semaphore, #tpu.memory_space<semaphore_mem>>
      %dma_start3A = arith.constant 0 : i32
      %dma_start3A_53 = tpu.memref_slice %arg6[%add3A_22, %dma_start3A] : memref<10240x16xf32, #tpu.memory_space<vmem_shared>> -> memref<128x16xf32, #tpu.memory_space<vmem_shared>>
      %dma_start3A_54 = arith.constant 0 : i32
      %dma_start3A_55 = tpu.memref_slice %arg6[%add3A_22, %dma_start3A_54] : memref<10240x16xf32, #tpu.memory_space<vmem_shared>> -> memref<128x16xf32, #tpu.memory_space<vmem_shared>>
      tpu.enqueue_dma source(%arg5 : memref<128x16xf32, #tpu.memory_space<vmem>>) target(%dma_start3A_55 : memref<128x16xf32, #tpu.memory_space<vmem_shared>>) target_semaphore(%run_scoped3A : memref<!tpu.dma_semaphore, #tpu.memory_space<semaphore_mem>>)
      %dma_wait3A = arith.constant 0 : i32
      %dma_wait3A_56 = tpu.memref_slice %arg6[%add3A_22, %dma_wait3A] : memref<10240x16xf32, #tpu.memory_space<vmem_shared>> -> memref<128x16xf32, #tpu.memory_space<vmem_shared>>
      %dma_wait3A_57 = arith.constant 0 : i32
      %dma_wait3A_58 = tpu.memref_slice %arg6[%add3A_22, %dma_wait3A_57] : memref<10240x16xf32, #tpu.memory_space<vmem_shared>> -> memref<128x16xf32, #tpu.memory_space<vmem_shared>>
      tpu.wait_dma2 semaphore(%run_scoped3A : memref<!tpu.dma_semaphore, #tpu.memory_space<semaphore_mem>>) src(%arg5 : memref<128x16xf32, #tpu.memory_space<vmem>>) dst(%dma_wait3A_58 : memref<128x16xf32, #tpu.memory_space<vmem_shared>>)
      tpu.yield
    }) : () -> ()
    %mul3A_23 = arith.constant 640 : i32
    %mul3A_24 = arith.muli %arg1, %mul3A_23 : i32
    %add3A_25 = arith.constant 512 : i32
    %add3A_26 = arith.addi %mul3A_24, %add3A_25 : i32
    "tpu.region"() ({
      %run_scoped3A = tpu.sem_alloc : memref<!tpu.dma_semaphore, #tpu.memory_space<semaphore_mem>>
      %dma_start3A = arith.constant 0 : i32
      %dma_start3A_53 = tpu.memref_slice %arg6[%add3A_26, %dma_start3A] : memref<10240x16xf32, #tpu.memory_space<vmem_shared>> -> memref<128x16xf32, #tpu.memory_space<vmem_shared>>
      %dma_start3A_54 = arith.constant 0 : i32
      %dma_start3A_55 = tpu.memref_slice %arg6[%add3A_26, %dma_start3A_54] : memref<10240x16xf32, #tpu.memory_space<vmem_shared>> -> memref<128x16xf32, #tpu.memory_space<vmem_shared>>
      tpu.enqueue_dma source(%arg5 : memref<128x16xf32, #tpu.memory_space<vmem>>) target(%dma_start3A_55 : memref<128x16xf32, #tpu.memory_space<vmem_shared>>) target_semaphore(%run_scoped3A : memref<!tpu.dma_semaphore, #tpu.memory_space<semaphore_mem>>)
      %dma_wait3A = arith.constant 0 : i32
      %dma_wait3A_56 = tpu.memref_slice %arg6[%add3A_26, %dma_wait3A] : memref<10240x16xf32, #tpu.memory_space<vmem_shared>> -> memref<128x16xf32, #tpu.memory_space<vmem_shared>>
      %dma_wait3A_57 = arith.constant 0 : i32
      %dma_wait3A_58 = tpu.memref_slice %arg6[%add3A_26, %dma_wait3A_57] : memref<10240x16xf32, #tpu.memory_space<vmem_shared>> -> memref<128x16xf32, #tpu.memory_space<vmem_shared>>
      tpu.wait_dma2 semaphore(%run_scoped3A : memref<!tpu.dma_semaphore, #tpu.memory_space<semaphore_mem>>) src(%arg5 : memref<128x16xf32, #tpu.memory_space<vmem>>) dst(%dma_wait3A_58 : memref<128x16xf32, #tpu.memory_space<vmem_shared>>)
      tpu.yield
    }) : () -> ()
    %scan3A_27 = arith.constant 0 : i32
    %scan3A_28 = arith.constant 0 : i32
    %scan3A_29 = arith.constant 128 : i32
    %scan3A_30 = arith.addi %scan3A_28, %scan3A_29 : i32
    %scan3A_31 = arith.constant 1 : i32
    %scan3A_32 = scf.for %scan3A_53 = %scan3A_28 to %scan3A_30 step %scan3A_31 iter_args(%scan3A_54 = %scan3A_27) -> (i32)  : i32 {
      %broadcast_in_dim3A = arith.constant 1.000000e+00 : f32
      %broadcast_in_dim3A_55 = vector.broadcast %broadcast_in_dim3A : f32 to vector<16xf32>
      %swap3A = arith.index_cast %scan3A_53 : i32 to index
      %swap3A_56 = arith.constant 0 : index
      %swap3A_57 = tpu.vector_load %arg5[%swap3A, %swap3A_56] {strides = array<i32>} : memref<128x16xf32, #tpu.memory_space<vmem>>, vector<1x16xf32>,
      %swap3A_58 = vector.shape_cast %swap3A_57 : vector<1x16xf32> to vector<16xf32>
      %swap3A_59 = vector.shape_cast %broadcast_in_dim3A_55 : vector<16xf32> to vector<1x16xf32>
      tpu.vector_store %arg5[%swap3A, %swap3A_56], %swap3A_59 {strides = array<i32>} : memref<128x16xf32, #tpu.memory_space<vmem>>, vector<1x16xf32>,
      %scan3A_60 = arith.constant 0 : i32
      scf.yield %scan3A_60 : i32
    }
    %scan3A_33 = arith.constant 128 : i32
    %barrier3A = arith.constant 0 : index
    tpu.barrier barrier_id(%barrier3A)
    %scan3A_34 = arith.constant 0 : i32
    %scan3A_35 = arith.constant 0 : i32
    %scan3A_36 = arith.constant 80 : i32
    %scan3A_37 = arith.addi %scan3A_35, %scan3A_36 : i32
    %scan3A_38 = arith.constant 1 : i32
    %scan3A_39 = scf.for %scan3A_53 = %scan3A_35 to %scan3A_37 step %scan3A_38 iter_args(%scan3A_54 = %scan3A_34) -> (i32)  : i32 {
      %dma_start3A = arith.constant 0 : i32
      %dma_start3A_55 = tpu.memref_slice %arg4[%scan3A_53, %dma_start3A] : memref<80x128xi32, #tpu.memory_space<vmem>> -> memref<1x128xi32, #tpu.memory_space<vmem>>
      %dma_start3A_56 = tpu.memref_squeeze %dma_start3A_55 : memref<1x128xi32, #tpu.memory_space<vmem>> -> memref<128xi32, #tpu.memory_space<vmem>>
      %dma_start3A_57 = arith.constant 0 : i32
      %dma_start3A_58 = arith.constant 0 : i32
      %dma_start3A_59 = tpu.memref_slice %arg6[%dma_start3A_57, %dma_start3A_58] : memref<10240x16xf32, #tpu.memory_space<vmem_shared>> -> memref<10240x16xf32, #tpu.memory_space<vmem_shared>>
      tpu.enqueue_indirect_dma source(%arg5 : memref<128x16xf32, #tpu.memory_space<vmem>>) target(%dma_start3A_59 : memref<10240x16xf32, #tpu.memory_space<vmem_shared>>) offsets(%dma_start3A_56 : memref<128xi32, #tpu.memory_space<vmem>>) semaphore(%arg7 : memref<!tpu.dma_semaphore, #tpu.memory_space<semaphore_mem>>) {add = true}
      %scan3A_60 = arith.constant 0 : i32
      scf.yield %scan3A_60 : i32
    }
    %scan3A_40 = arith.constant 80 : i32
    %scan3A_41 = arith.constant 0 : i32
    %scan3A_42 = arith.constant 0 : i32
    %scan3A_43 = arith.constant 80 : i32
    %scan3A_44 = arith.addi %scan3A_42, %scan3A_43 : i32
    %scan3A_45 = arith.constant 1 : i32
    %scan3A_46 = scf.for %scan3A_53 = %scan3A_42 to %scan3A_44 step %scan3A_45 iter_args(%scan3A_54 = %scan3A_41) -> (i32)  : i32 {
      %dma_wait3A = arith.constant 0 : i32
      %dma_wait3A_55 = arith.constant 0 : i32
      %dma_wait3A_56 = tpu.memref_slice %arg4[%dma_wait3A, %dma_wait3A_55] : memref<80x128xi32, #tpu.memory_space<vmem>> -> memref<1x128xi32, #tpu.memory_space<vmem>>
      %dma_wait3A_57 = tpu.memref_squeeze %dma_wait3A_56 : memref<1x128xi32, #tpu.memory_space<vmem>> -> memref<128xi32, #tpu.memory_space<vmem>>
      %dma_wait3A_58 = arith.constant 0 : i32
      %dma_wait3A_59 = arith.constant 0 : i32
      %dma_wait3A_60 = tpu.memref_slice %arg6[%dma_wait3A_58, %dma_wait3A_59] : memref<10240x16xf32, #tpu.memory_space<vmem_shared>> -> memref<10240x16xf32, #tpu.memory_space<vmem_shared>>
      tpu.wait_indirect_dma semaphore(%arg7 : memref<!tpu.dma_semaphore, #tpu.memory_space<semaphore_mem>>) src(%arg5 : memref<128x16xf32, #tpu.memory_space<vmem>>) dst(%dma_wait3A_60 : memref<10240x16xf32, #tpu.memory_space<vmem_shared>>)
      %scan3A_61 = arith.constant 0 : i32
      scf.yield %scan3A_61 : i32
    }
    %scan3A_47 = arith.constant 80 : i32
    %barrier3A_48 = arith.constant 0 : index
    tpu.barrier barrier_id(%barrier3A_48)
    %mul3A_49 = arith.constant 640 : i32
    %mul3A_50 = arith.muli %arg1, %mul3A_49 : i32
    %mul3A_51 = arith.constant 640 : i32
    %mul3A_52 = arith.muli %arg1, %mul3A_51 : i32
    "tpu.region"() ({
      %run_scoped3A = tpu.sem_alloc : memref<!tpu.dma_semaphore, #tpu.memory_space<semaphore_mem>>
      %dma_start3A = arith.constant 0 : i32
      %dma_start3A_53 = tpu.memref_slice %arg3[%arg0, %mul3A_52, %dma_start3A] : memref<2x10240x16xf32, #tpu.memory_space<hbm>> -> memref<1x640x16xf32, #tpu.memory_space<hbm>>
      %dma_start3A_54 = tpu.memref_squeeze %dma_start3A_53 : memref<1x640x16xf32, #tpu.memory_space<hbm>> -> memref<640x16xf32, #tpu.memory_space<hbm>>
      %dma_start3A_55 = arith.constant 0 : i32
      %dma_start3A_56 = tpu.memref_slice %arg6[%mul3A_50, %dma_start3A_55] : memref<10240x16xf32, #tpu.memory_space<vmem_shared>> -> memref<640x16xf32, #tpu.memory_space<vmem_shared>>
      tpu.enqueue_dma source(%dma_start3A_56 : memref<640x16xf32, #tpu.memory_space<vmem_shared>>) target(%dma_start3A_54 : memref<640x16xf32, #tpu.memory_space<hbm>>) target_semaphore(%run_scoped3A : memref<!tpu.dma_semaphore, #tpu.memory_space<semaphore_mem>>)
      %dma_wait3A = arith.constant 0 : i32
      %dma_wait3A_57 = tpu.memref_slice %arg3[%arg0, %mul3A_52, %dma_wait3A] : memref<2x10240x16xf32, #tpu.memory_space<hbm>> -> memref<1x640x16xf32, #tpu.memory_space<hbm>>
      %dma_wait3A_58 = tpu.memref_squeeze %dma_wait3A_57 : memref<1x640x16xf32, #tpu.memory_space<hbm>> -> memref<640x16xf32, #tpu.memory_space<hbm>>
      %dma_wait3A_59 = arith.constant 0 : i32
      %dma_wait3A_60 = tpu.memref_slice %arg6[%mul3A_50, %dma_wait3A_59] : memref<10240x16xf32, #tpu.memory_space<vmem_shared>> -> memref<640x16xf32, #tpu.memory_space<vmem_shared>>
      tpu.wait_dma2 semaphore(%run_scoped3A : memref<!tpu.dma_semaphore, #tpu.memory_space<semaphore_mem>>) src(%dma_wait3A_60 : memref<640x16xf32, #tpu.memory_space<vmem_shared>>) dst(%dma_wait3A_58 : memref<640x16xf32, #tpu.memory_space<hbm>>)
      tpu.yield
    }) : () -> ()
    return
  }
}

#map = affine_map<(d0, d1) -> (0, 0)>
#map1 = affine_map<(d0, d1) -> (0, 0, 0)>
module attributes {stable_mosaic.version = 14 : i64} {
  func.func @_agg_kernel(%arg0: i32, %arg1: i32, %arg2: memref<10240x32xf32, #tpu.memory_space<hbm>>, %arg3: memref<32x80x128xi32, #tpu.memory_space<hbm>>, %arg4: memref<32x80x128xi32, #tpu.memory_space<hbm>>, %arg5: memref<2x10240x32xf32, #tpu.memory_space<hbm>>, %arg6: memref<80x128xi32, #tpu.memory_space<vmem>>, %arg7: memref<80x128xi32, #tpu.memory_space<vmem>>, %arg8: memref<4x128x32xf32, #tpu.memory_space<vmem>>, %arg9: memref<128x32xf32, #tpu.memory_space<vmem>>, %arg10: memref<640x32xf32, #tpu.memory_space<vmem>>, %arg11: memref<10240x32xf32, #tpu.memory_space<vmem_shared>>, %arg12: memref<10240x32xf32, #tpu.memory_space<vmem_shared>>, %arg13: memref<!tpu.dma_semaphore, #tpu.memory_space<semaphore_mem>>, %arg14: memref<!tpu.dma_semaphore, #tpu.memory_space<semaphore_mem>>, %arg15: memref<!tpu.dma_semaphore, #tpu.memory_space<semaphore_mem>>, %arg16: memref<!tpu.dma_semaphore, #tpu.memory_space<semaphore_mem>>, %arg17: memref<!tpu.dma_semaphore, #tpu.memory_space<semaphore_mem>>, %arg18: memref<!tpu.dma_semaphore, #tpu.memory_space<semaphore_mem>>, %arg19: memref<!tpu.dma_semaphore, #tpu.memory_space<semaphore_mem>>, %arg20: memref<!tpu.dma_semaphore, #tpu.memory_space<semaphore_mem>>) attributes {dimension_semantics = [#tpu.dimension_semantics<core_parallel>, #tpu.dimension_semantics<subcore_parallel>], iteration_bounds = array<i64: 2, 16>, scalar_prefetch = 0 : i64, scratch_operands = 15 : i64, tpu.core_type = #tpu.core_type<sc_vector_subcore>, window_params = [{transform_indices = #map}, {transform_indices = #map1}, {transform_indices = #map1}, {transform_indices = #map1}]} {
    %mul3A = arith.constant 2 : i32
    %mul3A_0 = arith.muli %arg1, %mul3A : i32
    %add3A = arith.addi %mul3A_0, %arg0 : i32
    %dma_start3A = arith.constant 0 : i32
    %dma_start3A_1 = arith.constant 0 : i32
    %dma_start3A_2 = tpu.memref_slice %arg3[%add3A, %dma_start3A, %dma_start3A_1] : memref<32x80x128xi32, #tpu.memory_space<hbm>> -> memref<1x80x128xi32, #tpu.memory_space<hbm>>
    %dma_start3A_3 = tpu.memref_squeeze %dma_start3A_2 : memref<1x80x128xi32, #tpu.memory_space<hbm>> -> memref<80x128xi32, #tpu.memory_space<hbm>>
    %dma_start3A_4 = arith.constant 0 : i32
    %dma_start3A_5 = arith.constant 0 : i32
    %dma_start3A_6 = tpu.memref_slice %arg3[%add3A, %dma_start3A_4, %dma_start3A_5] : memref<32x80x128xi32, #tpu.memory_space<hbm>> -> memref<1x80x128xi32, #tpu.memory_space<hbm>>
    %dma_start3A_7 = tpu.memref_squeeze %dma_start3A_6 : memref<1x80x128xi32, #tpu.memory_space<hbm>> -> memref<80x128xi32, #tpu.memory_space<hbm>>
    tpu.enqueue_dma source(%dma_start3A_7 : memref<80x128xi32, #tpu.memory_space<hbm>>) target(%arg6 : memref<80x128xi32, #tpu.memory_space<vmem>>) target_semaphore(%arg13 : memref<!tpu.dma_semaphore, #tpu.memory_space<semaphore_mem>>)
    %dma_start3A_8 = arith.constant 0 : i32
    %dma_start3A_9 = arith.constant 0 : i32
    %dma_start3A_10 = tpu.memref_slice %arg4[%add3A, %dma_start3A_8, %dma_start3A_9] : memref<32x80x128xi32, #tpu.memory_space<hbm>> -> memref<1x80x128xi32, #tpu.memory_space<hbm>>
    %dma_start3A_11 = tpu.memref_squeeze %dma_start3A_10 : memref<1x80x128xi32, #tpu.memory_space<hbm>> -> memref<80x128xi32, #tpu.memory_space<hbm>>
    %dma_start3A_12 = arith.constant 0 : i32
    %dma_start3A_13 = arith.constant 0 : i32
    %dma_start3A_14 = tpu.memref_slice %arg4[%add3A, %dma_start3A_12, %dma_start3A_13] : memref<32x80x128xi32, #tpu.memory_space<hbm>> -> memref<1x80x128xi32, #tpu.memory_space<hbm>>
    %dma_start3A_15 = tpu.memref_squeeze %dma_start3A_14 : memref<1x80x128xi32, #tpu.memory_space<hbm>> -> memref<80x128xi32, #tpu.memory_space<hbm>>
    tpu.enqueue_dma source(%dma_start3A_15 : memref<80x128xi32, #tpu.memory_space<hbm>>) target(%arg7 : memref<80x128xi32, #tpu.memory_space<vmem>>) target_semaphore(%arg14 : memref<!tpu.dma_semaphore, #tpu.memory_space<semaphore_mem>>)
    %mul3A_16 = arith.constant 640 : i32
    %mul3A_17 = arith.muli %arg1, %mul3A_16 : i32
    %dma_start3A_18 = arith.constant 0 : i32
    %dma_start3A_19 = tpu.memref_slice %arg2[%mul3A_17, %dma_start3A_18] : memref<10240x32xf32, #tpu.memory_space<hbm>> -> memref<640x32xf32, #tpu.memory_space<hbm>>
    %dma_start3A_20 = arith.constant 0 : i32
    %dma_start3A_21 = tpu.memref_slice %arg2[%mul3A_17, %dma_start3A_20] : memref<10240x32xf32, #tpu.memory_space<hbm>> -> memref<640x32xf32, #tpu.memory_space<hbm>>
    tpu.enqueue_dma source(%dma_start3A_21 : memref<640x32xf32, #tpu.memory_space<hbm>>) target(%arg10 : memref<640x32xf32, #tpu.memory_space<vmem>>) target_semaphore(%arg15 : memref<!tpu.dma_semaphore, #tpu.memory_space<semaphore_mem>>)
    %scan3A = arith.constant 0 : i32
    %scan3A_22 = arith.constant 0 : i32
    %scan3A_23 = arith.constant 128 : i32
    %scan3A_24 = arith.addi %scan3A_22, %scan3A_23 : i32
    %scan3A_25 = arith.constant 1 : i32
    %scan3A_26 = scf.for %scan3A_131 = %scan3A_22 to %scan3A_24 step %scan3A_25 iter_args(%scan3A_132 = %scan3A) -> (i32)  : i32 {
      %broadcast_in_dim3A = arith.constant 0.000000e+00 : f32
      %broadcast_in_dim3A_133 = vector.broadcast %broadcast_in_dim3A : f32 to vector<16xf32>
      %swap3A = arith.index_cast %scan3A_131 : i32 to index
      %swap3A_134 = arith.constant 0 : index
      %swap3A_135 = tpu.vector_load %arg9[%swap3A, %swap3A_134] {strides = array<i32>} : memref<128x32xf32, #tpu.memory_space<vmem>>, vector<1x16xf32>,
      %swap3A_136 = vector.shape_cast %swap3A_135 : vector<1x16xf32> to vector<16xf32>
      %swap3A_137 = vector.shape_cast %broadcast_in_dim3A_133 : vector<16xf32> to vector<1x16xf32>
      tpu.vector_store %arg9[%swap3A, %swap3A_134], %swap3A_137 {strides = array<i32>} : memref<128x32xf32, #tpu.memory_space<vmem>>, vector<1x16xf32>,
      %broadcast_in_dim3A_138 = arith.constant 0.000000e+00 : f32
      %broadcast_in_dim3A_139 = vector.broadcast %broadcast_in_dim3A_138 : f32 to vector<16xf32>
      %swap3A_140 = arith.index_cast %scan3A_131 : i32 to index
      %swap3A_141 = arith.constant 16 : index
      %swap3A_142 = tpu.vector_load %arg9[%swap3A_140, %swap3A_141] {strides = array<i32>} : memref<128x32xf32, #tpu.memory_space<vmem>>, vector<1x16xf32>,
      %swap3A_143 = vector.shape_cast %swap3A_142 : vector<1x16xf32> to vector<16xf32>
      %swap3A_144 = vector.shape_cast %broadcast_in_dim3A_139 : vector<16xf32> to vector<1x16xf32>
      tpu.vector_store %arg9[%swap3A_140, %swap3A_141], %swap3A_144 {strides = array<i32>} : memref<128x32xf32, #tpu.memory_space<vmem>>, vector<1x16xf32>,
      %scan3A_145 = arith.constant 0 : i32
      scf.yield %scan3A_145 : i32
    }
    %scan3A_27 = arith.constant 128 : i32
    %mul3A_28 = arith.constant 640 : i32
    %mul3A_29 = arith.muli %arg1, %mul3A_28 : i32
    %add3A_30 = arith.constant 0 : i32
    %add3A_31 = arith.addi %mul3A_29, %add3A_30 : i32
    "tpu.region"() ({
      %run_scoped3A = tpu.sem_alloc : memref<!tpu.dma_semaphore, #tpu.memory_space<semaphore_mem>>
      %dma_start3A_131 = arith.constant 0 : i32
      %dma_start3A_132 = tpu.memref_slice %arg12[%add3A_31, %dma_start3A_131] : memref<10240x32xf32, #tpu.memory_space<vmem_shared>> -> memref<128x32xf32, #tpu.memory_space<vmem_shared>>
      %dma_start3A_133 = arith.constant 0 : i32
      %dma_start3A_134 = tpu.memref_slice %arg12[%add3A_31, %dma_start3A_133] : memref<10240x32xf32, #tpu.memory_space<vmem_shared>> -> memref<128x32xf32, #tpu.memory_space<vmem_shared>>
      tpu.enqueue_dma source(%arg9 : memref<128x32xf32, #tpu.memory_space<vmem>>) target(%dma_start3A_134 : memref<128x32xf32, #tpu.memory_space<vmem_shared>>) target_semaphore(%run_scoped3A : memref<!tpu.dma_semaphore, #tpu.memory_space<semaphore_mem>>)
      %dma_wait3A_135 = arith.constant 0 : i32
      %dma_wait3A_136 = tpu.memref_slice %arg12[%add3A_31, %dma_wait3A_135] : memref<10240x32xf32, #tpu.memory_space<vmem_shared>> -> memref<128x32xf32, #tpu.memory_space<vmem_shared>>
      %dma_wait3A_137 = arith.constant 0 : i32
      %dma_wait3A_138 = tpu.memref_slice %arg12[%add3A_31, %dma_wait3A_137] : memref<10240x32xf32, #tpu.memory_space<vmem_shared>> -> memref<128x32xf32, #tpu.memory_space<vmem_shared>>
      tpu.wait_dma2 semaphore(%run_scoped3A : memref<!tpu.dma_semaphore, #tpu.memory_space<semaphore_mem>>) src(%arg9 : memref<128x32xf32, #tpu.memory_space<vmem>>) dst(%dma_wait3A_138 : memref<128x32xf32, #tpu.memory_space<vmem_shared>>)
      tpu.yield
    }) : () -> ()
    %mul3A_32 = arith.constant 640 : i32
    %mul3A_33 = arith.muli %arg1, %mul3A_32 : i32
    %add3A_34 = arith.constant 128 : i32
    %add3A_35 = arith.addi %mul3A_33, %add3A_34 : i32
    "tpu.region"() ({
      %run_scoped3A = tpu.sem_alloc : memref<!tpu.dma_semaphore, #tpu.memory_space<semaphore_mem>>
      %dma_start3A_131 = arith.constant 0 : i32
      %dma_start3A_132 = tpu.memref_slice %arg12[%add3A_35, %dma_start3A_131] : memref<10240x32xf32, #tpu.memory_space<vmem_shared>> -> memref<128x32xf32, #tpu.memory_space<vmem_shared>>
      %dma_start3A_133 = arith.constant 0 : i32
      %dma_start3A_134 = tpu.memref_slice %arg12[%add3A_35, %dma_start3A_133] : memref<10240x32xf32, #tpu.memory_space<vmem_shared>> -> memref<128x32xf32, #tpu.memory_space<vmem_shared>>
      tpu.enqueue_dma source(%arg9 : memref<128x32xf32, #tpu.memory_space<vmem>>) target(%dma_start3A_134 : memref<128x32xf32, #tpu.memory_space<vmem_shared>>) target_semaphore(%run_scoped3A : memref<!tpu.dma_semaphore, #tpu.memory_space<semaphore_mem>>)
      %dma_wait3A_135 = arith.constant 0 : i32
      %dma_wait3A_136 = tpu.memref_slice %arg12[%add3A_35, %dma_wait3A_135] : memref<10240x32xf32, #tpu.memory_space<vmem_shared>> -> memref<128x32xf32, #tpu.memory_space<vmem_shared>>
      %dma_wait3A_137 = arith.constant 0 : i32
      %dma_wait3A_138 = tpu.memref_slice %arg12[%add3A_35, %dma_wait3A_137] : memref<10240x32xf32, #tpu.memory_space<vmem_shared>> -> memref<128x32xf32, #tpu.memory_space<vmem_shared>>
      tpu.wait_dma2 semaphore(%run_scoped3A : memref<!tpu.dma_semaphore, #tpu.memory_space<semaphore_mem>>) src(%arg9 : memref<128x32xf32, #tpu.memory_space<vmem>>) dst(%dma_wait3A_138 : memref<128x32xf32, #tpu.memory_space<vmem_shared>>)
      tpu.yield
    }) : () -> ()
    %mul3A_36 = arith.constant 640 : i32
    %mul3A_37 = arith.muli %arg1, %mul3A_36 : i32
    %add3A_38 = arith.constant 256 : i32
    %add3A_39 = arith.addi %mul3A_37, %add3A_38 : i32
    "tpu.region"() ({
      %run_scoped3A = tpu.sem_alloc : memref<!tpu.dma_semaphore, #tpu.memory_space<semaphore_mem>>
      %dma_start3A_131 = arith.constant 0 : i32
      %dma_start3A_132 = tpu.memref_slice %arg12[%add3A_39, %dma_start3A_131] : memref<10240x32xf32, #tpu.memory_space<vmem_shared>> -> memref<128x32xf32, #tpu.memory_space<vmem_shared>>
      %dma_start3A_133 = arith.constant 0 : i32
      %dma_start3A_134 = tpu.memref_slice %arg12[%add3A_39, %dma_start3A_133] : memref<10240x32xf32, #tpu.memory_space<vmem_shared>> -> memref<128x32xf32, #tpu.memory_space<vmem_shared>>
      tpu.enqueue_dma source(%arg9 : memref<128x32xf32, #tpu.memory_space<vmem>>) target(%dma_start3A_134 : memref<128x32xf32, #tpu.memory_space<vmem_shared>>) target_semaphore(%run_scoped3A : memref<!tpu.dma_semaphore, #tpu.memory_space<semaphore_mem>>)
      %dma_wait3A_135 = arith.constant 0 : i32
      %dma_wait3A_136 = tpu.memref_slice %arg12[%add3A_39, %dma_wait3A_135] : memref<10240x32xf32, #tpu.memory_space<vmem_shared>> -> memref<128x32xf32, #tpu.memory_space<vmem_shared>>
      %dma_wait3A_137 = arith.constant 0 : i32
      %dma_wait3A_138 = tpu.memref_slice %arg12[%add3A_39, %dma_wait3A_137] : memref<10240x32xf32, #tpu.memory_space<vmem_shared>> -> memref<128x32xf32, #tpu.memory_space<vmem_shared>>
      tpu.wait_dma2 semaphore(%run_scoped3A : memref<!tpu.dma_semaphore, #tpu.memory_space<semaphore_mem>>) src(%arg9 : memref<128x32xf32, #tpu.memory_space<vmem>>) dst(%dma_wait3A_138 : memref<128x32xf32, #tpu.memory_space<vmem_shared>>)
      tpu.yield
    }) : () -> ()
    %mul3A_40 = arith.constant 640 : i32
    %mul3A_41 = arith.muli %arg1, %mul3A_40 : i32
    %add3A_42 = arith.constant 384 : i32
    %add3A_43 = arith.addi %mul3A_41, %add3A_42 : i32
    "tpu.region"() ({
      %run_scoped3A = tpu.sem_alloc : memref<!tpu.dma_semaphore, #tpu.memory_space<semaphore_mem>>
      %dma_start3A_131 = arith.constant 0 : i32
      %dma_start3A_132 = tpu.memref_slice %arg12[%add3A_43, %dma_start3A_131] : memref<10240x32xf32, #tpu.memory_space<vmem_shared>> -> memref<128x32xf32, #tpu.memory_space<vmem_shared>>
      %dma_start3A_133 = arith.constant 0 : i32
      %dma_start3A_134 = tpu.memref_slice %arg12[%add3A_43, %dma_start3A_133] : memref<10240x32xf32, #tpu.memory_space<vmem_shared>> -> memref<128x32xf32, #tpu.memory_space<vmem_shared>>
      tpu.enqueue_dma source(%arg9 : memref<128x32xf32, #tpu.memory_space<vmem>>) target(%dma_start3A_134 : memref<128x32xf32, #tpu.memory_space<vmem_shared>>) target_semaphore(%run_scoped3A : memref<!tpu.dma_semaphore, #tpu.memory_space<semaphore_mem>>)
      %dma_wait3A_135 = arith.constant 0 : i32
      %dma_wait3A_136 = tpu.memref_slice %arg12[%add3A_43, %dma_wait3A_135] : memref<10240x32xf32, #tpu.memory_space<vmem_shared>> -> memref<128x32xf32, #tpu.memory_space<vmem_shared>>
      %dma_wait3A_137 = arith.constant 0 : i32
      %dma_wait3A_138 = tpu.memref_slice %arg12[%add3A_43, %dma_wait3A_137] : memref<10240x32xf32, #tpu.memory_space<vmem_shared>> -> memref<128x32xf32, #tpu.memory_space<vmem_shared>>
      tpu.wait_dma2 semaphore(%run_scoped3A : memref<!tpu.dma_semaphore, #tpu.memory_space<semaphore_mem>>) src(%arg9 : memref<128x32xf32, #tpu.memory_space<vmem>>) dst(%dma_wait3A_138 : memref<128x32xf32, #tpu.memory_space<vmem_shared>>)
      tpu.yield
    }) : () -> ()
    %mul3A_44 = arith.constant 640 : i32
    %mul3A_45 = arith.muli %arg1, %mul3A_44 : i32
    %add3A_46 = arith.constant 512 : i32
    %add3A_47 = arith.addi %mul3A_45, %add3A_46 : i32
    "tpu.region"() ({
      %run_scoped3A = tpu.sem_alloc : memref<!tpu.dma_semaphore, #tpu.memory_space<semaphore_mem>>
      %dma_start3A_131 = arith.constant 0 : i32
      %dma_start3A_132 = tpu.memref_slice %arg12[%add3A_47, %dma_start3A_131] : memref<10240x32xf32, #tpu.memory_space<vmem_shared>> -> memref<128x32xf32, #tpu.memory_space<vmem_shared>>
      %dma_start3A_133 = arith.constant 0 : i32
      %dma_start3A_134 = tpu.memref_slice %arg12[%add3A_47, %dma_start3A_133] : memref<10240x32xf32, #tpu.memory_space<vmem_shared>> -> memref<128x32xf32, #tpu.memory_space<vmem_shared>>
      tpu.enqueue_dma source(%arg9 : memref<128x32xf32, #tpu.memory_space<vmem>>) target(%dma_start3A_134 : memref<128x32xf32, #tpu.memory_space<vmem_shared>>) target_semaphore(%run_scoped3A : memref<!tpu.dma_semaphore, #tpu.memory_space<semaphore_mem>>)
      %dma_wait3A_135 = arith.constant 0 : i32
      %dma_wait3A_136 = tpu.memref_slice %arg12[%add3A_47, %dma_wait3A_135] : memref<10240x32xf32, #tpu.memory_space<vmem_shared>> -> memref<128x32xf32, #tpu.memory_space<vmem_shared>>
      %dma_wait3A_137 = arith.constant 0 : i32
      %dma_wait3A_138 = tpu.memref_slice %arg12[%add3A_47, %dma_wait3A_137] : memref<10240x32xf32, #tpu.memory_space<vmem_shared>> -> memref<128x32xf32, #tpu.memory_space<vmem_shared>>
      tpu.wait_dma2 semaphore(%run_scoped3A : memref<!tpu.dma_semaphore, #tpu.memory_space<semaphore_mem>>) src(%arg9 : memref<128x32xf32, #tpu.memory_space<vmem>>) dst(%dma_wait3A_138 : memref<128x32xf32, #tpu.memory_space<vmem_shared>>)
      tpu.yield
    }) : () -> ()
    %dma_wait3A = arith.constant 0 : i32
    %dma_wait3A_48 = arith.constant 0 : i32
    %dma_wait3A_49 = tpu.memref_slice %arg3[%add3A, %dma_wait3A, %dma_wait3A_48] : memref<32x80x128xi32, #tpu.memory_space<hbm>> -> memref<1x80x128xi32, #tpu.memory_space<hbm>>
    %dma_wait3A_50 = tpu.memref_squeeze %dma_wait3A_49 : memref<1x80x128xi32, #tpu.memory_space<hbm>> -> memref<80x128xi32, #tpu.memory_space<hbm>>
    %dma_wait3A_51 = arith.constant 0 : i32
    %dma_wait3A_52 = arith.constant 0 : i32
    %dma_wait3A_53 = tpu.memref_slice %arg3[%add3A, %dma_wait3A_51, %dma_wait3A_52] : memref<32x80x128xi32, #tpu.memory_space<hbm>> -> memref<1x80x128xi32, #tpu.memory_space<hbm>>
    %dma_wait3A_54 = tpu.memref_squeeze %dma_wait3A_53 : memref<1x80x128xi32, #tpu.memory_space<hbm>> -> memref<80x128xi32, #tpu.memory_space<hbm>>
    tpu.wait_dma2 semaphore(%arg13 : memref<!tpu.dma_semaphore, #tpu.memory_space<semaphore_mem>>) src(%dma_wait3A_54 : memref<80x128xi32, #tpu.memory_space<hbm>>) dst(%arg6 : memref<80x128xi32, #tpu.memory_space<vmem>>)
    %dma_wait3A_55 = arith.constant 0 : i32
    %dma_wait3A_56 = arith.constant 0 : i32
    %dma_wait3A_57 = tpu.memref_slice %arg4[%add3A, %dma_wait3A_55, %dma_wait3A_56] : memref<32x80x128xi32, #tpu.memory_space<hbm>> -> memref<1x80x128xi32, #tpu.memory_space<hbm>>
    %dma_wait3A_58 = tpu.memref_squeeze %dma_wait3A_57 : memref<1x80x128xi32, #tpu.memory_space<hbm>> -> memref<80x128xi32, #tpu.memory_space<hbm>>
    %dma_wait3A_59 = arith.constant 0 : i32
    %dma_wait3A_60 = arith.constant 0 : i32
    %dma_wait3A_61 = tpu.memref_slice %arg4[%add3A, %dma_wait3A_59, %dma_wait3A_60] : memref<32x80x128xi32, #tpu.memory_space<hbm>> -> memref<1x80x128xi32, #tpu.memory_space<hbm>>
    %dma_wait3A_62 = tpu.memref_squeeze %dma_wait3A_61 : memref<1x80x128xi32, #tpu.memory_space<hbm>> -> memref<80x128xi32, #tpu.memory_space<hbm>>
    tpu.wait_dma2 semaphore(%arg14 : memref<!tpu.dma_semaphore, #tpu.memory_space<semaphore_mem>>) src(%dma_wait3A_62 : memref<80x128xi32, #tpu.memory_space<hbm>>) dst(%arg7 : memref<80x128xi32, #tpu.memory_space<vmem>>)
    %mul3A_63 = arith.constant 640 : i32
    %mul3A_64 = arith.muli %arg1, %mul3A_63 : i32
    %dma_wait3A_65 = arith.constant 0 : i32
    %dma_wait3A_66 = tpu.memref_slice %arg2[%mul3A_64, %dma_wait3A_65] : memref<10240x32xf32, #tpu.memory_space<hbm>> -> memref<640x32xf32, #tpu.memory_space<hbm>>
    %dma_wait3A_67 = arith.constant 0 : i32
    %dma_wait3A_68 = tpu.memref_slice %arg2[%mul3A_64, %dma_wait3A_67] : memref<10240x32xf32, #tpu.memory_space<hbm>> -> memref<640x32xf32, #tpu.memory_space<hbm>>
    tpu.wait_dma2 semaphore(%arg15 : memref<!tpu.dma_semaphore, #tpu.memory_space<semaphore_mem>>) src(%dma_wait3A_68 : memref<640x32xf32, #tpu.memory_space<hbm>>) dst(%arg10 : memref<640x32xf32, #tpu.memory_space<vmem>>)
    %mul3A_69 = arith.constant 640 : i32
    %mul3A_70 = arith.muli %arg1, %mul3A_69 : i32
    "tpu.region"() ({
      %run_scoped3A = tpu.sem_alloc : memref<!tpu.dma_semaphore, #tpu.memory_space<semaphore_mem>>
      %dma_start3A_131 = arith.constant 0 : i32
      %dma_start3A_132 = tpu.memref_slice %arg11[%mul3A_70, %dma_start3A_131] : memref<10240x32xf32, #tpu.memory_space<vmem_shared>> -> memref<640x32xf32, #tpu.memory_space<vmem_shared>>
      %dma_start3A_133 = arith.constant 0 : i32
      %dma_start3A_134 = tpu.memref_slice %arg11[%mul3A_70, %dma_start3A_133] : memref<10240x32xf32, #tpu.memory_space<vmem_shared>> -> memref<640x32xf32, #tpu.memory_space<vmem_shared>>
      tpu.enqueue_dma source(%arg10 : memref<640x32xf32, #tpu.memory_space<vmem>>) target(%dma_start3A_134 : memref<640x32xf32, #tpu.memory_space<vmem_shared>>) target_semaphore(%run_scoped3A : memref<!tpu.dma_semaphore, #tpu.memory_space<semaphore_mem>>)
      %dma_wait3A_135 = arith.constant 0 : i32
      %dma_wait3A_136 = tpu.memref_slice %arg11[%mul3A_70, %dma_wait3A_135] : memref<10240x32xf32, #tpu.memory_space<vmem_shared>> -> memref<640x32xf32, #tpu.memory_space<vmem_shared>>
      %dma_wait3A_137 = arith.constant 0 : i32
      %dma_wait3A_138 = tpu.memref_slice %arg11[%mul3A_70, %dma_wait3A_137] : memref<10240x32xf32, #tpu.memory_space<vmem_shared>> -> memref<640x32xf32, #tpu.memory_space<vmem_shared>>
      tpu.wait_dma2 semaphore(%run_scoped3A : memref<!tpu.dma_semaphore, #tpu.memory_space<semaphore_mem>>) src(%arg10 : memref<640x32xf32, #tpu.memory_space<vmem>>) dst(%dma_wait3A_138 : memref<640x32xf32, #tpu.memory_space<vmem_shared>>)
      tpu.yield
    }) : () -> ()
    %barrier3A = arith.constant 0 : index
    tpu.barrier barrier_id(%barrier3A)
    %dma_start3A_71 = arith.constant 0 : i32
    %dma_start3A_72 = arith.constant 0 : i32
    %dma_start3A_73 = arith.constant 0 : i32
    %dma_start3A_74 = arith.constant 0 : i32
    %dma_start3A_75 = tpu.memref_slice %arg8[%dma_start3A_72, %dma_start3A_73, %dma_start3A_74] : memref<4x128x32xf32, #tpu.memory_space<vmem>> -> memref<1x128x32xf32, #tpu.memory_space<vmem>>
    %dma_start3A_76 = tpu.memref_squeeze %dma_start3A_75 : memref<1x128x32xf32, #tpu.memory_space<vmem>> -> memref<128x32xf32, #tpu.memory_space<vmem>>
    %dma_start3A_77 = arith.constant 0 : i32
    %dma_start3A_78 = tpu.memref_slice %arg6[%dma_start3A_71, %dma_start3A_77] : memref<80x128xi32, #tpu.memory_space<vmem>> -> memref<1x128xi32, #tpu.memory_space<vmem>>
    %dma_start3A_79 = tpu.memref_squeeze %dma_start3A_78 : memref<1x128xi32, #tpu.memory_space<vmem>> -> memref<128xi32, #tpu.memory_space<vmem>>
    %dma_start3A_80 = arith.constant 0 : i32
    %dma_start3A_81 = arith.constant 0 : i32
    %dma_start3A_82 = tpu.memref_slice %arg11[%dma_start3A_80, %dma_start3A_81] : memref<10240x32xf32, #tpu.memory_space<vmem_shared>> -> memref<10240x32xf32, #tpu.memory_space<vmem_shared>>
    tpu.enqueue_indirect_dma source(%dma_start3A_82 : memref<10240x32xf32, #tpu.memory_space<vmem_shared>>) target(%dma_start3A_76 : memref<128x32xf32, #tpu.memory_space<vmem>>) offsets(%dma_start3A_79 : memref<128xi32, #tpu.memory_space<vmem>>) semaphore(%arg13 : memref<!tpu.dma_semaphore, #tpu.memory_space<semaphore_mem>>)
    %dma_start3A_83 = arith.constant 1 : i32
    %dma_start3A_84 = arith.constant 1 : i32
    %dma_start3A_85 = arith.constant 0 : i32
    %dma_start3A_86 = arith.constant 0 : i32
    %dma_start3A_87 = tpu.memref_slice %arg8[%dma_start3A_84, %dma_start3A_85, %dma_start3A_86] : memref<4x128x32xf32, #tpu.memory_space<vmem>> -> memref<1x128x32xf32, #tpu.memory_space<vmem>>
    %dma_start3A_88 = tpu.memref_squeeze %dma_start3A_87 : memref<1x128x32xf32, #tpu.memory_space<vmem>> -> memref<128x32xf32, #tpu.memory_space<vmem>>
    %dma_start3A_89 = arith.constant 0 : i32
    %dma_start3A_90 = tpu.memref_slice %arg6[%dma_start3A_83, %dma_start3A_89] : memref<80x128xi32, #tpu.memory_space<vmem>> -> memref<1x128xi32, #tpu.memory_space<vmem>>
    %dma_start3A_91 = tpu.memref_squeeze %dma_start3A_90 : memref<1x128xi32, #tpu.memory_space<vmem>> -> memref<128xi32, #tpu.memory_space<vmem>>
    %dma_start3A_92 = arith.constant 0 : i32
    %dma_start3A_93 = arith.constant 0 : i32
    %dma_start3A_94 = tpu.memref_slice %arg11[%dma_start3A_92, %dma_start3A_93] : memref<10240x32xf32, #tpu.memory_space<vmem_shared>> -> memref<10240x32xf32, #tpu.memory_space<vmem_shared>>
    tpu.enqueue_indirect_dma source(%dma_start3A_94 : memref<10240x32xf32, #tpu.memory_space<vmem_shared>>) target(%dma_start3A_88 : memref<128x32xf32, #tpu.memory_space<vmem>>) offsets(%dma_start3A_91 : memref<128xi32, #tpu.memory_space<vmem>>) semaphore(%arg14 : memref<!tpu.dma_semaphore, #tpu.memory_space<semaphore_mem>>)
    %scan3A_95 = arith.constant 0 : i32
    %scan3A_96 = arith.constant 0 : i32
    %scan3A_97 = arith.constant 20 : i32
    %scan3A_98 = arith.addi %scan3A_96, %scan3A_97 : i32
    %scan3A_99 = arith.constant 1 : i32
    %scan3A_100 = scf.for %scan3A_131 = %scan3A_96 to %scan3A_98 step %scan3A_99 iter_args(%scan3A_132 = %scan3A_95) -> (i32)  : i32 {
      %gt3A = arith.constant 0 : i32
      %gt3A_133 = arith.cmpi sgt, %scan3A_131, %gt3A : i32
      %convert_element_type3A = arith.extui %gt3A_133 : i1 to i32
      %cond3A = arith.constant 0 : i32
      %cond3A_134 = arith.cmpi ne, %convert_element_type3A, %cond3A : i32
      scf.if %cond3A_134 {
        %dma_wait3A_328 = arith.constant 2 : i32
        %dma_wait3A_329 = arith.constant 0 : i32
        %dma_wait3A_330 = arith.constant 0 : i32
        %dma_wait3A_331 = arith.constant 0 : i32
        %dma_wait3A_332 = tpu.memref_slice %arg8[%dma_wait3A_328, %dma_wait3A_330, %dma_wait3A_331] : memref<4x128x32xf32, #tpu.memory_space<vmem>> -> memref<1x128x32xf32, #tpu.memory_space<vmem>>
        %dma_wait3A_333 = tpu.memref_squeeze %dma_wait3A_332 : memref<1x128x32xf32, #tpu.memory_space<vmem>> -> memref<128x32xf32, #tpu.memory_space<vmem>>
        %dma_wait3A_334 = arith.constant 0 : i32
        %dma_wait3A_335 = tpu.memref_slice %arg7[%dma_wait3A_329, %dma_wait3A_334] : memref<80x128xi32, #tpu.memory_space<vmem>> -> memref<1x128xi32, #tpu.memory_space<vmem>>
        %dma_wait3A_336 = tpu.memref_squeeze %dma_wait3A_335 : memref<1x128xi32, #tpu.memory_space<vmem>> -> memref<128xi32, #tpu.memory_space<vmem>>
        %dma_wait3A_337 = arith.constant 0 : i32
        %dma_wait3A_338 = arith.constant 0 : i32
        %dma_wait3A_339 = tpu.memref_slice %arg12[%dma_wait3A_337, %dma_wait3A_338] : memref<10240x32xf32, #tpu.memory_space<vmem_shared>> -> memref<10240x32xf32, #tpu.memory_space<vmem_shared>>
        tpu.wait_indirect_dma semaphore(%arg19 : memref<!tpu.dma_semaphore, #tpu.memory_space<semaphore_mem>>) src(%dma_wait3A_333 : memref<128x32xf32, #tpu.memory_space<vmem>>) dst(%dma_wait3A_339 : memref<10240x32xf32, #tpu.memory_space<vmem_shared>>)
      } else {
      }
      %mul3A_135 = arith.constant 4 : i32
      %mul3A_136 = arith.muli %mul3A_135, %scan3A_131 : i32
      %add3A_137 = arith.constant 0 : i32
      %add3A_138 = arith.addi %mul3A_136, %add3A_137 : i32
      %add3A_139 = arith.constant 2 : i32
      %add3A_140 = arith.addi %add3A_138, %add3A_139 : i32
      %dma_start3A_141 = arith.constant 2 : i32
      %dma_start3A_142 = arith.constant 0 : i32
      %dma_start3A_143 = arith.constant 0 : i32
      %dma_start3A_144 = tpu.memref_slice %arg8[%dma_start3A_141, %dma_start3A_142, %dma_start3A_143] : memref<4x128x32xf32, #tpu.memory_space<vmem>> -> memref<1x128x32xf32, #tpu.memory_space<vmem>>
      %dma_start3A_145 = tpu.memref_squeeze %dma_start3A_144 : memref<1x128x32xf32, #tpu.memory_space<vmem>> -> memref<128x32xf32, #tpu.memory_space<vmem>>
      %dma_start3A_146 = arith.constant 0 : i32
      %dma_start3A_147 = tpu.memref_slice %arg6[%add3A_140, %dma_start3A_146] : memref<80x128xi32, #tpu.memory_space<vmem>> -> memref<1x128xi32, #tpu.memory_space<vmem>>
      %dma_start3A_148 = tpu.memref_squeeze %dma_start3A_147 : memref<1x128xi32, #tpu.memory_space<vmem>> -> memref<128xi32, #tpu.memory_space<vmem>>
      %dma_start3A_149 = arith.constant 0 : i32
      %dma_start3A_150 = arith.constant 0 : i32
      %dma_start3A_151 = tpu.memref_slice %arg11[%dma_start3A_149, %dma_start3A_150] : memref<10240x32xf32, #tpu.memory_space<vmem_shared>> -> memref<10240x32xf32, #tpu.memory_space<vmem_shared>>
      tpu.enqueue_indirect_dma source(%dma_start3A_151 : memref<10240x32xf32, #tpu.memory_space<vmem_shared>>) target(%dma_start3A_145 : memref<128x32xf32, #tpu.memory_space<vmem>>) offsets(%dma_start3A_148 : memref<128xi32, #tpu.memory_space<vmem>>) semaphore(%arg15 : memref<!tpu.dma_semaphore, #tpu.memory_space<semaphore_mem>>)
      %mul3A_152 = arith.constant 4 : i32
      %mul3A_153 = arith.muli %mul3A_152, %scan3A_131 : i32
      %add3A_154 = arith.constant 0 : i32
      %add3A_155 = arith.addi %mul3A_153, %add3A_154 : i32
      %dma_wait3A_156 = arith.constant 0 : i32
      %dma_wait3A_157 = arith.constant 0 : i32
      %dma_wait3A_158 = arith.constant 0 : i32
      %dma_wait3A_159 = tpu.memref_slice %arg8[%dma_wait3A_156, %dma_wait3A_157, %dma_wait3A_158] : memref<4x128x32xf32, #tpu.memory_space<vmem>> -> memref<1x128x32xf32, #tpu.memory_space<vmem>>
      %dma_wait3A_160 = tpu.memref_squeeze %dma_wait3A_159 : memref<1x128x32xf32, #tpu.memory_space<vmem>> -> memref<128x32xf32, #tpu.memory_space<vmem>>
      %dma_wait3A_161 = arith.constant 0 : i32
      %dma_wait3A_162 = tpu.memref_slice %arg6[%add3A_155, %dma_wait3A_161] : memref<80x128xi32, #tpu.memory_space<vmem>> -> memref<1x128xi32, #tpu.memory_space<vmem>>
      %dma_wait3A_163 = tpu.memref_squeeze %dma_wait3A_162 : memref<1x128xi32, #tpu.memory_space<vmem>> -> memref<128xi32, #tpu.memory_space<vmem>>
      %dma_wait3A_164 = arith.constant 0 : i32
      %dma_wait3A_165 = arith.constant 0 : i32
      %dma_wait3A_166 = tpu.memref_slice %arg11[%dma_wait3A_164, %dma_wait3A_165] : memref<10240x32xf32, #tpu.memory_space<vmem_shared>> -> memref<10240x32xf32, #tpu.memory_space<vmem_shared>>
      tpu.wait_indirect_dma semaphore(%arg13 : memref<!tpu.dma_semaphore, #tpu.memory_space<semaphore_mem>>) src(%dma_wait3A_166 : memref<10240x32xf32, #tpu.memory_space<vmem_shared>>) dst(%dma_wait3A_160 : memref<128x32xf32, #tpu.memory_space<vmem>>)
      %mul3A_167 = arith.constant 4 : i32
      %mul3A_168 = arith.muli %mul3A_167, %scan3A_131 : i32
      %add3A_169 = arith.constant 0 : i32
      %add3A_170 = arith.addi %mul3A_168, %add3A_169 : i32
      %dma_start3A_171 = arith.constant 0 : i32
      %dma_start3A_172 = arith.constant 0 : i32
      %dma_start3A_173 = arith.constant 0 : i32
      %dma_start3A_174 = tpu.memref_slice %arg8[%dma_start3A_171, %dma_start3A_172, %dma_start3A_173] : memref<4x128x32xf32, #tpu.memory_space<vmem>> -> memref<1x128x32xf32, #tpu.memory_space<vmem>>
      %dma_start3A_175 = tpu.memref_squeeze %dma_start3A_174 : memref<1x128x32xf32, #tpu.memory_space<vmem>> -> memref<128x32xf32, #tpu.memory_space<vmem>>
      %dma_start3A_176 = arith.constant 0 : i32
      %dma_start3A_177 = tpu.memref_slice %arg7[%add3A_170, %dma_start3A_176] : memref<80x128xi32, #tpu.memory_space<vmem>> -> memref<1x128xi32, #tpu.memory_space<vmem>>
      %dma_start3A_178 = tpu.memref_squeeze %dma_start3A_177 : memref<1x128xi32, #tpu.memory_space<vmem>> -> memref<128xi32, #tpu.memory_space<vmem>>
      %dma_start3A_179 = arith.constant 0 : i32
      %dma_start3A_180 = arith.constant 0 : i32
      %dma_start3A_181 = tpu.memref_slice %arg12[%dma_start3A_179, %dma_start3A_180] : memref<10240x32xf32, #tpu.memory_space<vmem_shared>> -> memref<10240x32xf32, #tpu.memory_space<vmem_shared>>
      tpu.enqueue_indirect_dma source(%dma_start3A_175 : memref<128x32xf32, #tpu.memory_space<vmem>>) target(%dma_start3A_181 : memref<10240x32xf32, #tpu.memory_space<vmem_shared>>) offsets(%dma_start3A_178 : memref<128xi32, #tpu.memory_space<vmem>>) semaphore(%arg17 : memref<!tpu.dma_semaphore, #tpu.memory_space<semaphore_mem>>) {add = true}
      %gt3A_182 = arith.constant 0 : i32
      %gt3A_183 = arith.cmpi sgt, %scan3A_131, %gt3A_182 : i32
      %convert_element_type3A_184 = arith.extui %gt3A_183 : i1 to i32
      %cond3A_185 = arith.constant 0 : i32
      %cond3A_186 = arith.cmpi ne, %convert_element_type3A_184, %cond3A_185 : i32
      scf.if %cond3A_186 {
        %dma_wait3A_328 = arith.constant 3 : i32
        %dma_wait3A_329 = arith.constant 0 : i32
        %dma_wait3A_330 = arith.constant 0 : i32
        %dma_wait3A_331 = arith.constant 0 : i32
        %dma_wait3A_332 = tpu.memref_slice %arg8[%dma_wait3A_328, %dma_wait3A_330, %dma_wait3A_331] : memref<4x128x32xf32, #tpu.memory_space<vmem>> -> memref<1x128x32xf32, #tpu.memory_space<vmem>>
        %dma_wait3A_333 = tpu.memref_squeeze %dma_wait3A_332 : memref<1x128x32xf32, #tpu.memory_space<vmem>> -> memref<128x32xf32, #tpu.memory_space<vmem>>
        %dma_wait3A_334 = arith.constant 0 : i32
        %dma_wait3A_335 = tpu.memref_slice %arg7[%dma_wait3A_329, %dma_wait3A_334] : memref<80x128xi32, #tpu.memory_space<vmem>> -> memref<1x128xi32, #tpu.memory_space<vmem>>
        %dma_wait3A_336 = tpu.memref_squeeze %dma_wait3A_335 : memref<1x128xi32, #tpu.memory_space<vmem>> -> memref<128xi32, #tpu.memory_space<vmem>>
        %dma_wait3A_337 = arith.constant 0 : i32
        %dma_wait3A_338 = arith.constant 0 : i32
        %dma_wait3A_339 = tpu.memref_slice %arg12[%dma_wait3A_337, %dma_wait3A_338] : memref<10240x32xf32, #tpu.memory_space<vmem_shared>> -> memref<10240x32xf32, #tpu.memory_space<vmem_shared>>
        tpu.wait_indirect_dma semaphore(%arg20 : memref<!tpu.dma_semaphore, #tpu.memory_space<semaphore_mem>>) src(%dma_wait3A_333 : memref<128x32xf32, #tpu.memory_space<vmem>>) dst(%dma_wait3A_339 : memref<10240x32xf32, #tpu.memory_space<vmem_shared>>)
      } else {
      }
      %mul3A_187 = arith.constant 4 : i32
      %mul3A_188 = arith.muli %mul3A_187, %scan3A_131 : i32
      %add3A_189 = arith.constant 1 : i32
      %add3A_190 = arith.addi %mul3A_188, %add3A_189 : i32
      %add3A_191 = arith.constant 2 : i32
      %add3A_192 = arith.addi %add3A_190, %add3A_191 : i32
      %dma_start3A_193 = arith.constant 3 : i32
      %dma_start3A_194 = arith.constant 0 : i32
      %dma_start3A_195 = arith.constant 0 : i32
      %dma_start3A_196 = tpu.memref_slice %arg8[%dma_start3A_193, %dma_start3A_194, %dma_start3A_195] : memref<4x128x32xf32, #tpu.memory_space<vmem>> -> memref<1x128x32xf32, #tpu.memory_space<vmem>>
      %dma_start3A_197 = tpu.memref_squeeze %dma_start3A_196 : memref<1x128x32xf32, #tpu.memory_space<vmem>> -> memref<128x32xf32, #tpu.memory_space<vmem>>
      %dma_start3A_198 = arith.constant 0 : i32
      %dma_start3A_199 = tpu.memref_slice %arg6[%add3A_192, %dma_start3A_198] : memref<80x128xi32, #tpu.memory_space<vmem>> -> memref<1x128xi32, #tpu.memory_space<vmem>>
      %dma_start3A_200 = tpu.memref_squeeze %dma_start3A_199 : memref<1x128xi32, #tpu.memory_space<vmem>> -> memref<128xi32, #tpu.memory_space<vmem>>
      %dma_start3A_201 = arith.constant 0 : i32
      %dma_start3A_202 = arith.constant 0 : i32
      %dma_start3A_203 = tpu.memref_slice %arg11[%dma_start3A_201, %dma_start3A_202] : memref<10240x32xf32, #tpu.memory_space<vmem_shared>> -> memref<10240x32xf32, #tpu.memory_space<vmem_shared>>
      tpu.enqueue_indirect_dma source(%dma_start3A_203 : memref<10240x32xf32, #tpu.memory_space<vmem_shared>>) target(%dma_start3A_197 : memref<128x32xf32, #tpu.memory_space<vmem>>) offsets(%dma_start3A_200 : memref<128xi32, #tpu.memory_space<vmem>>) semaphore(%arg16 : memref<!tpu.dma_semaphore, #tpu.memory_space<semaphore_mem>>)
      %mul3A_204 = arith.constant 4 : i32
      %mul3A_205 = arith.muli %mul3A_204, %scan3A_131 : i32
      %add3A_206 = arith.constant 1 : i32
      %add3A_207 = arith.addi %mul3A_205, %add3A_206 : i32
      %dma_wait3A_208 = arith.constant 1 : i32
      %dma_wait3A_209 = arith.constant 0 : i32
      %dma_wait3A_210 = arith.constant 0 : i32
      %dma_wait3A_211 = tpu.memref_slice %arg8[%dma_wait3A_208, %dma_wait3A_209, %dma_wait3A_210] : memref<4x128x32xf32, #tpu.memory_space<vmem>> -> memref<1x128x32xf32, #tpu.memory_space<vmem>>
      %dma_wait3A_212 = tpu.memref_squeeze %dma_wait3A_211 : memref<1x128x32xf32, #tpu.memory_space<vmem>> -> memref<128x32xf32, #tpu.memory_space<vmem>>
      %dma_wait3A_213 = arith.constant 0 : i32
      %dma_wait3A_214 = tpu.memref_slice %arg6[%add3A_207, %dma_wait3A_213] : memref<80x128xi32, #tpu.memory_space<vmem>> -> memref<1x128xi32, #tpu.memory_space<vmem>>
      %dma_wait3A_215 = tpu.memref_squeeze %dma_wait3A_214 : memref<1x128xi32, #tpu.memory_space<vmem>> -> memref<128xi32, #tpu.memory_space<vmem>>
      %dma_wait3A_216 = arith.constant 0 : i32
      %dma_wait3A_217 = arith.constant 0 : i32
      %dma_wait3A_218 = tpu.memref_slice %arg11[%dma_wait3A_216, %dma_wait3A_217] : memref<10240x32xf32, #tpu.memory_space<vmem_shared>> -> memref<10240x32xf32, #tpu.memory_space<vmem_shared>>
      tpu.wait_indirect_dma semaphore(%arg14 : memref<!tpu.dma_semaphore, #tpu.memory_space<semaphore_mem>>) src(%dma_wait3A_218 : memref<10240x32xf32, #tpu.memory_space<vmem_shared>>) dst(%dma_wait3A_212 : memref<128x32xf32, #tpu.memory_space<vmem>>)
      %mul3A_219 = arith.constant 4 : i32
      %mul3A_220 = arith.muli %mul3A_219, %scan3A_131 : i32
      %add3A_221 = arith.constant 1 : i32
      %add3A_222 = arith.addi %mul3A_220, %add3A_221 : i32
      %dma_start3A_223 = arith.constant 1 : i32
      %dma_start3A_224 = arith.constant 0 : i32
      %dma_start3A_225 = arith.constant 0 : i32
      %dma_start3A_226 = tpu.memref_slice %arg8[%dma_start3A_223, %dma_start3A_224, %dma_start3A_225] : memref<4x128x32xf32, #tpu.memory_space<vmem>> -> memref<1x128x32xf32, #tpu.memory_space<vmem>>
      %dma_start3A_227 = tpu.memref_squeeze %dma_start3A_226 : memref<1x128x32xf32, #tpu.memory_space<vmem>> -> memref<128x32xf32, #tpu.memory_space<vmem>>
      %dma_start3A_228 = arith.constant 0 : i32
      %dma_start3A_229 = tpu.memref_slice %arg7[%add3A_222, %dma_start3A_228] : memref<80x128xi32, #tpu.memory_space<vmem>> -> memref<1x128xi32, #tpu.memory_space<vmem>>
      %dma_start3A_230 = tpu.memref_squeeze %dma_start3A_229 : memref<1x128xi32, #tpu.memory_space<vmem>> -> memref<128xi32, #tpu.memory_space<vmem>>
      %dma_start3A_231 = arith.constant 0 : i32
      %dma_start3A_232 = arith.constant 0 : i32
      %dma_start3A_233 = tpu.memref_slice %arg12[%dma_start3A_231, %dma_start3A_232] : memref<10240x32xf32, #tpu.memory_space<vmem_shared>> -> memref<10240x32xf32, #tpu.memory_space<vmem_shared>>
      tpu.enqueue_indirect_dma source(%dma_start3A_227 : memref<128x32xf32, #tpu.memory_space<vmem>>) target(%dma_start3A_233 : memref<10240x32xf32, #tpu.memory_space<vmem_shared>>) offsets(%dma_start3A_230 : memref<128xi32, #tpu.memory_space<vmem>>) semaphore(%arg18 : memref<!tpu.dma_semaphore, #tpu.memory_space<semaphore_mem>>) {add = true}
      %dma_wait3A_234 = arith.constant 0 : i32
      %dma_wait3A_235 = arith.constant 0 : i32
      %dma_wait3A_236 = arith.constant 0 : i32
      %dma_wait3A_237 = arith.constant 0 : i32
      %dma_wait3A_238 = tpu.memref_slice %arg8[%dma_wait3A_234, %dma_wait3A_236, %dma_wait3A_237] : memref<4x128x32xf32, #tpu.memory_space<vmem>> -> memref<1x128x32xf32, #tpu.memory_space<vmem>>
      %dma_wait3A_239 = tpu.memref_squeeze %dma_wait3A_238 : memref<1x128x32xf32, #tpu.memory_space<vmem>> -> memref<128x32xf32, #tpu.memory_space<vmem>>
      %dma_wait3A_240 = arith.constant 0 : i32
      %dma_wait3A_241 = tpu.memref_slice %arg7[%dma_wait3A_235, %dma_wait3A_240] : memref<80x128xi32, #tpu.memory_space<vmem>> -> memref<1x128xi32, #tpu.memory_space<vmem>>
      %dma_wait3A_242 = tpu.memref_squeeze %dma_wait3A_241 : memref<1x128xi32, #tpu.memory_space<vmem>> -> memref<128xi32, #tpu.memory_space<vmem>>
      %dma_wait3A_243 = arith.constant 0 : i32
      %dma_wait3A_244 = arith.constant 0 : i32
      %dma_wait3A_245 = tpu.memref_slice %arg12[%dma_wait3A_243, %dma_wait3A_244] : memref<10240x32xf32, #tpu.memory_space<vmem_shared>> -> memref<10240x32xf32, #tpu.memory_space<vmem_shared>>
      tpu.wait_indirect_dma semaphore(%arg17 : memref<!tpu.dma_semaphore, #tpu.memory_space<semaphore_mem>>) src(%dma_wait3A_239 : memref<128x32xf32, #tpu.memory_space<vmem>>) dst(%dma_wait3A_245 : memref<10240x32xf32, #tpu.memory_space<vmem_shared>>)
      %lt3A = arith.constant 19 : i32
      %lt3A_246 = arith.cmpi slt, %scan3A_131, %lt3A : i32
      %convert_element_type3A_247 = arith.extui %lt3A_246 : i1 to i32
      %cond3A_248 = arith.constant 0 : i32
      %cond3A_249 = arith.cmpi ne, %convert_element_type3A_247, %cond3A_248 : i32
      scf.if %cond3A_249 {
        %mul3A_328 = arith.constant 4 : i32
        %mul3A_329 = arith.muli %mul3A_328, %scan3A_131 : i32
        %add3A_330 = arith.constant 2 : i32
        %add3A_331 = arith.addi %mul3A_329, %add3A_330 : i32
        %add3A_332 = arith.constant 2 : i32
        %add3A_333 = arith.addi %add3A_331, %add3A_332 : i32
        %dma_start3A_334 = arith.constant 0 : i32
        %dma_start3A_335 = arith.constant 0 : i32
        %dma_start3A_336 = arith.constant 0 : i32
        %dma_start3A_337 = tpu.memref_slice %arg8[%dma_start3A_334, %dma_start3A_335, %dma_start3A_336] : memref<4x128x32xf32, #tpu.memory_space<vmem>> -> memref<1x128x32xf32, #tpu.memory_space<vmem>>
        %dma_start3A_338 = tpu.memref_squeeze %dma_start3A_337 : memref<1x128x32xf32, #tpu.memory_space<vmem>> -> memref<128x32xf32, #tpu.memory_space<vmem>>
        %dma_start3A_339 = arith.constant 0 : i32
        %dma_start3A_340 = tpu.memref_slice %arg6[%add3A_333, %dma_start3A_339] : memref<80x128xi32, #tpu.memory_space<vmem>> -> memref<1x128xi32, #tpu.memory_space<vmem>>
        %dma_start3A_341 = tpu.memref_squeeze %dma_start3A_340 : memref<1x128xi32, #tpu.memory_space<vmem>> -> memref<128xi32, #tpu.memory_space<vmem>>
        %dma_start3A_342 = arith.constant 0 : i32
        %dma_start3A_343 = arith.constant 0 : i32
        %dma_start3A_344 = tpu.memref_slice %arg11[%dma_start3A_342, %dma_start3A_343] : memref<10240x32xf32, #tpu.memory_space<vmem_shared>> -> memref<10240x32xf32, #tpu.memory_space<vmem_shared>>
        tpu.enqueue_indirect_dma source(%dma_start3A_344 : memref<10240x32xf32, #tpu.memory_space<vmem_shared>>) target(%dma_start3A_338 : memref<128x32xf32, #tpu.memory_space<vmem>>) offsets(%dma_start3A_341 : memref<128xi32, #tpu.memory_space<vmem>>) semaphore(%arg13 : memref<!tpu.dma_semaphore, #tpu.memory_space<semaphore_mem>>)
      } else {
      }
      %mul3A_250 = arith.constant 4 : i32
      %mul3A_251 = arith.muli %mul3A_250, %scan3A_131 : i32
      %add3A_252 = arith.constant 2 : i32
      %add3A_253 = arith.addi %mul3A_251, %add3A_252 : i32
      %dma_wait3A_254 = arith.constant 2 : i32
      %dma_wait3A_255 = arith.constant 0 : i32
      %dma_wait3A_256 = arith.constant 0 : i32
      %dma_wait3A_257 = tpu.memref_slice %arg8[%dma_wait3A_254, %dma_wait3A_255, %dma_wait3A_256] : memref<4x128x32xf32, #tpu.memory_space<vmem>> -> memref<1x128x32xf32, #tpu.memory_space<vmem>>
      %dma_wait3A_258 = tpu.memref_squeeze %dma_wait3A_257 : memref<1x128x32xf32, #tpu.memory_space<vmem>> -> memref<128x32xf32, #tpu.memory_space<vmem>>
      %dma_wait3A_259 = arith.constant 0 : i32
      %dma_wait3A_260 = tpu.memref_slice %arg6[%add3A_253, %dma_wait3A_259] : memref<80x128xi32, #tpu.memory_space<vmem>> -> memref<1x128xi32, #tpu.memory_space<vmem>>
      %dma_wait3A_261 = tpu.memref_squeeze %dma_wait3A_260 : memref<1x128xi32, #tpu.memory_space<vmem>> -> memref<128xi32, #tpu.memory_space<vmem>>
      %dma_wait3A_262 = arith.constant 0 : i32
      %dma_wait3A_263 = arith.constant 0 : i32
      %dma_wait3A_264 = tpu.memref_slice %arg11[%dma_wait3A_262, %dma_wait3A_263] : memref<10240x32xf32, #tpu.memory_space<vmem_shared>> -> memref<10240x32xf32, #tpu.memory_space<vmem_shared>>
      tpu.wait_indirect_dma semaphore(%arg15 : memref<!tpu.dma_semaphore, #tpu.memory_space<semaphore_mem>>) src(%dma_wait3A_264 : memref<10240x32xf32, #tpu.memory_space<vmem_shared>>) dst(%dma_wait3A_258 : memref<128x32xf32, #tpu.memory_space<vmem>>)
      %mul3A_265 = arith.constant 4 : i32
      %mul3A_266 = arith.muli %mul3A_265, %scan3A_131 : i32
      %add3A_267 = arith.constant 2 : i32
      %add3A_268 = arith.addi %mul3A_266, %add3A_267 : i32
      %dma_start3A_269 = arith.constant 2 : i32
      %dma_start3A_270 = arith.constant 0 : i32
      %dma_start3A_271 = arith.constant 0 : i32
      %dma_start3A_272 = tpu.memref_slice %arg8[%dma_start3A_269, %dma_start3A_270, %dma_start3A_271] : memref<4x128x32xf32, #tpu.memory_space<vmem>> -> memref<1x128x32xf32, #tpu.memory_space<vmem>>
      %dma_start3A_273 = tpu.memref_squeeze %dma_start3A_272 : memref<1x128x32xf32, #tpu.memory_space<vmem>> -> memref<128x32xf32, #tpu.memory_space<vmem>>
      %dma_start3A_274 = arith.constant 0 : i32
      %dma_start3A_275 = tpu.memref_slice %arg7[%add3A_268, %dma_start3A_274] : memref<80x128xi32, #tpu.memory_space<vmem>> -> memref<1x128xi32, #tpu.memory_space<vmem>>
      %dma_start3A_276 = tpu.memref_squeeze %dma_start3A_275 : memref<1x128xi32, #tpu.memory_space<vmem>> -> memref<128xi32, #tpu.memory_space<vmem>>
      %dma_start3A_277 = arith.constant 0 : i32
      %dma_start3A_278 = arith.constant 0 : i32
      %dma_start3A_279 = tpu.memref_slice %arg12[%dma_start3A_277, %dma_start3A_278] : memref<10240x32xf32, #tpu.memory_space<vmem_shared>> -> memref<10240x32xf32, #tpu.memory_space<vmem_shared>>
      tpu.enqueue_indirect_dma source(%dma_start3A_273 : memref<128x32xf32, #tpu.memory_space<vmem>>) target(%dma_start3A_279 : memref<10240x32xf32, #tpu.memory_space<vmem_shared>>) offsets(%dma_start3A_276 : memref<128xi32, #tpu.memory_space<vmem>>) semaphore(%arg19 : memref<!tpu.dma_semaphore, #tpu.memory_space<semaphore_mem>>) {add = true}
      %dma_wait3A_280 = arith.constant 1 : i32
      %dma_wait3A_281 = arith.constant 0 : i32
      %dma_wait3A_282 = arith.constant 0 : i32
      %dma_wait3A_283 = arith.constant 0 : i32
      %dma_wait3A_284 = tpu.memref_slice %arg8[%dma_wait3A_280, %dma_wait3A_282, %dma_wait3A_283] : memref<4x128x32xf32, #tpu.memory_space<vmem>> -> memref<1x128x32xf32, #tpu.memory_space<vmem>>
      %dma_wait3A_285 = tpu.memref_squeeze %dma_wait3A_284 : memref<1x128x32xf32, #tpu.memory_space<vmem>> -> memref<128x32xf32, #tpu.memory_space<vmem>>
      %dma_wait3A_286 = arith.constant 0 : i32
      %dma_wait3A_287 = tpu.memref_slice %arg7[%dma_wait3A_281, %dma_wait3A_286] : memref<80x128xi32, #tpu.memory_space<vmem>> -> memref<1x128xi32, #tpu.memory_space<vmem>>
      %dma_wait3A_288 = tpu.memref_squeeze %dma_wait3A_287 : memref<1x128xi32, #tpu.memory_space<vmem>> -> memref<128xi32, #tpu.memory_space<vmem>>
      %dma_wait3A_289 = arith.constant 0 : i32
      %dma_wait3A_290 = arith.constant 0 : i32
      %dma_wait3A_291 = tpu.memref_slice %arg12[%dma_wait3A_289, %dma_wait3A_290] : memref<10240x32xf32, #tpu.memory_space<vmem_shared>> -> memref<10240x32xf32, #tpu.memory_space<vmem_shared>>
      tpu.wait_indirect_dma semaphore(%arg18 : memref<!tpu.dma_semaphore, #tpu.memory_space<semaphore_mem>>) src(%dma_wait3A_285 : memref<128x32xf32, #tpu.memory_space<vmem>>) dst(%dma_wait3A_291 : memref<10240x32xf32, #tpu.memory_space<vmem_shared>>)
      %lt3A_292 = arith.constant 19 : i32
      %lt3A_293 = arith.cmpi slt, %scan3A_131, %lt3A_292 : i32
      %convert_element_type3A_294 = arith.extui %lt3A_293 : i1 to i32
      %cond3A_295 = arith.constant 0 : i32
      %cond3A_296 = arith.cmpi ne, %convert_element_type3A_294, %cond3A_295 : i32
      scf.if %cond3A_296 {
        %mul3A_328 = arith.constant 4 : i32
        %mul3A_329 = arith.muli %mul3A_328, %scan3A_131 : i32
        %add3A_330 = arith.constant 3 : i32
        %add3A_331 = arith.addi %mul3A_329, %add3A_330 : i32
        %add3A_332 = arith.constant 2 : i32
        %add3A_333 = arith.addi %add3A_331, %add3A_332 : i32
        %dma_start3A_334 = arith.constant 1 : i32
        %dma_start3A_335 = arith.constant 0 : i32
        %dma_start3A_336 = arith.constant 0 : i32
        %dma_start3A_337 = tpu.memref_slice %arg8[%dma_start3A_334, %dma_start3A_335, %dma_start3A_336] : memref<4x128x32xf32, #tpu.memory_space<vmem>> -> memref<1x128x32xf32, #tpu.memory_space<vmem>>
        %dma_start3A_338 = tpu.memref_squeeze %dma_start3A_337 : memref<1x128x32xf32, #tpu.memory_space<vmem>> -> memref<128x32xf32, #tpu.memory_space<vmem>>
        %dma_start3A_339 = arith.constant 0 : i32
        %dma_start3A_340 = tpu.memref_slice %arg6[%add3A_333, %dma_start3A_339] : memref<80x128xi32, #tpu.memory_space<vmem>> -> memref<1x128xi32, #tpu.memory_space<vmem>>
        %dma_start3A_341 = tpu.memref_squeeze %dma_start3A_340 : memref<1x128xi32, #tpu.memory_space<vmem>> -> memref<128xi32, #tpu.memory_space<vmem>>
        %dma_start3A_342 = arith.constant 0 : i32
        %dma_start3A_343 = arith.constant 0 : i32
        %dma_start3A_344 = tpu.memref_slice %arg11[%dma_start3A_342, %dma_start3A_343] : memref<10240x32xf32, #tpu.memory_space<vmem_shared>> -> memref<10240x32xf32, #tpu.memory_space<vmem_shared>>
        tpu.enqueue_indirect_dma source(%dma_start3A_344 : memref<10240x32xf32, #tpu.memory_space<vmem_shared>>) target(%dma_start3A_338 : memref<128x32xf32, #tpu.memory_space<vmem>>) offsets(%dma_start3A_341 : memref<128xi32, #tpu.memory_space<vmem>>) semaphore(%arg14 : memref<!tpu.dma_semaphore, #tpu.memory_space<semaphore_mem>>)
      } else {
      }
      %mul3A_297 = arith.constant 4 : i32
      %mul3A_298 = arith.muli %mul3A_297, %scan3A_131 : i32
      %add3A_299 = arith.constant 3 : i32
      %add3A_300 = arith.addi %mul3A_298, %add3A_299 : i32
      %dma_wait3A_301 = arith.constant 3 : i32
      %dma_wait3A_302 = arith.constant 0 : i32
      %dma_wait3A_303 = arith.constant 0 : i32
      %dma_wait3A_304 = tpu.memref_slice %arg8[%dma_wait3A_301, %dma_wait3A_302, %dma_wait3A_303] : memref<4x128x32xf32, #tpu.memory_space<vmem>> -> memref<1x128x32xf32, #tpu.memory_space<vmem>>
      %dma_wait3A_305 = tpu.memref_squeeze %dma_wait3A_304 : memref<1x128x32xf32, #tpu.memory_space<vmem>> -> memref<128x32xf32, #tpu.memory_space<vmem>>
      %dma_wait3A_306 = arith.constant 0 : i32
      %dma_wait3A_307 = tpu.memref_slice %arg6[%add3A_300, %dma_wait3A_306] : memref<80x128xi32, #tpu.memory_space<vmem>> -> memref<1x128xi32, #tpu.memory_space<vmem>>
      %dma_wait3A_308 = tpu.memref_squeeze %dma_wait3A_307 : memref<1x128xi32, #tpu.memory_space<vmem>> -> memref<128xi32, #tpu.memory_space<vmem>>
      %dma_wait3A_309 = arith.constant 0 : i32
      %dma_wait3A_310 = arith.constant 0 : i32
      %dma_wait3A_311 = tpu.memref_slice %arg11[%dma_wait3A_309, %dma_wait3A_310] : memref<10240x32xf32, #tpu.memory_space<vmem_shared>> -> memref<10240x32xf32, #tpu.memory_space<vmem_shared>>
      tpu.wait_indirect_dma semaphore(%arg16 : memref<!tpu.dma_semaphore, #tpu.memory_space<semaphore_mem>>) src(%dma_wait3A_311 : memref<10240x32xf32, #tpu.memory_space<vmem_shared>>) dst(%dma_wait3A_305 : memref<128x32xf32, #tpu.memory_space<vmem>>)
      %mul3A_312 = arith.constant 4 : i32
      %mul3A_313 = arith.muli %mul3A_312, %scan3A_131 : i32
      %add3A_314 = arith.constant 3 : i32
      %add3A_315 = arith.addi %mul3A_313, %add3A_314 : i32
      %dma_start3A_316 = arith.constant 3 : i32
      %dma_start3A_317 = arith.constant 0 : i32
      %dma_start3A_318 = arith.constant 0 : i32
      %dma_start3A_319 = tpu.memref_slice %arg8[%dma_start3A_316, %dma_start3A_317, %dma_start3A_318] : memref<4x128x32xf32, #tpu.memory_space<vmem>> -> memref<1x128x32xf32, #tpu.memory_space<vmem>>
      %dma_start3A_320 = tpu.memref_squeeze %dma_start3A_319 : memref<1x128x32xf32, #tpu.memory_space<vmem>> -> memref<128x32xf32, #tpu.memory_space<vmem>>
      %dma_start3A_321 = arith.constant 0 : i32
      %dma_start3A_322 = tpu.memref_slice %arg7[%add3A_315, %dma_start3A_321] : memref<80x128xi32, #tpu.memory_space<vmem>> -> memref<1x128xi32, #tpu.memory_space<vmem>>
      %dma_start3A_323 = tpu.memref_squeeze %dma_start3A_322 : memref<1x128xi32, #tpu.memory_space<vmem>> -> memref<128xi32, #tpu.memory_space<vmem>>
      %dma_start3A_324 = arith.constant 0 : i32
      %dma_start3A_325 = arith.constant 0 : i32
      %dma_start3A_326 = tpu.memref_slice %arg12[%dma_start3A_324, %dma_start3A_325] : memref<10240x32xf32, #tpu.memory_space<vmem_shared>> -> memref<10240x32xf32, #tpu.memory_space<vmem_shared>>
      tpu.enqueue_indirect_dma source(%dma_start3A_320 : memref<128x32xf32, #tpu.memory_space<vmem>>) target(%dma_start3A_326 : memref<10240x32xf32, #tpu.memory_space<vmem_shared>>) offsets(%dma_start3A_323 : memref<128xi32, #tpu.memory_space<vmem>>) semaphore(%arg20 : memref<!tpu.dma_semaphore, #tpu.memory_space<semaphore_mem>>) {add = true}
      %scan3A_327 = arith.constant 0 : i32
      scf.yield %scan3A_327 : i32
    }
    %scan3A_101 = arith.constant 20 : i32
    %dma_wait3A_102 = arith.constant 2 : i32
    %dma_wait3A_103 = arith.constant 0 : i32
    %dma_wait3A_104 = arith.constant 0 : i32
    %dma_wait3A_105 = arith.constant 0 : i32
    %dma_wait3A_106 = tpu.memref_slice %arg8[%dma_wait3A_102, %dma_wait3A_104, %dma_wait3A_105] : memref<4x128x32xf32, #tpu.memory_space<vmem>> -> memref<1x128x32xf32, #tpu.memory_space<vmem>>
    %dma_wait3A_107 = tpu.memref_squeeze %dma_wait3A_106 : memref<1x128x32xf32, #tpu.memory_space<vmem>> -> memref<128x32xf32, #tpu.memory_space<vmem>>
    %dma_wait3A_108 = arith.constant 0 : i32
    %dma_wait3A_109 = tpu.memref_slice %arg7[%dma_wait3A_103, %dma_wait3A_108] : memref<80x128xi32, #tpu.memory_space<vmem>> -> memref<1x128xi32, #tpu.memory_space<vmem>>
    %dma_wait3A_110 = tpu.memref_squeeze %dma_wait3A_109 : memref<1x128xi32, #tpu.memory_space<vmem>> -> memref<128xi32, #tpu.memory_space<vmem>>
    %dma_wait3A_111 = arith.constant 0 : i32
    %dma_wait3A_112 = arith.constant 0 : i32
    %dma_wait3A_113 = tpu.memref_slice %arg12[%dma_wait3A_111, %dma_wait3A_112] : memref<10240x32xf32, #tpu.memory_space<vmem_shared>> -> memref<10240x32xf32, #tpu.memory_space<vmem_shared>>
    tpu.wait_indirect_dma semaphore(%arg19 : memref<!tpu.dma_semaphore, #tpu.memory_space<semaphore_mem>>) src(%dma_wait3A_107 : memref<128x32xf32, #tpu.memory_space<vmem>>) dst(%dma_wait3A_113 : memref<10240x32xf32, #tpu.memory_space<vmem_shared>>)
    %dma_wait3A_114 = arith.constant 3 : i32
    %dma_wait3A_115 = arith.constant 0 : i32
    %dma_wait3A_116 = arith.constant 0 : i32
    %dma_wait3A_117 = arith.constant 0 : i32
    %dma_wait3A_118 = tpu.memref_slice %arg8[%dma_wait3A_114, %dma_wait3A_116, %dma_wait3A_117] : memref<4x128x32xf32, #tpu.memory_space<vmem>> -> memref<1x128x32xf32, #tpu.memory_space<vmem>>
    %dma_wait3A_119 = tpu.memref_squeeze %dma_wait3A_118 : memref<1x128x32xf32, #tpu.memory_space<vmem>> -> memref<128x32xf32, #tpu.memory_space<vmem>>
    %dma_wait3A_120 = arith.constant 0 : i32
    %dma_wait3A_121 = tpu.memref_slice %arg7[%dma_wait3A_115, %dma_wait3A_120] : memref<80x128xi32, #tpu.memory_space<vmem>> -> memref<1x128xi32, #tpu.memory_space<vmem>>
    %dma_wait3A_122 = tpu.memref_squeeze %dma_wait3A_121 : memref<1x128xi32, #tpu.memory_space<vmem>> -> memref<128xi32, #tpu.memory_space<vmem>>
    %dma_wait3A_123 = arith.constant 0 : i32
    %dma_wait3A_124 = arith.constant 0 : i32
    %dma_wait3A_125 = tpu.memref_slice %arg12[%dma_wait3A_123, %dma_wait3A_124] : memref<10240x32xf32, #tpu.memory_space<vmem_shared>> -> memref<10240x32xf32, #tpu.memory_space<vmem_shared>>
    tpu.wait_indirect_dma semaphore(%arg20 : memref<!tpu.dma_semaphore, #tpu.memory_space<semaphore_mem>>) src(%dma_wait3A_119 : memref<128x32xf32, #tpu.memory_space<vmem>>) dst(%dma_wait3A_125 : memref<10240x32xf32, #tpu.memory_space<vmem_shared>>)
    %barrier3A_126 = arith.constant 0 : index
    tpu.barrier barrier_id(%barrier3A_126)
    %mul3A_127 = arith.constant 640 : i32
    %mul3A_128 = arith.muli %arg1, %mul3A_127 : i32
    %mul3A_129 = arith.constant 640 : i32
    %mul3A_130 = arith.muli %arg1, %mul3A_129 : i32
    "tpu.region"() ({
      %run_scoped3A = tpu.sem_alloc : memref<!tpu.dma_semaphore, #tpu.memory_space<semaphore_mem>>
      %dma_start3A_131 = arith.constant 0 : i32
      %dma_start3A_132 = tpu.memref_slice %arg5[%arg0, %mul3A_130, %dma_start3A_131] : memref<2x10240x32xf32, #tpu.memory_space<hbm>> -> memref<1x640x32xf32, #tpu.memory_space<hbm>>
      %dma_start3A_133 = tpu.memref_squeeze %dma_start3A_132 : memref<1x640x32xf32, #tpu.memory_space<hbm>> -> memref<640x32xf32, #tpu.memory_space<hbm>>
      %dma_start3A_134 = arith.constant 0 : i32
      %dma_start3A_135 = tpu.memref_slice %arg12[%mul3A_128, %dma_start3A_134] : memref<10240x32xf32, #tpu.memory_space<vmem_shared>> -> memref<640x32xf32, #tpu.memory_space<vmem_shared>>
      tpu.enqueue_dma source(%dma_start3A_135 : memref<640x32xf32, #tpu.memory_space<vmem_shared>>) target(%dma_start3A_133 : memref<640x32xf32, #tpu.memory_space<hbm>>) target_semaphore(%run_scoped3A : memref<!tpu.dma_semaphore, #tpu.memory_space<semaphore_mem>>)
      %dma_wait3A_136 = arith.constant 0 : i32
      %dma_wait3A_137 = tpu.memref_slice %arg5[%arg0, %mul3A_130, %dma_wait3A_136] : memref<2x10240x32xf32, #tpu.memory_space<hbm>> -> memref<1x640x32xf32, #tpu.memory_space<hbm>>
      %dma_wait3A_138 = tpu.memref_squeeze %dma_wait3A_137 : memref<1x640x32xf32, #tpu.memory_space<hbm>> -> memref<640x32xf32, #tpu.memory_space<hbm>>
      %dma_wait3A_139 = arith.constant 0 : i32
      %dma_wait3A_140 = tpu.memref_slice %arg12[%mul3A_128, %dma_wait3A_139] : memref<10240x32xf32, #tpu.memory_space<vmem_shared>> -> memref<640x32xf32, #tpu.memory_space<vmem_shared>>
      tpu.wait_dma2 semaphore(%run_scoped3A : memref<!tpu.dma_semaphore, #tpu.memory_space<semaphore_mem>>) src(%dma_wait3A_140 : memref<640x32xf32, #tpu.memory_space<vmem_shared>>) dst(%dma_wait3A_138 : memref<640x32xf32, #tpu.memory_space<hbm>>)
      tpu.yield
    }) : () -> ()
    return
  }
}

#map = affine_map<(d0, d1) -> (0, 0)>
#map1 = affine_map<(d0, d1) -> (0, 0, 0)>
module attributes {stable_mosaic.version = 14 : i64} {
  func.func @_agg_kernel(%arg0: i32, %arg1: i32, %arg2: memref<10240x32xf32, #tpu.memory_space<hbm>>, %arg3: memref<32x80x128xi32, #tpu.memory_space<hbm>>, %arg4: memref<32x80x128xi32, #tpu.memory_space<hbm>>, %arg5: memref<2x10240x32xf32, #tpu.memory_space<hbm>>, %arg6: memref<80x128xi32, #tpu.memory_space<vmem>>, %arg7: memref<80x128xi32, #tpu.memory_space<vmem>>, %arg8: memref<4x128x32xf32, #tpu.memory_space<vmem>>, %arg9: memref<128x32xf32, #tpu.memory_space<vmem>>, %arg10: memref<640x32xf32, #tpu.memory_space<vmem>>, %arg11: memref<10240x32xf32, #tpu.memory_space<vmem_shared>>, %arg12: memref<10240x32xf32, #tpu.memory_space<vmem_shared>>, %arg13: memref<!tpu.dma_semaphore, #tpu.memory_space<semaphore_mem>>, %arg14: memref<!tpu.dma_semaphore, #tpu.memory_space<semaphore_mem>>, %arg15: memref<!tpu.dma_semaphore, #tpu.memory_space<semaphore_mem>>, %arg16: memref<!tpu.dma_semaphore, #tpu.memory_space<semaphore_mem>>, %arg17: memref<!tpu.dma_semaphore, #tpu.memory_space<semaphore_mem>>, %arg18: memref<!tpu.dma_semaphore, #tpu.memory_space<semaphore_mem>>, %arg19: memref<!tpu.dma_semaphore, #tpu.memory_space<semaphore_mem>>, %arg20: memref<!tpu.dma_semaphore, #tpu.memory_space<semaphore_mem>>) attributes {dimension_semantics = [#tpu.dimension_semantics<core_parallel>, #tpu.dimension_semantics<subcore_parallel>], iteration_bounds = array<i64: 2, 16>, scalar_prefetch = 0 : i64, scratch_operands = 15 : i64, tpu.core_type = #tpu.core_type<sc_vector_subcore>, window_params = [{transform_indices = #map}, {transform_indices = #map1}, {transform_indices = #map1}, {transform_indices = #map1}]} {
    %mul3A = arith.constant 2 : i32
    %mul3A_0 = arith.muli %arg1, %mul3A : i32
    %add3A = arith.addi %mul3A_0, %arg0 : i32
    %dma_start3A = arith.constant 0 : i32
    %dma_start3A_1 = arith.constant 0 : i32
    %dma_start3A_2 = tpu.memref_slice %arg3[%add3A, %dma_start3A, %dma_start3A_1] : memref<32x80x128xi32, #tpu.memory_space<hbm>> -> memref<1x80x128xi32, #tpu.memory_space<hbm>>
    %dma_start3A_3 = tpu.memref_squeeze %dma_start3A_2 : memref<1x80x128xi32, #tpu.memory_space<hbm>> -> memref<80x128xi32, #tpu.memory_space<hbm>>
    %dma_start3A_4 = arith.constant 0 : i32
    %dma_start3A_5 = arith.constant 0 : i32
    %dma_start3A_6 = tpu.memref_slice %arg3[%add3A, %dma_start3A_4, %dma_start3A_5] : memref<32x80x128xi32, #tpu.memory_space<hbm>> -> memref<1x80x128xi32, #tpu.memory_space<hbm>>
    %dma_start3A_7 = tpu.memref_squeeze %dma_start3A_6 : memref<1x80x128xi32, #tpu.memory_space<hbm>> -> memref<80x128xi32, #tpu.memory_space<hbm>>
    tpu.enqueue_dma source(%dma_start3A_7 : memref<80x128xi32, #tpu.memory_space<hbm>>) target(%arg6 : memref<80x128xi32, #tpu.memory_space<vmem>>) target_semaphore(%arg13 : memref<!tpu.dma_semaphore, #tpu.memory_space<semaphore_mem>>)
    %dma_start3A_8 = arith.constant 0 : i32
    %dma_start3A_9 = arith.constant 0 : i32
    %dma_start3A_10 = tpu.memref_slice %arg4[%add3A, %dma_start3A_8, %dma_start3A_9] : memref<32x80x128xi32, #tpu.memory_space<hbm>> -> memref<1x80x128xi32, #tpu.memory_space<hbm>>
    %dma_start3A_11 = tpu.memref_squeeze %dma_start3A_10 : memref<1x80x128xi32, #tpu.memory_space<hbm>> -> memref<80x128xi32, #tpu.memory_space<hbm>>
    %dma_start3A_12 = arith.constant 0 : i32
    %dma_start3A_13 = arith.constant 0 : i32
    %dma_start3A_14 = tpu.memref_slice %arg4[%add3A, %dma_start3A_12, %dma_start3A_13] : memref<32x80x128xi32, #tpu.memory_space<hbm>> -> memref<1x80x128xi32, #tpu.memory_space<hbm>>
    %dma_start3A_15 = tpu.memref_squeeze %dma_start3A_14 : memref<1x80x128xi32, #tpu.memory_space<hbm>> -> memref<80x128xi32, #tpu.memory_space<hbm>>
    tpu.enqueue_dma source(%dma_start3A_15 : memref<80x128xi32, #tpu.memory_space<hbm>>) target(%arg7 : memref<80x128xi32, #tpu.memory_space<vmem>>) target_semaphore(%arg14 : memref<!tpu.dma_semaphore, #tpu.memory_space<semaphore_mem>>)
    %mul3A_16 = arith.constant 640 : i32
    %mul3A_17 = arith.muli %arg1, %mul3A_16 : i32
    %dma_start3A_18 = arith.constant 0 : i32
    %dma_start3A_19 = tpu.memref_slice %arg2[%mul3A_17, %dma_start3A_18] : memref<10240x32xf32, #tpu.memory_space<hbm>> -> memref<640x32xf32, #tpu.memory_space<hbm>>
    %dma_start3A_20 = arith.constant 0 : i32
    %dma_start3A_21 = tpu.memref_slice %arg2[%mul3A_17, %dma_start3A_20] : memref<10240x32xf32, #tpu.memory_space<hbm>> -> memref<640x32xf32, #tpu.memory_space<hbm>>
    tpu.enqueue_dma source(%dma_start3A_21 : memref<640x32xf32, #tpu.memory_space<hbm>>) target(%arg10 : memref<640x32xf32, #tpu.memory_space<vmem>>) target_semaphore(%arg15 : memref<!tpu.dma_semaphore, #tpu.memory_space<semaphore_mem>>)
    %scan3A = arith.constant 0 : i32
    %scan3A_22 = arith.constant 0 : i32
    %scan3A_23 = arith.constant 128 : i32
    %scan3A_24 = arith.addi %scan3A_22, %scan3A_23 : i32
    %scan3A_25 = arith.constant 1 : i32
    %scan3A_26 = scf.for %scan3A_131 = %scan3A_22 to %scan3A_24 step %scan3A_25 iter_args(%scan3A_132 = %scan3A) -> (i32)  : i32 {
      %broadcast_in_dim3A = arith.constant 0.000000e+00 : f32
      %broadcast_in_dim3A_133 = vector.broadcast %broadcast_in_dim3A : f32 to vector<16xf32>
      %swap3A = arith.index_cast %scan3A_131 : i32 to index
      %swap3A_134 = arith.constant 0 : index
      %swap3A_135 = tpu.vector_load %arg9[%swap3A, %swap3A_134] {strides = array<i32>} : memref<128x32xf32, #tpu.memory_space<vmem>>, vector<1x16xf32>,
      %swap3A_136 = vector.shape_cast %swap3A_135 : vector<1x16xf32> to vector<16xf32>
      %swap3A_137 = vector.shape_cast %broadcast_in_dim3A_133 : vector<16xf32> to vector<1x16xf32>
      tpu.vector_store %arg9[%swap3A, %swap3A_134], %swap3A_137 {strides = array<i32>} : memref<128x32xf32, #tpu.memory_space<vmem>>, vector<1x16xf32>,
      %broadcast_in_dim3A_138 = arith.constant 0.000000e+00 : f32
      %broadcast_in_dim3A_139 = vector.broadcast %broadcast_in_dim3A_138 : f32 to vector<16xf32>
      %swap3A_140 = arith.index_cast %scan3A_131 : i32 to index
      %swap3A_141 = arith.constant 16 : index
      %swap3A_142 = tpu.vector_load %arg9[%swap3A_140, %swap3A_141] {strides = array<i32>} : memref<128x32xf32, #tpu.memory_space<vmem>>, vector<1x16xf32>,
      %swap3A_143 = vector.shape_cast %swap3A_142 : vector<1x16xf32> to vector<16xf32>
      %swap3A_144 = vector.shape_cast %broadcast_in_dim3A_139 : vector<16xf32> to vector<1x16xf32>
      tpu.vector_store %arg9[%swap3A_140, %swap3A_141], %swap3A_144 {strides = array<i32>} : memref<128x32xf32, #tpu.memory_space<vmem>>, vector<1x16xf32>,
      %scan3A_145 = arith.constant 0 : i32
      scf.yield %scan3A_145 : i32
    }
    %scan3A_27 = arith.constant 128 : i32
    %mul3A_28 = arith.constant 640 : i32
    %mul3A_29 = arith.muli %arg1, %mul3A_28 : i32
    %add3A_30 = arith.constant 0 : i32
    %add3A_31 = arith.addi %mul3A_29, %add3A_30 : i32
    "tpu.region"() ({
      %run_scoped3A = tpu.sem_alloc : memref<!tpu.dma_semaphore, #tpu.memory_space<semaphore_mem>>
      %dma_start3A_131 = arith.constant 0 : i32
      %dma_start3A_132 = tpu.memref_slice %arg12[%add3A_31, %dma_start3A_131] : memref<10240x32xf32, #tpu.memory_space<vmem_shared>> -> memref<128x32xf32, #tpu.memory_space<vmem_shared>>
      %dma_start3A_133 = arith.constant 0 : i32
      %dma_start3A_134 = tpu.memref_slice %arg12[%add3A_31, %dma_start3A_133] : memref<10240x32xf32, #tpu.memory_space<vmem_shared>> -> memref<128x32xf32, #tpu.memory_space<vmem_shared>>
      tpu.enqueue_dma source(%arg9 : memref<128x32xf32, #tpu.memory_space<vmem>>) target(%dma_start3A_134 : memref<128x32xf32, #tpu.memory_space<vmem_shared>>) target_semaphore(%run_scoped3A : memref<!tpu.dma_semaphore, #tpu.memory_space<semaphore_mem>>)
      %dma_wait3A_135 = arith.constant 0 : i32
      %dma_wait3A_136 = tpu.memref_slice %arg12[%add3A_31, %dma_wait3A_135] : memref<10240x32xf32, #tpu.memory_space<vmem_shared>> -> memref<128x32xf32, #tpu.memory_space<vmem_shared>>
      %dma_wait3A_137 = arith.constant 0 : i32
      %dma_wait3A_138 = tpu.memref_slice %arg12[%add3A_31, %dma_wait3A_137] : memref<10240x32xf32, #tpu.memory_space<vmem_shared>> -> memref<128x32xf32, #tpu.memory_space<vmem_shared>>
      tpu.wait_dma2 semaphore(%run_scoped3A : memref<!tpu.dma_semaphore, #tpu.memory_space<semaphore_mem>>) src(%arg9 : memref<128x32xf32, #tpu.memory_space<vmem>>) dst(%dma_wait3A_138 : memref<128x32xf32, #tpu.memory_space<vmem_shared>>)
      tpu.yield
    }) : () -> ()
    %mul3A_32 = arith.constant 640 : i32
    %mul3A_33 = arith.muli %arg1, %mul3A_32 : i32
    %add3A_34 = arith.constant 128 : i32
    %add3A_35 = arith.addi %mul3A_33, %add3A_34 : i32
    "tpu.region"() ({
      %run_scoped3A = tpu.sem_alloc : memref<!tpu.dma_semaphore, #tpu.memory_space<semaphore_mem>>
      %dma_start3A_131 = arith.constant 0 : i32
      %dma_start3A_132 = tpu.memref_slice %arg12[%add3A_35, %dma_start3A_131] : memref<10240x32xf32, #tpu.memory_space<vmem_shared>> -> memref<128x32xf32, #tpu.memory_space<vmem_shared>>
      %dma_start3A_133 = arith.constant 0 : i32
      %dma_start3A_134 = tpu.memref_slice %arg12[%add3A_35, %dma_start3A_133] : memref<10240x32xf32, #tpu.memory_space<vmem_shared>> -> memref<128x32xf32, #tpu.memory_space<vmem_shared>>
      tpu.enqueue_dma source(%arg9 : memref<128x32xf32, #tpu.memory_space<vmem>>) target(%dma_start3A_134 : memref<128x32xf32, #tpu.memory_space<vmem_shared>>) target_semaphore(%run_scoped3A : memref<!tpu.dma_semaphore, #tpu.memory_space<semaphore_mem>>)
      %dma_wait3A_135 = arith.constant 0 : i32
      %dma_wait3A_136 = tpu.memref_slice %arg12[%add3A_35, %dma_wait3A_135] : memref<10240x32xf32, #tpu.memory_space<vmem_shared>> -> memref<128x32xf32, #tpu.memory_space<vmem_shared>>
      %dma_wait3A_137 = arith.constant 0 : i32
      %dma_wait3A_138 = tpu.memref_slice %arg12[%add3A_35, %dma_wait3A_137] : memref<10240x32xf32, #tpu.memory_space<vmem_shared>> -> memref<128x32xf32, #tpu.memory_space<vmem_shared>>
      tpu.wait_dma2 semaphore(%run_scoped3A : memref<!tpu.dma_semaphore, #tpu.memory_space<semaphore_mem>>) src(%arg9 : memref<128x32xf32, #tpu.memory_space<vmem>>) dst(%dma_wait3A_138 : memref<128x32xf32, #tpu.memory_space<vmem_shared>>)
      tpu.yield
    }) : () -> ()
    %mul3A_36 = arith.constant 640 : i32
    %mul3A_37 = arith.muli %arg1, %mul3A_36 : i32
    %add3A_38 = arith.constant 256 : i32
    %add3A_39 = arith.addi %mul3A_37, %add3A_38 : i32
    "tpu.region"() ({
      %run_scoped3A = tpu.sem_alloc : memref<!tpu.dma_semaphore, #tpu.memory_space<semaphore_mem>>
      %dma_start3A_131 = arith.constant 0 : i32
      %dma_start3A_132 = tpu.memref_slice %arg12[%add3A_39, %dma_start3A_131] : memref<10240x32xf32, #tpu.memory_space<vmem_shared>> -> memref<128x32xf32, #tpu.memory_space<vmem_shared>>
      %dma_start3A_133 = arith.constant 0 : i32
      %dma_start3A_134 = tpu.memref_slice %arg12[%add3A_39, %dma_start3A_133] : memref<10240x32xf32, #tpu.memory_space<vmem_shared>> -> memref<128x32xf32, #tpu.memory_space<vmem_shared>>
      tpu.enqueue_dma source(%arg9 : memref<128x32xf32, #tpu.memory_space<vmem>>) target(%dma_start3A_134 : memref<128x32xf32, #tpu.memory_space<vmem_shared>>) target_semaphore(%run_scoped3A : memref<!tpu.dma_semaphore, #tpu.memory_space<semaphore_mem>>)
      %dma_wait3A_135 = arith.constant 0 : i32
      %dma_wait3A_136 = tpu.memref_slice %arg12[%add3A_39, %dma_wait3A_135] : memref<10240x32xf32, #tpu.memory_space<vmem_shared>> -> memref<128x32xf32, #tpu.memory_space<vmem_shared>>
      %dma_wait3A_137 = arith.constant 0 : i32
      %dma_wait3A_138 = tpu.memref_slice %arg12[%add3A_39, %dma_wait3A_137] : memref<10240x32xf32, #tpu.memory_space<vmem_shared>> -> memref<128x32xf32, #tpu.memory_space<vmem_shared>>
      tpu.wait_dma2 semaphore(%run_scoped3A : memref<!tpu.dma_semaphore, #tpu.memory_space<semaphore_mem>>) src(%arg9 : memref<128x32xf32, #tpu.memory_space<vmem>>) dst(%dma_wait3A_138 : memref<128x32xf32, #tpu.memory_space<vmem_shared>>)
      tpu.yield
    }) : () -> ()
    %mul3A_40 = arith.constant 640 : i32
    %mul3A_41 = arith.muli %arg1, %mul3A_40 : i32
    %add3A_42 = arith.constant 384 : i32
    %add3A_43 = arith.addi %mul3A_41, %add3A_42 : i32
    "tpu.region"() ({
      %run_scoped3A = tpu.sem_alloc : memref<!tpu.dma_semaphore, #tpu.memory_space<semaphore_mem>>
      %dma_start3A_131 = arith.constant 0 : i32
      %dma_start3A_132 = tpu.memref_slice %arg12[%add3A_43, %dma_start3A_131] : memref<10240x32xf32, #tpu.memory_space<vmem_shared>> -> memref<128x32xf32, #tpu.memory_space<vmem_shared>>
      %dma_start3A_133 = arith.constant 0 : i32
      %dma_start3A_134 = tpu.memref_slice %arg12[%add3A_43, %dma_start3A_133] : memref<10240x32xf32, #tpu.memory_space<vmem_shared>> -> memref<128x32xf32, #tpu.memory_space<vmem_shared>>
      tpu.enqueue_dma source(%arg9 : memref<128x32xf32, #tpu.memory_space<vmem>>) target(%dma_start3A_134 : memref<128x32xf32, #tpu.memory_space<vmem_shared>>) target_semaphore(%run_scoped3A : memref<!tpu.dma_semaphore, #tpu.memory_space<semaphore_mem>>)
      %dma_wait3A_135 = arith.constant 0 : i32
      %dma_wait3A_136 = tpu.memref_slice %arg12[%add3A_43, %dma_wait3A_135] : memref<10240x32xf32, #tpu.memory_space<vmem_shared>> -> memref<128x32xf32, #tpu.memory_space<vmem_shared>>
      %dma_wait3A_137 = arith.constant 0 : i32
      %dma_wait3A_138 = tpu.memref_slice %arg12[%add3A_43, %dma_wait3A_137] : memref<10240x32xf32, #tpu.memory_space<vmem_shared>> -> memref<128x32xf32, #tpu.memory_space<vmem_shared>>
      tpu.wait_dma2 semaphore(%run_scoped3A : memref<!tpu.dma_semaphore, #tpu.memory_space<semaphore_mem>>) src(%arg9 : memref<128x32xf32, #tpu.memory_space<vmem>>) dst(%dma_wait3A_138 : memref<128x32xf32, #tpu.memory_space<vmem_shared>>)
      tpu.yield
    }) : () -> ()
    %mul3A_44 = arith.constant 640 : i32
    %mul3A_45 = arith.muli %arg1, %mul3A_44 : i32
    %add3A_46 = arith.constant 512 : i32
    %add3A_47 = arith.addi %mul3A_45, %add3A_46 : i32
    "tpu.region"() ({
      %run_scoped3A = tpu.sem_alloc : memref<!tpu.dma_semaphore, #tpu.memory_space<semaphore_mem>>
      %dma_start3A_131 = arith.constant 0 : i32
      %dma_start3A_132 = tpu.memref_slice %arg12[%add3A_47, %dma_start3A_131] : memref<10240x32xf32, #tpu.memory_space<vmem_shared>> -> memref<128x32xf32, #tpu.memory_space<vmem_shared>>
      %dma_start3A_133 = arith.constant 0 : i32
      %dma_start3A_134 = tpu.memref_slice %arg12[%add3A_47, %dma_start3A_133] : memref<10240x32xf32, #tpu.memory_space<vmem_shared>> -> memref<128x32xf32, #tpu.memory_space<vmem_shared>>
      tpu.enqueue_dma source(%arg9 : memref<128x32xf32, #tpu.memory_space<vmem>>) target(%dma_start3A_134 : memref<128x32xf32, #tpu.memory_space<vmem_shared>>) target_semaphore(%run_scoped3A : memref<!tpu.dma_semaphore, #tpu.memory_space<semaphore_mem>>)
      %dma_wait3A_135 = arith.constant 0 : i32
      %dma_wait3A_136 = tpu.memref_slice %arg12[%add3A_47, %dma_wait3A_135] : memref<10240x32xf32, #tpu.memory_space<vmem_shared>> -> memref<128x32xf32, #tpu.memory_space<vmem_shared>>
      %dma_wait3A_137 = arith.constant 0 : i32
      %dma_wait3A_138 = tpu.memref_slice %arg12[%add3A_47, %dma_wait3A_137] : memref<10240x32xf32, #tpu.memory_space<vmem_shared>> -> memref<128x32xf32, #tpu.memory_space<vmem_shared>>
      tpu.wait_dma2 semaphore(%run_scoped3A : memref<!tpu.dma_semaphore, #tpu.memory_space<semaphore_mem>>) src(%arg9 : memref<128x32xf32, #tpu.memory_space<vmem>>) dst(%dma_wait3A_138 : memref<128x32xf32, #tpu.memory_space<vmem_shared>>)
      tpu.yield
    }) : () -> ()
    %dma_wait3A = arith.constant 0 : i32
    %dma_wait3A_48 = arith.constant 0 : i32
    %dma_wait3A_49 = tpu.memref_slice %arg3[%add3A, %dma_wait3A, %dma_wait3A_48] : memref<32x80x128xi32, #tpu.memory_space<hbm>> -> memref<1x80x128xi32, #tpu.memory_space<hbm>>
    %dma_wait3A_50 = tpu.memref_squeeze %dma_wait3A_49 : memref<1x80x128xi32, #tpu.memory_space<hbm>> -> memref<80x128xi32, #tpu.memory_space<hbm>>
    %dma_wait3A_51 = arith.constant 0 : i32
    %dma_wait3A_52 = arith.constant 0 : i32
    %dma_wait3A_53 = tpu.memref_slice %arg3[%add3A, %dma_wait3A_51, %dma_wait3A_52] : memref<32x80x128xi32, #tpu.memory_space<hbm>> -> memref<1x80x128xi32, #tpu.memory_space<hbm>>
    %dma_wait3A_54 = tpu.memref_squeeze %dma_wait3A_53 : memref<1x80x128xi32, #tpu.memory_space<hbm>> -> memref<80x128xi32, #tpu.memory_space<hbm>>
    tpu.wait_dma2 semaphore(%arg13 : memref<!tpu.dma_semaphore, #tpu.memory_space<semaphore_mem>>) src(%dma_wait3A_54 : memref<80x128xi32, #tpu.memory_space<hbm>>) dst(%arg6 : memref<80x128xi32, #tpu.memory_space<vmem>>)
    %dma_wait3A_55 = arith.constant 0 : i32
    %dma_wait3A_56 = arith.constant 0 : i32
    %dma_wait3A_57 = tpu.memref_slice %arg4[%add3A, %dma_wait3A_55, %dma_wait3A_56] : memref<32x80x128xi32, #tpu.memory_space<hbm>> -> memref<1x80x128xi32, #tpu.memory_space<hbm>>
    %dma_wait3A_58 = tpu.memref_squeeze %dma_wait3A_57 : memref<1x80x128xi32, #tpu.memory_space<hbm>> -> memref<80x128xi32, #tpu.memory_space<hbm>>
    %dma_wait3A_59 = arith.constant 0 : i32
    %dma_wait3A_60 = arith.constant 0 : i32
    %dma_wait3A_61 = tpu.memref_slice %arg4[%add3A, %dma_wait3A_59, %dma_wait3A_60] : memref<32x80x128xi32, #tpu.memory_space<hbm>> -> memref<1x80x128xi32, #tpu.memory_space<hbm>>
    %dma_wait3A_62 = tpu.memref_squeeze %dma_wait3A_61 : memref<1x80x128xi32, #tpu.memory_space<hbm>> -> memref<80x128xi32, #tpu.memory_space<hbm>>
    tpu.wait_dma2 semaphore(%arg14 : memref<!tpu.dma_semaphore, #tpu.memory_space<semaphore_mem>>) src(%dma_wait3A_62 : memref<80x128xi32, #tpu.memory_space<hbm>>) dst(%arg7 : memref<80x128xi32, #tpu.memory_space<vmem>>)
    %mul3A_63 = arith.constant 640 : i32
    %mul3A_64 = arith.muli %arg1, %mul3A_63 : i32
    %dma_wait3A_65 = arith.constant 0 : i32
    %dma_wait3A_66 = tpu.memref_slice %arg2[%mul3A_64, %dma_wait3A_65] : memref<10240x32xf32, #tpu.memory_space<hbm>> -> memref<640x32xf32, #tpu.memory_space<hbm>>
    %dma_wait3A_67 = arith.constant 0 : i32
    %dma_wait3A_68 = tpu.memref_slice %arg2[%mul3A_64, %dma_wait3A_67] : memref<10240x32xf32, #tpu.memory_space<hbm>> -> memref<640x32xf32, #tpu.memory_space<hbm>>
    tpu.wait_dma2 semaphore(%arg15 : memref<!tpu.dma_semaphore, #tpu.memory_space<semaphore_mem>>) src(%dma_wait3A_68 : memref<640x32xf32, #tpu.memory_space<hbm>>) dst(%arg10 : memref<640x32xf32, #tpu.memory_space<vmem>>)
    %mul3A_69 = arith.constant 640 : i32
    %mul3A_70 = arith.muli %arg1, %mul3A_69 : i32
    "tpu.region"() ({
      %run_scoped3A = tpu.sem_alloc : memref<!tpu.dma_semaphore, #tpu.memory_space<semaphore_mem>>
      %dma_start3A_131 = arith.constant 0 : i32
      %dma_start3A_132 = tpu.memref_slice %arg11[%mul3A_70, %dma_start3A_131] : memref<10240x32xf32, #tpu.memory_space<vmem_shared>> -> memref<640x32xf32, #tpu.memory_space<vmem_shared>>
      %dma_start3A_133 = arith.constant 0 : i32
      %dma_start3A_134 = tpu.memref_slice %arg11[%mul3A_70, %dma_start3A_133] : memref<10240x32xf32, #tpu.memory_space<vmem_shared>> -> memref<640x32xf32, #tpu.memory_space<vmem_shared>>
      tpu.enqueue_dma source(%arg10 : memref<640x32xf32, #tpu.memory_space<vmem>>) target(%dma_start3A_134 : memref<640x32xf32, #tpu.memory_space<vmem_shared>>) target_semaphore(%run_scoped3A : memref<!tpu.dma_semaphore, #tpu.memory_space<semaphore_mem>>)
      %dma_wait3A_135 = arith.constant 0 : i32
      %dma_wait3A_136 = tpu.memref_slice %arg11[%mul3A_70, %dma_wait3A_135] : memref<10240x32xf32, #tpu.memory_space<vmem_shared>> -> memref<640x32xf32, #tpu.memory_space<vmem_shared>>
      %dma_wait3A_137 = arith.constant 0 : i32
      %dma_wait3A_138 = tpu.memref_slice %arg11[%mul3A_70, %dma_wait3A_137] : memref<10240x32xf32, #tpu.memory_space<vmem_shared>> -> memref<640x32xf32, #tpu.memory_space<vmem_shared>>
      tpu.wait_dma2 semaphore(%run_scoped3A : memref<!tpu.dma_semaphore, #tpu.memory_space<semaphore_mem>>) src(%arg10 : memref<640x32xf32, #tpu.memory_space<vmem>>) dst(%dma_wait3A_138 : memref<640x32xf32, #tpu.memory_space<vmem_shared>>)
      tpu.yield
    }) : () -> ()
    %barrier3A = arith.constant 0 : index
    tpu.barrier barrier_id(%barrier3A)
    %dma_start3A_71 = arith.constant 0 : i32
    %dma_start3A_72 = arith.constant 0 : i32
    %dma_start3A_73 = arith.constant 0 : i32
    %dma_start3A_74 = arith.constant 0 : i32
    %dma_start3A_75 = tpu.memref_slice %arg8[%dma_start3A_72, %dma_start3A_73, %dma_start3A_74] : memref<4x128x32xf32, #tpu.memory_space<vmem>> -> memref<1x128x32xf32, #tpu.memory_space<vmem>>
    %dma_start3A_76 = tpu.memref_squeeze %dma_start3A_75 : memref<1x128x32xf32, #tpu.memory_space<vmem>> -> memref<128x32xf32, #tpu.memory_space<vmem>>
    %dma_start3A_77 = arith.constant 0 : i32
    %dma_start3A_78 = tpu.memref_slice %arg6[%dma_start3A_71, %dma_start3A_77] : memref<80x128xi32, #tpu.memory_space<vmem>> -> memref<1x128xi32, #tpu.memory_space<vmem>>
    %dma_start3A_79 = tpu.memref_squeeze %dma_start3A_78 : memref<1x128xi32, #tpu.memory_space<vmem>> -> memref<128xi32, #tpu.memory_space<vmem>>
    %dma_start3A_80 = arith.constant 0 : i32
    %dma_start3A_81 = arith.constant 0 : i32
    %dma_start3A_82 = tpu.memref_slice %arg11[%dma_start3A_80, %dma_start3A_81] : memref<10240x32xf32, #tpu.memory_space<vmem_shared>> -> memref<10240x32xf32, #tpu.memory_space<vmem_shared>>
    tpu.enqueue_indirect_dma source(%dma_start3A_82 : memref<10240x32xf32, #tpu.memory_space<vmem_shared>>) target(%dma_start3A_76 : memref<128x32xf32, #tpu.memory_space<vmem>>) offsets(%dma_start3A_79 : memref<128xi32, #tpu.memory_space<vmem>>) semaphore(%arg13 : memref<!tpu.dma_semaphore, #tpu.memory_space<semaphore_mem>>)
    %dma_start3A_83 = arith.constant 1 : i32
    %dma_start3A_84 = arith.constant 1 : i32
    %dma_start3A_85 = arith.constant 0 : i32
    %dma_start3A_86 = arith.constant 0 : i32
    %dma_start3A_87 = tpu.memref_slice %arg8[%dma_start3A_84, %dma_start3A_85, %dma_start3A_86] : memref<4x128x32xf32, #tpu.memory_space<vmem>> -> memref<1x128x32xf32, #tpu.memory_space<vmem>>
    %dma_start3A_88 = tpu.memref_squeeze %dma_start3A_87 : memref<1x128x32xf32, #tpu.memory_space<vmem>> -> memref<128x32xf32, #tpu.memory_space<vmem>>
    %dma_start3A_89 = arith.constant 0 : i32
    %dma_start3A_90 = tpu.memref_slice %arg6[%dma_start3A_83, %dma_start3A_89] : memref<80x128xi32, #tpu.memory_space<vmem>> -> memref<1x128xi32, #tpu.memory_space<vmem>>
    %dma_start3A_91 = tpu.memref_squeeze %dma_start3A_90 : memref<1x128xi32, #tpu.memory_space<vmem>> -> memref<128xi32, #tpu.memory_space<vmem>>
    %dma_start3A_92 = arith.constant 0 : i32
    %dma_start3A_93 = arith.constant 0 : i32
    %dma_start3A_94 = tpu.memref_slice %arg11[%dma_start3A_92, %dma_start3A_93] : memref<10240x32xf32, #tpu.memory_space<vmem_shared>> -> memref<10240x32xf32, #tpu.memory_space<vmem_shared>>
    tpu.enqueue_indirect_dma source(%dma_start3A_94 : memref<10240x32xf32, #tpu.memory_space<vmem_shared>>) target(%dma_start3A_88 : memref<128x32xf32, #tpu.memory_space<vmem>>) offsets(%dma_start3A_91 : memref<128xi32, #tpu.memory_space<vmem>>) semaphore(%arg14 : memref<!tpu.dma_semaphore, #tpu.memory_space<semaphore_mem>>)
    %scan3A_95 = arith.constant 0 : i32
    %scan3A_96 = arith.constant 0 : i32
    %scan3A_97 = arith.constant 20 : i32
    %scan3A_98 = arith.addi %scan3A_96, %scan3A_97 : i32
    %scan3A_99 = arith.constant 1 : i32
    %scan3A_100 = scf.for %scan3A_131 = %scan3A_96 to %scan3A_98 step %scan3A_99 iter_args(%scan3A_132 = %scan3A_95) -> (i32)  : i32 {
      %gt3A = arith.constant 0 : i32
      %gt3A_133 = arith.cmpi sgt, %scan3A_131, %gt3A : i32
      %convert_element_type3A = arith.extui %gt3A_133 : i1 to i32
      %cond3A = arith.constant 0 : i32
      %cond3A_134 = arith.cmpi ne, %convert_element_type3A, %cond3A : i32
      scf.if %cond3A_134 {
        %dma_wait3A_328 = arith.constant 2 : i32
        %dma_wait3A_329 = arith.constant 0 : i32
        %dma_wait3A_330 = arith.constant 0 : i32
        %dma_wait3A_331 = arith.constant 0 : i32
        %dma_wait3A_332 = tpu.memref_slice %arg8[%dma_wait3A_328, %dma_wait3A_330, %dma_wait3A_331] : memref<4x128x32xf32, #tpu.memory_space<vmem>> -> memref<1x128x32xf32, #tpu.memory_space<vmem>>
        %dma_wait3A_333 = tpu.memref_squeeze %dma_wait3A_332 : memref<1x128x32xf32, #tpu.memory_space<vmem>> -> memref<128x32xf32, #tpu.memory_space<vmem>>
        %dma_wait3A_334 = arith.constant 0 : i32
        %dma_wait3A_335 = tpu.memref_slice %arg7[%dma_wait3A_329, %dma_wait3A_334] : memref<80x128xi32, #tpu.memory_space<vmem>> -> memref<1x128xi32, #tpu.memory_space<vmem>>
        %dma_wait3A_336 = tpu.memref_squeeze %dma_wait3A_335 : memref<1x128xi32, #tpu.memory_space<vmem>> -> memref<128xi32, #tpu.memory_space<vmem>>
        %dma_wait3A_337 = arith.constant 0 : i32
        %dma_wait3A_338 = arith.constant 0 : i32
        %dma_wait3A_339 = tpu.memref_slice %arg12[%dma_wait3A_337, %dma_wait3A_338] : memref<10240x32xf32, #tpu.memory_space<vmem_shared>> -> memref<10240x32xf32, #tpu.memory_space<vmem_shared>>
        tpu.wait_indirect_dma semaphore(%arg19 : memref<!tpu.dma_semaphore, #tpu.memory_space<semaphore_mem>>) src(%dma_wait3A_333 : memref<128x32xf32, #tpu.memory_space<vmem>>) dst(%dma_wait3A_339 : memref<10240x32xf32, #tpu.memory_space<vmem_shared>>)
      } else {
      }
      %mul3A_135 = arith.constant 4 : i32
      %mul3A_136 = arith.muli %mul3A_135, %scan3A_131 : i32
      %add3A_137 = arith.constant 0 : i32
      %add3A_138 = arith.addi %mul3A_136, %add3A_137 : i32
      %add3A_139 = arith.constant 2 : i32
      %add3A_140 = arith.addi %add3A_138, %add3A_139 : i32
      %dma_start3A_141 = arith.constant 2 : i32
      %dma_start3A_142 = arith.constant 0 : i32
      %dma_start3A_143 = arith.constant 0 : i32
      %dma_start3A_144 = tpu.memref_slice %arg8[%dma_start3A_141, %dma_start3A_142, %dma_start3A_143] : memref<4x128x32xf32, #tpu.memory_space<vmem>> -> memref<1x128x32xf32, #tpu.memory_space<vmem>>
      %dma_start3A_145 = tpu.memref_squeeze %dma_start3A_144 : memref<1x128x32xf32, #tpu.memory_space<vmem>> -> memref<128x32xf32, #tpu.memory_space<vmem>>
      %dma_start3A_146 = arith.constant 0 : i32
      %dma_start3A_147 = tpu.memref_slice %arg6[%add3A_140, %dma_start3A_146] : memref<80x128xi32, #tpu.memory_space<vmem>> -> memref<1x128xi32, #tpu.memory_space<vmem>>
      %dma_start3A_148 = tpu.memref_squeeze %dma_start3A_147 : memref<1x128xi32, #tpu.memory_space<vmem>> -> memref<128xi32, #tpu.memory_space<vmem>>
      %dma_start3A_149 = arith.constant 0 : i32
      %dma_start3A_150 = arith.constant 0 : i32
      %dma_start3A_151 = tpu.memref_slice %arg11[%dma_start3A_149, %dma_start3A_150] : memref<10240x32xf32, #tpu.memory_space<vmem_shared>> -> memref<10240x32xf32, #tpu.memory_space<vmem_shared>>
      tpu.enqueue_indirect_dma source(%dma_start3A_151 : memref<10240x32xf32, #tpu.memory_space<vmem_shared>>) target(%dma_start3A_145 : memref<128x32xf32, #tpu.memory_space<vmem>>) offsets(%dma_start3A_148 : memref<128xi32, #tpu.memory_space<vmem>>) semaphore(%arg15 : memref<!tpu.dma_semaphore, #tpu.memory_space<semaphore_mem>>)
      %mul3A_152 = arith.constant 4 : i32
      %mul3A_153 = arith.muli %mul3A_152, %scan3A_131 : i32
      %add3A_154 = arith.constant 0 : i32
      %add3A_155 = arith.addi %mul3A_153, %add3A_154 : i32
      %dma_wait3A_156 = arith.constant 0 : i32
      %dma_wait3A_157 = arith.constant 0 : i32
      %dma_wait3A_158 = arith.constant 0 : i32
      %dma_wait3A_159 = tpu.memref_slice %arg8[%dma_wait3A_156, %dma_wait3A_157, %dma_wait3A_158] : memref<4x128x32xf32, #tpu.memory_space<vmem>> -> memref<1x128x32xf32, #tpu.memory_space<vmem>>
      %dma_wait3A_160 = tpu.memref_squeeze %dma_wait3A_159 : memref<1x128x32xf32, #tpu.memory_space<vmem>> -> memref<128x32xf32, #tpu.memory_space<vmem>>
      %dma_wait3A_161 = arith.constant 0 : i32
      %dma_wait3A_162 = tpu.memref_slice %arg6[%add3A_155, %dma_wait3A_161] : memref<80x128xi32, #tpu.memory_space<vmem>> -> memref<1x128xi32, #tpu.memory_space<vmem>>
      %dma_wait3A_163 = tpu.memref_squeeze %dma_wait3A_162 : memref<1x128xi32, #tpu.memory_space<vmem>> -> memref<128xi32, #tpu.memory_space<vmem>>
      %dma_wait3A_164 = arith.constant 0 : i32
      %dma_wait3A_165 = arith.constant 0 : i32
      %dma_wait3A_166 = tpu.memref_slice %arg11[%dma_wait3A_164, %dma_wait3A_165] : memref<10240x32xf32, #tpu.memory_space<vmem_shared>> -> memref<10240x32xf32, #tpu.memory_space<vmem_shared>>
      tpu.wait_indirect_dma semaphore(%arg13 : memref<!tpu.dma_semaphore, #tpu.memory_space<semaphore_mem>>) src(%dma_wait3A_166 : memref<10240x32xf32, #tpu.memory_space<vmem_shared>>) dst(%dma_wait3A_160 : memref<128x32xf32, #tpu.memory_space<vmem>>)
      %mul3A_167 = arith.constant 4 : i32
      %mul3A_168 = arith.muli %mul3A_167, %scan3A_131 : i32
      %add3A_169 = arith.constant 0 : i32
      %add3A_170 = arith.addi %mul3A_168, %add3A_169 : i32
      %dma_start3A_171 = arith.constant 0 : i32
      %dma_start3A_172 = arith.constant 0 : i32
      %dma_start3A_173 = arith.constant 0 : i32
      %dma_start3A_174 = tpu.memref_slice %arg8[%dma_start3A_171, %dma_start3A_172, %dma_start3A_173] : memref<4x128x32xf32, #tpu.memory_space<vmem>> -> memref<1x128x32xf32, #tpu.memory_space<vmem>>
      %dma_start3A_175 = tpu.memref_squeeze %dma_start3A_174 : memref<1x128x32xf32, #tpu.memory_space<vmem>> -> memref<128x32xf32, #tpu.memory_space<vmem>>
      %dma_start3A_176 = arith.constant 0 : i32
      %dma_start3A_177 = tpu.memref_slice %arg7[%add3A_170, %dma_start3A_176] : memref<80x128xi32, #tpu.memory_space<vmem>> -> memref<1x128xi32, #tpu.memory_space<vmem>>
      %dma_start3A_178 = tpu.memref_squeeze %dma_start3A_177 : memref<1x128xi32, #tpu.memory_space<vmem>> -> memref<128xi32, #tpu.memory_space<vmem>>
      %dma_start3A_179 = arith.constant 0 : i32
      %dma_start3A_180 = arith.constant 0 : i32
      %dma_start3A_181 = tpu.memref_slice %arg12[%dma_start3A_179, %dma_start3A_180] : memref<10240x32xf32, #tpu.memory_space<vmem_shared>> -> memref<10240x32xf32, #tpu.memory_space<vmem_shared>>
      tpu.enqueue_indirect_dma source(%dma_start3A_175 : memref<128x32xf32, #tpu.memory_space<vmem>>) target(%dma_start3A_181 : memref<10240x32xf32, #tpu.memory_space<vmem_shared>>) offsets(%dma_start3A_178 : memref<128xi32, #tpu.memory_space<vmem>>) semaphore(%arg17 : memref<!tpu.dma_semaphore, #tpu.memory_space<semaphore_mem>>) {add = true}
      %gt3A_182 = arith.constant 0 : i32
      %gt3A_183 = arith.cmpi sgt, %scan3A_131, %gt3A_182 : i32
      %convert_element_type3A_184 = arith.extui %gt3A_183 : i1 to i32
      %cond3A_185 = arith.constant 0 : i32
      %cond3A_186 = arith.cmpi ne, %convert_element_type3A_184, %cond3A_185 : i32
      scf.if %cond3A_186 {
        %dma_wait3A_328 = arith.constant 3 : i32
        %dma_wait3A_329 = arith.constant 0 : i32
        %dma_wait3A_330 = arith.constant 0 : i32
        %dma_wait3A_331 = arith.constant 0 : i32
        %dma_wait3A_332 = tpu.memref_slice %arg8[%dma_wait3A_328, %dma_wait3A_330, %dma_wait3A_331] : memref<4x128x32xf32, #tpu.memory_space<vmem>> -> memref<1x128x32xf32, #tpu.memory_space<vmem>>
        %dma_wait3A_333 = tpu.memref_squeeze %dma_wait3A_332 : memref<1x128x32xf32, #tpu.memory_space<vmem>> -> memref<128x32xf32, #tpu.memory_space<vmem>>
        %dma_wait3A_334 = arith.constant 0 : i32
        %dma_wait3A_335 = tpu.memref_slice %arg7[%dma_wait3A_329, %dma_wait3A_334] : memref<80x128xi32, #tpu.memory_space<vmem>> -> memref<1x128xi32, #tpu.memory_space<vmem>>
        %dma_wait3A_336 = tpu.memref_squeeze %dma_wait3A_335 : memref<1x128xi32, #tpu.memory_space<vmem>> -> memref<128xi32, #tpu.memory_space<vmem>>
        %dma_wait3A_337 = arith.constant 0 : i32
        %dma_wait3A_338 = arith.constant 0 : i32
        %dma_wait3A_339 = tpu.memref_slice %arg12[%dma_wait3A_337, %dma_wait3A_338] : memref<10240x32xf32, #tpu.memory_space<vmem_shared>> -> memref<10240x32xf32, #tpu.memory_space<vmem_shared>>
        tpu.wait_indirect_dma semaphore(%arg20 : memref<!tpu.dma_semaphore, #tpu.memory_space<semaphore_mem>>) src(%dma_wait3A_333 : memref<128x32xf32, #tpu.memory_space<vmem>>) dst(%dma_wait3A_339 : memref<10240x32xf32, #tpu.memory_space<vmem_shared>>)
      } else {
      }
      %mul3A_187 = arith.constant 4 : i32
      %mul3A_188 = arith.muli %mul3A_187, %scan3A_131 : i32
      %add3A_189 = arith.constant 1 : i32
      %add3A_190 = arith.addi %mul3A_188, %add3A_189 : i32
      %add3A_191 = arith.constant 2 : i32
      %add3A_192 = arith.addi %add3A_190, %add3A_191 : i32
      %dma_start3A_193 = arith.constant 3 : i32
      %dma_start3A_194 = arith.constant 0 : i32
      %dma_start3A_195 = arith.constant 0 : i32
      %dma_start3A_196 = tpu.memref_slice %arg8[%dma_start3A_193, %dma_start3A_194, %dma_start3A_195] : memref<4x128x32xf32, #tpu.memory_space<vmem>> -> memref<1x128x32xf32, #tpu.memory_space<vmem>>
      %dma_start3A_197 = tpu.memref_squeeze %dma_start3A_196 : memref<1x128x32xf32, #tpu.memory_space<vmem>> -> memref<128x32xf32, #tpu.memory_space<vmem>>
      %dma_start3A_198 = arith.constant 0 : i32
      %dma_start3A_199 = tpu.memref_slice %arg6[%add3A_192, %dma_start3A_198] : memref<80x128xi32, #tpu.memory_space<vmem>> -> memref<1x128xi32, #tpu.memory_space<vmem>>
      %dma_start3A_200 = tpu.memref_squeeze %dma_start3A_199 : memref<1x128xi32, #tpu.memory_space<vmem>> -> memref<128xi32, #tpu.memory_space<vmem>>
      %dma_start3A_201 = arith.constant 0 : i32
      %dma_start3A_202 = arith.constant 0 : i32
      %dma_start3A_203 = tpu.memref_slice %arg11[%dma_start3A_201, %dma_start3A_202] : memref<10240x32xf32, #tpu.memory_space<vmem_shared>> -> memref<10240x32xf32, #tpu.memory_space<vmem_shared>>
      tpu.enqueue_indirect_dma source(%dma_start3A_203 : memref<10240x32xf32, #tpu.memory_space<vmem_shared>>) target(%dma_start3A_197 : memref<128x32xf32, #tpu.memory_space<vmem>>) offsets(%dma_start3A_200 : memref<128xi32, #tpu.memory_space<vmem>>) semaphore(%arg16 : memref<!tpu.dma_semaphore, #tpu.memory_space<semaphore_mem>>)
      %mul3A_204 = arith.constant 4 : i32
      %mul3A_205 = arith.muli %mul3A_204, %scan3A_131 : i32
      %add3A_206 = arith.constant 1 : i32
      %add3A_207 = arith.addi %mul3A_205, %add3A_206 : i32
      %dma_wait3A_208 = arith.constant 1 : i32
      %dma_wait3A_209 = arith.constant 0 : i32
      %dma_wait3A_210 = arith.constant 0 : i32
      %dma_wait3A_211 = tpu.memref_slice %arg8[%dma_wait3A_208, %dma_wait3A_209, %dma_wait3A_210] : memref<4x128x32xf32, #tpu.memory_space<vmem>> -> memref<1x128x32xf32, #tpu.memory_space<vmem>>
      %dma_wait3A_212 = tpu.memref_squeeze %dma_wait3A_211 : memref<1x128x32xf32, #tpu.memory_space<vmem>> -> memref<128x32xf32, #tpu.memory_space<vmem>>
      %dma_wait3A_213 = arith.constant 0 : i32
      %dma_wait3A_214 = tpu.memref_slice %arg6[%add3A_207, %dma_wait3A_213] : memref<80x128xi32, #tpu.memory_space<vmem>> -> memref<1x128xi32, #tpu.memory_space<vmem>>
      %dma_wait3A_215 = tpu.memref_squeeze %dma_wait3A_214 : memref<1x128xi32, #tpu.memory_space<vmem>> -> memref<128xi32, #tpu.memory_space<vmem>>
      %dma_wait3A_216 = arith.constant 0 : i32
      %dma_wait3A_217 = arith.constant 0 : i32
      %dma_wait3A_218 = tpu.memref_slice %arg11[%dma_wait3A_216, %dma_wait3A_217] : memref<10240x32xf32, #tpu.memory_space<vmem_shared>> -> memref<10240x32xf32, #tpu.memory_space<vmem_shared>>
      tpu.wait_indirect_dma semaphore(%arg14 : memref<!tpu.dma_semaphore, #tpu.memory_space<semaphore_mem>>) src(%dma_wait3A_218 : memref<10240x32xf32, #tpu.memory_space<vmem_shared>>) dst(%dma_wait3A_212 : memref<128x32xf32, #tpu.memory_space<vmem>>)
      %mul3A_219 = arith.constant 4 : i32
      %mul3A_220 = arith.muli %mul3A_219, %scan3A_131 : i32
      %add3A_221 = arith.constant 1 : i32
      %add3A_222 = arith.addi %mul3A_220, %add3A_221 : i32
      %dma_start3A_223 = arith.constant 1 : i32
      %dma_start3A_224 = arith.constant 0 : i32
      %dma_start3A_225 = arith.constant 0 : i32
      %dma_start3A_226 = tpu.memref_slice %arg8[%dma_start3A_223, %dma_start3A_224, %dma_start3A_225] : memref<4x128x32xf32, #tpu.memory_space<vmem>> -> memref<1x128x32xf32, #tpu.memory_space<vmem>>
      %dma_start3A_227 = tpu.memref_squeeze %dma_start3A_226 : memref<1x128x32xf32, #tpu.memory_space<vmem>> -> memref<128x32xf32, #tpu.memory_space<vmem>>
      %dma_start3A_228 = arith.constant 0 : i32
      %dma_start3A_229 = tpu.memref_slice %arg7[%add3A_222, %dma_start3A_228] : memref<80x128xi32, #tpu.memory_space<vmem>> -> memref<1x128xi32, #tpu.memory_space<vmem>>
      %dma_start3A_230 = tpu.memref_squeeze %dma_start3A_229 : memref<1x128xi32, #tpu.memory_space<vmem>> -> memref<128xi32, #tpu.memory_space<vmem>>
      %dma_start3A_231 = arith.constant 0 : i32
      %dma_start3A_232 = arith.constant 0 : i32
      %dma_start3A_233 = tpu.memref_slice %arg12[%dma_start3A_231, %dma_start3A_232] : memref<10240x32xf32, #tpu.memory_space<vmem_shared>> -> memref<10240x32xf32, #tpu.memory_space<vmem_shared>>
      tpu.enqueue_indirect_dma source(%dma_start3A_227 : memref<128x32xf32, #tpu.memory_space<vmem>>) target(%dma_start3A_233 : memref<10240x32xf32, #tpu.memory_space<vmem_shared>>) offsets(%dma_start3A_230 : memref<128xi32, #tpu.memory_space<vmem>>) semaphore(%arg18 : memref<!tpu.dma_semaphore, #tpu.memory_space<semaphore_mem>>) {add = true}
      %dma_wait3A_234 = arith.constant 0 : i32
      %dma_wait3A_235 = arith.constant 0 : i32
      %dma_wait3A_236 = arith.constant 0 : i32
      %dma_wait3A_237 = arith.constant 0 : i32
      %dma_wait3A_238 = tpu.memref_slice %arg8[%dma_wait3A_234, %dma_wait3A_236, %dma_wait3A_237] : memref<4x128x32xf32, #tpu.memory_space<vmem>> -> memref<1x128x32xf32, #tpu.memory_space<vmem>>
      %dma_wait3A_239 = tpu.memref_squeeze %dma_wait3A_238 : memref<1x128x32xf32, #tpu.memory_space<vmem>> -> memref<128x32xf32, #tpu.memory_space<vmem>>
      %dma_wait3A_240 = arith.constant 0 : i32
      %dma_wait3A_241 = tpu.memref_slice %arg7[%dma_wait3A_235, %dma_wait3A_240] : memref<80x128xi32, #tpu.memory_space<vmem>> -> memref<1x128xi32, #tpu.memory_space<vmem>>
      %dma_wait3A_242 = tpu.memref_squeeze %dma_wait3A_241 : memref<1x128xi32, #tpu.memory_space<vmem>> -> memref<128xi32, #tpu.memory_space<vmem>>
      %dma_wait3A_243 = arith.constant 0 : i32
      %dma_wait3A_244 = arith.constant 0 : i32
      %dma_wait3A_245 = tpu.memref_slice %arg12[%dma_wait3A_243, %dma_wait3A_244] : memref<10240x32xf32, #tpu.memory_space<vmem_shared>> -> memref<10240x32xf32, #tpu.memory_space<vmem_shared>>
      tpu.wait_indirect_dma semaphore(%arg17 : memref<!tpu.dma_semaphore, #tpu.memory_space<semaphore_mem>>) src(%dma_wait3A_239 : memref<128x32xf32, #tpu.memory_space<vmem>>) dst(%dma_wait3A_245 : memref<10240x32xf32, #tpu.memory_space<vmem_shared>>)
      %lt3A = arith.constant 19 : i32
      %lt3A_246 = arith.cmpi slt, %scan3A_131, %lt3A : i32
      %convert_element_type3A_247 = arith.extui %lt3A_246 : i1 to i32
      %cond3A_248 = arith.constant 0 : i32
      %cond3A_249 = arith.cmpi ne, %convert_element_type3A_247, %cond3A_248 : i32
      scf.if %cond3A_249 {
        %mul3A_328 = arith.constant 4 : i32
        %mul3A_329 = arith.muli %mul3A_328, %scan3A_131 : i32
        %add3A_330 = arith.constant 2 : i32
        %add3A_331 = arith.addi %mul3A_329, %add3A_330 : i32
        %add3A_332 = arith.constant 2 : i32
        %add3A_333 = arith.addi %add3A_331, %add3A_332 : i32
        %dma_start3A_334 = arith.constant 0 : i32
        %dma_start3A_335 = arith.constant 0 : i32
        %dma_start3A_336 = arith.constant 0 : i32
        %dma_start3A_337 = tpu.memref_slice %arg8[%dma_start3A_334, %dma_start3A_335, %dma_start3A_336] : memref<4x128x32xf32, #tpu.memory_space<vmem>> -> memref<1x128x32xf32, #tpu.memory_space<vmem>>
        %dma_start3A_338 = tpu.memref_squeeze %dma_start3A_337 : memref<1x128x32xf32, #tpu.memory_space<vmem>> -> memref<128x32xf32, #tpu.memory_space<vmem>>
        %dma_start3A_339 = arith.constant 0 : i32
        %dma_start3A_340 = tpu.memref_slice %arg6[%add3A_333, %dma_start3A_339] : memref<80x128xi32, #tpu.memory_space<vmem>> -> memref<1x128xi32, #tpu.memory_space<vmem>>
        %dma_start3A_341 = tpu.memref_squeeze %dma_start3A_340 : memref<1x128xi32, #tpu.memory_space<vmem>> -> memref<128xi32, #tpu.memory_space<vmem>>
        %dma_start3A_342 = arith.constant 0 : i32
        %dma_start3A_343 = arith.constant 0 : i32
        %dma_start3A_344 = tpu.memref_slice %arg11[%dma_start3A_342, %dma_start3A_343] : memref<10240x32xf32, #tpu.memory_space<vmem_shared>> -> memref<10240x32xf32, #tpu.memory_space<vmem_shared>>
        tpu.enqueue_indirect_dma source(%dma_start3A_344 : memref<10240x32xf32, #tpu.memory_space<vmem_shared>>) target(%dma_start3A_338 : memref<128x32xf32, #tpu.memory_space<vmem>>) offsets(%dma_start3A_341 : memref<128xi32, #tpu.memory_space<vmem>>) semaphore(%arg13 : memref<!tpu.dma_semaphore, #tpu.memory_space<semaphore_mem>>)
      } else {
      }
      %mul3A_250 = arith.constant 4 : i32
      %mul3A_251 = arith.muli %mul3A_250, %scan3A_131 : i32
      %add3A_252 = arith.constant 2 : i32
      %add3A_253 = arith.addi %mul3A_251, %add3A_252 : i32
      %dma_wait3A_254 = arith.constant 2 : i32
      %dma_wait3A_255 = arith.constant 0 : i32
      %dma_wait3A_256 = arith.constant 0 : i32
      %dma_wait3A_257 = tpu.memref_slice %arg8[%dma_wait3A_254, %dma_wait3A_255, %dma_wait3A_256] : memref<4x128x32xf32, #tpu.memory_space<vmem>> -> memref<1x128x32xf32, #tpu.memory_space<vmem>>
      %dma_wait3A_258 = tpu.memref_squeeze %dma_wait3A_257 : memref<1x128x32xf32, #tpu.memory_space<vmem>> -> memref<128x32xf32, #tpu.memory_space<vmem>>
      %dma_wait3A_259 = arith.constant 0 : i32
      %dma_wait3A_260 = tpu.memref_slice %arg6[%add3A_253, %dma_wait3A_259] : memref<80x128xi32, #tpu.memory_space<vmem>> -> memref<1x128xi32, #tpu.memory_space<vmem>>
      %dma_wait3A_261 = tpu.memref_squeeze %dma_wait3A_260 : memref<1x128xi32, #tpu.memory_space<vmem>> -> memref<128xi32, #tpu.memory_space<vmem>>
      %dma_wait3A_262 = arith.constant 0 : i32
      %dma_wait3A_263 = arith.constant 0 : i32
      %dma_wait3A_264 = tpu.memref_slice %arg11[%dma_wait3A_262, %dma_wait3A_263] : memref<10240x32xf32, #tpu.memory_space<vmem_shared>> -> memref<10240x32xf32, #tpu.memory_space<vmem_shared>>
      tpu.wait_indirect_dma semaphore(%arg15 : memref<!tpu.dma_semaphore, #tpu.memory_space<semaphore_mem>>) src(%dma_wait3A_264 : memref<10240x32xf32, #tpu.memory_space<vmem_shared>>) dst(%dma_wait3A_258 : memref<128x32xf32, #tpu.memory_space<vmem>>)
      %mul3A_265 = arith.constant 4 : i32
      %mul3A_266 = arith.muli %mul3A_265, %scan3A_131 : i32
      %add3A_267 = arith.constant 2 : i32
      %add3A_268 = arith.addi %mul3A_266, %add3A_267 : i32
      %dma_start3A_269 = arith.constant 2 : i32
      %dma_start3A_270 = arith.constant 0 : i32
      %dma_start3A_271 = arith.constant 0 : i32
      %dma_start3A_272 = tpu.memref_slice %arg8[%dma_start3A_269, %dma_start3A_270, %dma_start3A_271] : memref<4x128x32xf32, #tpu.memory_space<vmem>> -> memref<1x128x32xf32, #tpu.memory_space<vmem>>
      %dma_start3A_273 = tpu.memref_squeeze %dma_start3A_272 : memref<1x128x32xf32, #tpu.memory_space<vmem>> -> memref<128x32xf32, #tpu.memory_space<vmem>>
      %dma_start3A_274 = arith.constant 0 : i32
      %dma_start3A_275 = tpu.memref_slice %arg7[%add3A_268, %dma_start3A_274] : memref<80x128xi32, #tpu.memory_space<vmem>> -> memref<1x128xi32, #tpu.memory_space<vmem>>
      %dma_start3A_276 = tpu.memref_squeeze %dma_start3A_275 : memref<1x128xi32, #tpu.memory_space<vmem>> -> memref<128xi32, #tpu.memory_space<vmem>>
      %dma_start3A_277 = arith.constant 0 : i32
      %dma_start3A_278 = arith.constant 0 : i32
      %dma_start3A_279 = tpu.memref_slice %arg12[%dma_start3A_277, %dma_start3A_278] : memref<10240x32xf32, #tpu.memory_space<vmem_shared>> -> memref<10240x32xf32, #tpu.memory_space<vmem_shared>>
      tpu.enqueue_indirect_dma source(%dma_start3A_273 : memref<128x32xf32, #tpu.memory_space<vmem>>) target(%dma_start3A_279 : memref<10240x32xf32, #tpu.memory_space<vmem_shared>>) offsets(%dma_start3A_276 : memref<128xi32, #tpu.memory_space<vmem>>) semaphore(%arg19 : memref<!tpu.dma_semaphore, #tpu.memory_space<semaphore_mem>>) {add = true}
      %dma_wait3A_280 = arith.constant 1 : i32
      %dma_wait3A_281 = arith.constant 0 : i32
      %dma_wait3A_282 = arith.constant 0 : i32
      %dma_wait3A_283 = arith.constant 0 : i32
      %dma_wait3A_284 = tpu.memref_slice %arg8[%dma_wait3A_280, %dma_wait3A_282, %dma_wait3A_283] : memref<4x128x32xf32, #tpu.memory_space<vmem>> -> memref<1x128x32xf32, #tpu.memory_space<vmem>>
      %dma_wait3A_285 = tpu.memref_squeeze %dma_wait3A_284 : memref<1x128x32xf32, #tpu.memory_space<vmem>> -> memref<128x32xf32, #tpu.memory_space<vmem>>
      %dma_wait3A_286 = arith.constant 0 : i32
      %dma_wait3A_287 = tpu.memref_slice %arg7[%dma_wait3A_281, %dma_wait3A_286] : memref<80x128xi32, #tpu.memory_space<vmem>> -> memref<1x128xi32, #tpu.memory_space<vmem>>
      %dma_wait3A_288 = tpu.memref_squeeze %dma_wait3A_287 : memref<1x128xi32, #tpu.memory_space<vmem>> -> memref<128xi32, #tpu.memory_space<vmem>>
      %dma_wait3A_289 = arith.constant 0 : i32
      %dma_wait3A_290 = arith.constant 0 : i32
      %dma_wait3A_291 = tpu.memref_slice %arg12[%dma_wait3A_289, %dma_wait3A_290] : memref<10240x32xf32, #tpu.memory_space<vmem_shared>> -> memref<10240x32xf32, #tpu.memory_space<vmem_shared>>
      tpu.wait_indirect_dma semaphore(%arg18 : memref<!tpu.dma_semaphore, #tpu.memory_space<semaphore_mem>>) src(%dma_wait3A_285 : memref<128x32xf32, #tpu.memory_space<vmem>>) dst(%dma_wait3A_291 : memref<10240x32xf32, #tpu.memory_space<vmem_shared>>)
      %lt3A_292 = arith.constant 19 : i32
      %lt3A_293 = arith.cmpi slt, %scan3A_131, %lt3A_292 : i32
      %convert_element_type3A_294 = arith.extui %lt3A_293 : i1 to i32
      %cond3A_295 = arith.constant 0 : i32
      %cond3A_296 = arith.cmpi ne, %convert_element_type3A_294, %cond3A_295 : i32
      scf.if %cond3A_296 {
        %mul3A_328 = arith.constant 4 : i32
        %mul3A_329 = arith.muli %mul3A_328, %scan3A_131 : i32
        %add3A_330 = arith.constant 3 : i32
        %add3A_331 = arith.addi %mul3A_329, %add3A_330 : i32
        %add3A_332 = arith.constant 2 : i32
        %add3A_333 = arith.addi %add3A_331, %add3A_332 : i32
        %dma_start3A_334 = arith.constant 1 : i32
        %dma_start3A_335 = arith.constant 0 : i32
        %dma_start3A_336 = arith.constant 0 : i32
        %dma_start3A_337 = tpu.memref_slice %arg8[%dma_start3A_334, %dma_start3A_335, %dma_start3A_336] : memref<4x128x32xf32, #tpu.memory_space<vmem>> -> memref<1x128x32xf32, #tpu.memory_space<vmem>>
        %dma_start3A_338 = tpu.memref_squeeze %dma_start3A_337 : memref<1x128x32xf32, #tpu.memory_space<vmem>> -> memref<128x32xf32, #tpu.memory_space<vmem>>
        %dma_start3A_339 = arith.constant 0 : i32
        %dma_start3A_340 = tpu.memref_slice %arg6[%add3A_333, %dma_start3A_339] : memref<80x128xi32, #tpu.memory_space<vmem>> -> memref<1x128xi32, #tpu.memory_space<vmem>>
        %dma_start3A_341 = tpu.memref_squeeze %dma_start3A_340 : memref<1x128xi32, #tpu.memory_space<vmem>> -> memref<128xi32, #tpu.memory_space<vmem>>
        %dma_start3A_342 = arith.constant 0 : i32
        %dma_start3A_343 = arith.constant 0 : i32
        %dma_start3A_344 = tpu.memref_slice %arg11[%dma_start3A_342, %dma_start3A_343] : memref<10240x32xf32, #tpu.memory_space<vmem_shared>> -> memref<10240x32xf32, #tpu.memory_space<vmem_shared>>
        tpu.enqueue_indirect_dma source(%dma_start3A_344 : memref<10240x32xf32, #tpu.memory_space<vmem_shared>>) target(%dma_start3A_338 : memref<128x32xf32, #tpu.memory_space<vmem>>) offsets(%dma_start3A_341 : memref<128xi32, #tpu.memory_space<vmem>>) semaphore(%arg14 : memref<!tpu.dma_semaphore, #tpu.memory_space<semaphore_mem>>)
      } else {
      }
      %mul3A_297 = arith.constant 4 : i32
      %mul3A_298 = arith.muli %mul3A_297, %scan3A_131 : i32
      %add3A_299 = arith.constant 3 : i32
      %add3A_300 = arith.addi %mul3A_298, %add3A_299 : i32
      %dma_wait3A_301 = arith.constant 3 : i32
      %dma_wait3A_302 = arith.constant 0 : i32
      %dma_wait3A_303 = arith.constant 0 : i32
      %dma_wait3A_304 = tpu.memref_slice %arg8[%dma_wait3A_301, %dma_wait3A_302, %dma_wait3A_303] : memref<4x128x32xf32, #tpu.memory_space<vmem>> -> memref<1x128x32xf32, #tpu.memory_space<vmem>>
      %dma_wait3A_305 = tpu.memref_squeeze %dma_wait3A_304 : memref<1x128x32xf32, #tpu.memory_space<vmem>> -> memref<128x32xf32, #tpu.memory_space<vmem>>
      %dma_wait3A_306 = arith.constant 0 : i32
      %dma_wait3A_307 = tpu.memref_slice %arg6[%add3A_300, %dma_wait3A_306] : memref<80x128xi32, #tpu.memory_space<vmem>> -> memref<1x128xi32, #tpu.memory_space<vmem>>
      %dma_wait3A_308 = tpu.memref_squeeze %dma_wait3A_307 : memref<1x128xi32, #tpu.memory_space<vmem>> -> memref<128xi32, #tpu.memory_space<vmem>>
      %dma_wait3A_309 = arith.constant 0 : i32
      %dma_wait3A_310 = arith.constant 0 : i32
      %dma_wait3A_311 = tpu.memref_slice %arg11[%dma_wait3A_309, %dma_wait3A_310] : memref<10240x32xf32, #tpu.memory_space<vmem_shared>> -> memref<10240x32xf32, #tpu.memory_space<vmem_shared>>
      tpu.wait_indirect_dma semaphore(%arg16 : memref<!tpu.dma_semaphore, #tpu.memory_space<semaphore_mem>>) src(%dma_wait3A_311 : memref<10240x32xf32, #tpu.memory_space<vmem_shared>>) dst(%dma_wait3A_305 : memref<128x32xf32, #tpu.memory_space<vmem>>)
      %mul3A_312 = arith.constant 4 : i32
      %mul3A_313 = arith.muli %mul3A_312, %scan3A_131 : i32
      %add3A_314 = arith.constant 3 : i32
      %add3A_315 = arith.addi %mul3A_313, %add3A_314 : i32
      %dma_start3A_316 = arith.constant 3 : i32
      %dma_start3A_317 = arith.constant 0 : i32
      %dma_start3A_318 = arith.constant 0 : i32
      %dma_start3A_319 = tpu.memref_slice %arg8[%dma_start3A_316, %dma_start3A_317, %dma_start3A_318] : memref<4x128x32xf32, #tpu.memory_space<vmem>> -> memref<1x128x32xf32, #tpu.memory_space<vmem>>
      %dma_start3A_320 = tpu.memref_squeeze %dma_start3A_319 : memref<1x128x32xf32, #tpu.memory_space<vmem>> -> memref<128x32xf32, #tpu.memory_space<vmem>>
      %dma_start3A_321 = arith.constant 0 : i32
      %dma_start3A_322 = tpu.memref_slice %arg7[%add3A_315, %dma_start3A_321] : memref<80x128xi32, #tpu.memory_space<vmem>> -> memref<1x128xi32, #tpu.memory_space<vmem>>
      %dma_start3A_323 = tpu.memref_squeeze %dma_start3A_322 : memref<1x128xi32, #tpu.memory_space<vmem>> -> memref<128xi32, #tpu.memory_space<vmem>>
      %dma_start3A_324 = arith.constant 0 : i32
      %dma_start3A_325 = arith.constant 0 : i32
      %dma_start3A_326 = tpu.memref_slice %arg12[%dma_start3A_324, %dma_start3A_325] : memref<10240x32xf32, #tpu.memory_space<vmem_shared>> -> memref<10240x32xf32, #tpu.memory_space<vmem_shared>>
      tpu.enqueue_indirect_dma source(%dma_start3A_320 : memref<128x32xf32, #tpu.memory_space<vmem>>) target(%dma_start3A_326 : memref<10240x32xf32, #tpu.memory_space<vmem_shared>>) offsets(%dma_start3A_323 : memref<128xi32, #tpu.memory_space<vmem>>) semaphore(%arg20 : memref<!tpu.dma_semaphore, #tpu.memory_space<semaphore_mem>>) {add = true}
      %scan3A_327 = arith.constant 0 : i32
      scf.yield %scan3A_327 : i32
    }
    %scan3A_101 = arith.constant 20 : i32
    %dma_wait3A_102 = arith.constant 2 : i32
    %dma_wait3A_103 = arith.constant 0 : i32
    %dma_wait3A_104 = arith.constant 0 : i32
    %dma_wait3A_105 = arith.constant 0 : i32
    %dma_wait3A_106 = tpu.memref_slice %arg8[%dma_wait3A_102, %dma_wait3A_104, %dma_wait3A_105] : memref<4x128x32xf32, #tpu.memory_space<vmem>> -> memref<1x128x32xf32, #tpu.memory_space<vmem>>
    %dma_wait3A_107 = tpu.memref_squeeze %dma_wait3A_106 : memref<1x128x32xf32, #tpu.memory_space<vmem>> -> memref<128x32xf32, #tpu.memory_space<vmem>>
    %dma_wait3A_108 = arith.constant 0 : i32
    %dma_wait3A_109 = tpu.memref_slice %arg7[%dma_wait3A_103, %dma_wait3A_108] : memref<80x128xi32, #tpu.memory_space<vmem>> -> memref<1x128xi32, #tpu.memory_space<vmem>>
    %dma_wait3A_110 = tpu.memref_squeeze %dma_wait3A_109 : memref<1x128xi32, #tpu.memory_space<vmem>> -> memref<128xi32, #tpu.memory_space<vmem>>
    %dma_wait3A_111 = arith.constant 0 : i32
    %dma_wait3A_112 = arith.constant 0 : i32
    %dma_wait3A_113 = tpu.memref_slice %arg12[%dma_wait3A_111, %dma_wait3A_112] : memref<10240x32xf32, #tpu.memory_space<vmem_shared>> -> memref<10240x32xf32, #tpu.memory_space<vmem_shared>>
    tpu.wait_indirect_dma semaphore(%arg19 : memref<!tpu.dma_semaphore, #tpu.memory_space<semaphore_mem>>) src(%dma_wait3A_107 : memref<128x32xf32, #tpu.memory_space<vmem>>) dst(%dma_wait3A_113 : memref<10240x32xf32, #tpu.memory_space<vmem_shared>>)
    %dma_wait3A_114 = arith.constant 3 : i32
    %dma_wait3A_115 = arith.constant 0 : i32
    %dma_wait3A_116 = arith.constant 0 : i32
    %dma_wait3A_117 = arith.constant 0 : i32
    %dma_wait3A_118 = tpu.memref_slice %arg8[%dma_wait3A_114, %dma_wait3A_116, %dma_wait3A_117] : memref<4x128x32xf32, #tpu.memory_space<vmem>> -> memref<1x128x32xf32, #tpu.memory_space<vmem>>
    %dma_wait3A_119 = tpu.memref_squeeze %dma_wait3A_118 : memref<1x128x32xf32, #tpu.memory_space<vmem>> -> memref<128x32xf32, #tpu.memory_space<vmem>>
    %dma_wait3A_120 = arith.constant 0 : i32
    %dma_wait3A_121 = tpu.memref_slice %arg7[%dma_wait3A_115, %dma_wait3A_120] : memref<80x128xi32, #tpu.memory_space<vmem>> -> memref<1x128xi32, #tpu.memory_space<vmem>>
    %dma_wait3A_122 = tpu.memref_squeeze %dma_wait3A_121 : memref<1x128xi32, #tpu.memory_space<vmem>> -> memref<128xi32, #tpu.memory_space<vmem>>
    %dma_wait3A_123 = arith.constant 0 : i32
    %dma_wait3A_124 = arith.constant 0 : i32
    %dma_wait3A_125 = tpu.memref_slice %arg12[%dma_wait3A_123, %dma_wait3A_124] : memref<10240x32xf32, #tpu.memory_space<vmem_shared>> -> memref<10240x32xf32, #tpu.memory_space<vmem_shared>>
    tpu.wait_indirect_dma semaphore(%arg20 : memref<!tpu.dma_semaphore, #tpu.memory_space<semaphore_mem>>) src(%dma_wait3A_119 : memref<128x32xf32, #tpu.memory_space<vmem>>) dst(%dma_wait3A_125 : memref<10240x32xf32, #tpu.memory_space<vmem_shared>>)
    %barrier3A_126 = arith.constant 0 : index
    tpu.barrier barrier_id(%barrier3A_126)
    %mul3A_127 = arith.constant 640 : i32
    %mul3A_128 = arith.muli %arg1, %mul3A_127 : i32
    %mul3A_129 = arith.constant 640 : i32
    %mul3A_130 = arith.muli %arg1, %mul3A_129 : i32
    "tpu.region"() ({
      %run_scoped3A = tpu.sem_alloc : memref<!tpu.dma_semaphore, #tpu.memory_space<semaphore_mem>>
      %dma_start3A_131 = arith.constant 0 : i32
      %dma_start3A_132 = tpu.memref_slice %arg5[%arg0, %mul3A_130, %dma_start3A_131] : memref<2x10240x32xf32, #tpu.memory_space<hbm>> -> memref<1x640x32xf32, #tpu.memory_space<hbm>>
      %dma_start3A_133 = tpu.memref_squeeze %dma_start3A_132 : memref<1x640x32xf32, #tpu.memory_space<hbm>> -> memref<640x32xf32, #tpu.memory_space<hbm>>
      %dma_start3A_134 = arith.constant 0 : i32
      %dma_start3A_135 = tpu.memref_slice %arg12[%mul3A_128, %dma_start3A_134] : memref<10240x32xf32, #tpu.memory_space<vmem_shared>> -> memref<640x32xf32, #tpu.memory_space<vmem_shared>>
      tpu.enqueue_dma source(%dma_start3A_135 : memref<640x32xf32, #tpu.memory_space<vmem_shared>>) target(%dma_start3A_133 : memref<640x32xf32, #tpu.memory_space<hbm>>) target_semaphore(%run_scoped3A : memref<!tpu.dma_semaphore, #tpu.memory_space<semaphore_mem>>)
      %dma_wait3A_136 = arith.constant 0 : i32
      %dma_wait3A_137 = tpu.memref_slice %arg5[%arg0, %mul3A_130, %dma_wait3A_136] : memref<2x10240x32xf32, #tpu.memory_space<hbm>> -> memref<1x640x32xf32, #tpu.memory_space<hbm>>
      %dma_wait3A_138 = tpu.memref_squeeze %dma_wait3A_137 : memref<1x640x32xf32, #tpu.memory_space<hbm>> -> memref<640x32xf32, #tpu.memory_space<hbm>>
      %dma_wait3A_139 = arith.constant 0 : i32
      %dma_wait3A_140 = tpu.memref_slice %arg12[%mul3A_128, %dma_wait3A_139] : memref<10240x32xf32, #tpu.memory_space<vmem_shared>> -> memref<640x32xf32, #tpu.memory_space<vmem_shared>>
      tpu.wait_dma2 semaphore(%run_scoped3A : memref<!tpu.dma_semaphore, #tpu.memory_space<semaphore_mem>>) src(%dma_wait3A_140 : memref<640x32xf32, #tpu.memory_space<vmem_shared>>) dst(%dma_wait3A_138 : memref<640x32xf32, #tpu.memory_space<hbm>>)
      tpu.yield
    }) : () -> ()
    return
  }
}

module attributes {stable_mosaic.version = 14 : i64} {
  func.func @_tc_mm_body(%arg0: memref<10000x128xf32, #tpu.memory_space<vmem>>, %arg1: memref<128x32xf32, #tpu.memory_space<vmem>>, %arg2: memref<10000x32xf32, #tpu.memory_space<vmem>>) attributes {dimension_semantics = [], scalar_prefetch = 0 : i64, scratch_operands = 0 : i64, tpu.core_type = #tpu.core_type<tc>} {
    %get3A = arith.constant 0 : index
    %get3A_0 = arith.constant 0 : index
    %get3A_1 = vector.load %arg0[%get3A, %get3A_0] : memref<10000x128xf32, #tpu.memory_space<vmem>>, vector<10000x128xf32>
    %get3A_2 = arith.constant 0 : index
    %get3A_3 = arith.constant 0 : index
    %get3A_4 = vector.load %arg1[%get3A_2, %get3A_3] : memref<128x32xf32, #tpu.memory_space<vmem>>, vector<128x32xf32>
    %dot_general3A = arith.constant dense<0.000000e+00> : vector<10000x32xf32>
    %dot_general3A_5 = tpu.matmul %get3A_1, %get3A_4, %dot_general3A {dimension_numbers = #tpu.dot_dimension_numbers<[1], [0], [0], [1], [0, 0, 1, 1], [], []>, transpose_lhs_hint = false} : vector<10000x128xf32>, vector<128x32xf32>, vector<10000x32xf32> -> vector<10000x32xf32>
    %swap3A = arith.constant 0 : index
    %swap3A_6 = arith.constant 0 : index
    %swap3A_7 = vector.load %arg2[%swap3A, %swap3A_6] : memref<10000x32xf32, #tpu.memory_space<vmem>>, vector<10000x32xf32>
    tpu.vector_store %arg2[%swap3A, %swap3A_6], %dot_general3A_5 {strides = array<i32>} : memref<10000x32xf32, #tpu.memory_space<vmem>>, vector<10000x32xf32>,
    return
  }
}

module attributes {stable_mosaic.version = 14 : i64} {
  func.func @_tc_a_body(%arg0: memref<10000x32xf32, #tpu.memory_space<vmem>>, %arg1: memref<2x10240x16xf32, #tpu.memory_space<vmem>>, %arg2: memref<10240x32xf32, #tpu.memory_space<vmem>>, %arg3: memref<10000x1xf32, #tpu.memory_space<vmem>>) attributes {dimension_semantics = [], scalar_prefetch = 0 : i64, scratch_operands = 0 : i64, tpu.core_type = #tpu.core_type<tc>} {
    %get3A = arith.constant 0 : index
    %get3A_0 = arith.constant 0 : index
    %get3A_1 = arith.constant 0 : index
    %get3A_2 = vector.load %arg1[%get3A, %get3A_0, %get3A_1] : memref<2x10240x16xf32, #tpu.memory_space<vmem>>, vector<1x10000x1xf32>
    %get3A_3 = vector.shape_cast %get3A_2 : vector<1x10000x1xf32> to vector<10000x1xf32>
    %get3A_4 = arith.constant 1 : index
    %get3A_5 = arith.constant 0 : index
    %get3A_6 = arith.constant 0 : index
    %get3A_7 = vector.load %arg1[%get3A_4, %get3A_5, %get3A_6] : memref<2x10240x16xf32, #tpu.memory_space<vmem>>, vector<1x10000x1xf32>
    %get3A_8 = vector.shape_cast %get3A_7 : vector<1x10000x1xf32> to vector<10000x1xf32>
    %add3A = arith.addf %get3A_3, %get3A_8 : vector<10000x1xf32>
    %add3A_9 = arith.constant 1.000000e+00 : f32
    %add3A_10 = vector.broadcast %add3A_9 : f32 to vector<10000x1xf32>
    %add3A_11 = arith.addf %add3A, %add3A_10 : vector<10000x1xf32>
    %rsqrt3A = math.rsqrt %add3A_11 : vector<10000x1xf32>
    %get3A_12 = arith.constant 0 : index
    %get3A_13 = arith.constant 0 : index
    %get3A_14 = vector.load %arg0[%get3A_12, %get3A_13] : memref<10000x32xf32, #tpu.memory_space<vmem>>, vector<10000x32xf32>
    %mul3A = vector.broadcast %rsqrt3A : vector<10000x1xf32> to vector<10000x32xf32>
    %mul3A_15 = arith.mulf %get3A_14, %mul3A : vector<10000x32xf32>
    %swap3A = arith.constant 0 : index
    %swap3A_16 = arith.constant 0 : index
    %swap3A_17 = vector.load %arg2[%swap3A, %swap3A_16] : memref<10240x32xf32, #tpu.memory_space<vmem>>, vector<10000x32xf32>
    tpu.vector_store %arg2[%swap3A, %swap3A_16], %mul3A_15 {strides = array<i32>} : memref<10240x32xf32, #tpu.memory_space<vmem>>, vector<10000x32xf32>,
    %broadcast_in_dim3A = arith.constant 0.000000e+00 : f32
    %broadcast_in_dim3A_18 = vector.broadcast %broadcast_in_dim3A : f32 to vector<240x32xf32>
    %swap3A_19 = arith.constant 10000 : index
    %swap3A_20 = arith.constant 0 : index
    %swap3A_21 = vector.load %arg2[%swap3A_19, %swap3A_20] : memref<10240x32xf32, #tpu.memory_space<vmem>>, vector<240x32xf32>
    tpu.vector_store %arg2[%swap3A_19, %swap3A_20], %broadcast_in_dim3A_18 {strides = array<i32>} : memref<10240x32xf32, #tpu.memory_space<vmem>>, vector<240x32xf32>,
    %swap3A_22 = arith.constant 0 : index
    %swap3A_23 = arith.constant 0 : index
    %swap3A_24 = vector.load %arg3[%swap3A_22, %swap3A_23] : memref<10000x1xf32, #tpu.memory_space<vmem>>, vector<10000x1xf32>
    tpu.vector_store %arg3[%swap3A_22, %swap3A_23], %rsqrt3A {strides = array<i32>} : memref<10000x1xf32, #tpu.memory_space<vmem>>, vector<10000x1xf32>,
    return
  }
}

module attributes {stable_mosaic.version = 14 : i64} {
  func.func @_tc_b_body(%arg0: memref<2x10240x32xf32, #tpu.memory_space<vmem>>, %arg1: memref<10240x32xf32, #tpu.memory_space<vmem>>, %arg2: memref<10000x1xf32, #tpu.memory_space<vmem>>, %arg3: memref<1x32xf32, #tpu.memory_space<vmem>>, %arg4: memref<32x32xf32, #tpu.memory_space<vmem>>, %arg5: memref<10240x32xf32, #tpu.memory_space<vmem>>) attributes {dimension_semantics = [], scalar_prefetch = 0 : i64, scratch_operands = 0 : i64, tpu.core_type = #tpu.core_type<tc>} {
    %get3A = arith.constant 0 : index
    %get3A_0 = arith.constant 0 : index
    %get3A_1 = vector.load %arg2[%get3A, %get3A_0] : memref<10000x1xf32, #tpu.memory_space<vmem>>, vector<10000x1xf32>
    %get3A_2 = arith.constant 0 : index
    %get3A_3 = arith.constant 0 : index
    %get3A_4 = arith.constant 0 : index
    %get3A_5 = vector.load %arg0[%get3A_2, %get3A_3, %get3A_4] : memref<2x10240x32xf32, #tpu.memory_space<vmem>>, vector<1x10000x32xf32>
    %get3A_6 = vector.shape_cast %get3A_5 : vector<1x10000x32xf32> to vector<10000x32xf32>
    %get3A_7 = arith.constant 1 : index
    %get3A_8 = arith.constant 0 : index
    %get3A_9 = arith.constant 0 : index
    %get3A_10 = vector.load %arg0[%get3A_7, %get3A_8, %get3A_9] : memref<2x10240x32xf32, #tpu.memory_space<vmem>>, vector<1x10000x32xf32>
    %get3A_11 = vector.shape_cast %get3A_10 : vector<1x10000x32xf32> to vector<10000x32xf32>
    %add3A = arith.addf %get3A_6, %get3A_11 : vector<10000x32xf32>
    %get3A_12 = arith.constant 0 : index
    %get3A_13 = arith.constant 0 : index
    %get3A_14 = vector.load %arg1[%get3A_12, %get3A_13] : memref<10240x32xf32, #tpu.memory_space<vmem>>, vector<10000x32xf32>
    %add3A_15 = arith.addf %add3A, %get3A_14 : vector<10000x32xf32>
    %mul3A = vector.broadcast %get3A_1 : vector<10000x1xf32> to vector<10000x32xf32>
    %mul3A_16 = arith.mulf %mul3A, %add3A_15 : vector<10000x32xf32>
    %get3A_17 = arith.constant 0 : index
    %get3A_18 = arith.constant 0 : index
    %get3A_19 = vector.load %arg3[%get3A_17, %get3A_18] : memref<1x32xf32, #tpu.memory_space<vmem>>, vector<1x32xf32>
    %add3A_20 = vector.broadcast %get3A_19 : vector<1x32xf32> to vector<10000x32xf32>
    %add3A_21 = arith.addf %mul3A_16, %add3A_20 : vector<10000x32xf32>
    %max3A = arith.constant 0.000000e+00 : f32
    %max3A_22 = vector.broadcast %max3A : f32 to vector<10000x32xf32>
    %max3A_23 = arith.maximumf %add3A_21, %max3A_22 : vector<10000x32xf32>
    %get3A_24 = arith.constant 0 : index
    %get3A_25 = arith.constant 0 : index
    %get3A_26 = vector.load %arg4[%get3A_24, %get3A_25] : memref<32x32xf32, #tpu.memory_space<vmem>>, vector<32x32xf32>
    %dot_general3A = arith.constant dense<0.000000e+00> : vector<10000x32xf32>
    %dot_general3A_27 = tpu.matmul %max3A_23, %get3A_26, %dot_general3A {dimension_numbers = #tpu.dot_dimension_numbers<[1], [0], [0], [1], [0, 0, 1, 1], [], []>, transpose_lhs_hint = false} : vector<10000x32xf32>, vector<32x32xf32>, vector<10000x32xf32> -> vector<10000x32xf32>
    %mul3A_28 = vector.broadcast %get3A_1 : vector<10000x1xf32> to vector<10000x32xf32>
    %mul3A_29 = arith.mulf %dot_general3A_27, %mul3A_28 : vector<10000x32xf32>
    %swap3A = arith.constant 0 : index
    %swap3A_30 = arith.constant 0 : index
    %swap3A_31 = vector.load %arg5[%swap3A, %swap3A_30] : memref<10240x32xf32, #tpu.memory_space<vmem>>, vector<10000x32xf32>
    tpu.vector_store %arg5[%swap3A, %swap3A_30], %mul3A_29 {strides = array<i32>} : memref<10240x32xf32, #tpu.memory_space<vmem>>, vector<10000x32xf32>,
    %broadcast_in_dim3A = arith.constant 0.000000e+00 : f32
    %broadcast_in_dim3A_32 = vector.broadcast %broadcast_in_dim3A : f32 to vector<240x32xf32>
    %swap3A_33 = arith.constant 10000 : index
    %swap3A_34 = arith.constant 0 : index
    %swap3A_35 = vector.load %arg5[%swap3A_33, %swap3A_34] : memref<10240x32xf32, #tpu.memory_space<vmem>>, vector<240x32xf32>
    tpu.vector_store %arg5[%swap3A_33, %swap3A_34], %broadcast_in_dim3A_32 {strides = array<i32>} : memref<10240x32xf32, #tpu.memory_space<vmem>>, vector<240x32xf32>,
    return
  }
}

module attributes {stable_mosaic.version = 14 : i64} {
  func.func @_tc_c_body(%arg0: memref<2x10240x32xf32, #tpu.memory_space<vmem>>, %arg1: memref<10240x32xf32, #tpu.memory_space<vmem>>, %arg2: memref<10000x1xf32, #tpu.memory_space<vmem>>, %arg3: memref<1x32xf32, #tpu.memory_space<vmem>>, %arg4: memref<32x1xf32, #tpu.memory_space<vmem>>, %arg5: memref<1x1xf32, #tpu.memory_space<vmem>>, %arg6: memref<10000x1xf32, #tpu.memory_space<vmem>>) attributes {dimension_semantics = [], scalar_prefetch = 0 : i64, scratch_operands = 0 : i64, tpu.core_type = #tpu.core_type<tc>} {
    %get3A = arith.constant 0 : index
    %get3A_0 = arith.constant 0 : index
    %get3A_1 = vector.load %arg2[%get3A, %get3A_0] : memref<10000x1xf32, #tpu.memory_space<vmem>>, vector<10000x1xf32>
    %get3A_2 = arith.constant 0 : index
    %get3A_3 = arith.constant 0 : index
    %get3A_4 = arith.constant 0 : index
    %get3A_5 = vector.load %arg0[%get3A_2, %get3A_3, %get3A_4] : memref<2x10240x32xf32, #tpu.memory_space<vmem>>, vector<1x10000x32xf32>
    %get3A_6 = vector.shape_cast %get3A_5 : vector<1x10000x32xf32> to vector<10000x32xf32>
    %get3A_7 = arith.constant 1 : index
    %get3A_8 = arith.constant 0 : index
    %get3A_9 = arith.constant 0 : index
    %get3A_10 = vector.load %arg0[%get3A_7, %get3A_8, %get3A_9] : memref<2x10240x32xf32, #tpu.memory_space<vmem>>, vector<1x10000x32xf32>
    %get3A_11 = vector.shape_cast %get3A_10 : vector<1x10000x32xf32> to vector<10000x32xf32>
    %add3A = arith.addf %get3A_6, %get3A_11 : vector<10000x32xf32>
    %get3A_12 = arith.constant 0 : index
    %get3A_13 = arith.constant 0 : index
    %get3A_14 = vector.load %arg1[%get3A_12, %get3A_13] : memref<10240x32xf32, #tpu.memory_space<vmem>>, vector<10000x32xf32>
    %add3A_15 = arith.addf %add3A, %get3A_14 : vector<10000x32xf32>
    %mul3A = vector.broadcast %get3A_1 : vector<10000x1xf32> to vector<10000x32xf32>
    %mul3A_16 = arith.mulf %mul3A, %add3A_15 : vector<10000x32xf32>
    %get3A_17 = arith.constant 0 : index
    %get3A_18 = arith.constant 0 : index
    %get3A_19 = vector.load %arg3[%get3A_17, %get3A_18] : memref<1x32xf32, #tpu.memory_space<vmem>>, vector<1x32xf32>
    %add3A_20 = vector.broadcast %get3A_19 : vector<1x32xf32> to vector<10000x32xf32>
    %add3A_21 = arith.addf %mul3A_16, %add3A_20 : vector<10000x32xf32>
    %max3A = arith.constant 0.000000e+00 : f32
    %max3A_22 = vector.broadcast %max3A : f32 to vector<10000x32xf32>
    %max3A_23 = arith.maximumf %add3A_21, %max3A_22 : vector<10000x32xf32>
    %get3A_24 = arith.constant 0 : index
    %get3A_25 = arith.constant 0 : index
    %get3A_26 = vector.load %arg4[%get3A_24, %get3A_25] : memref<32x1xf32, #tpu.memory_space<vmem>>, vector<32x1xf32>
    %dot_general3A = arith.constant dense<0.000000e+00> : vector<10000x1xf32>
    %dot_general3A_27 = tpu.matmul %max3A_23, %get3A_26, %dot_general3A {dimension_numbers = #tpu.dot_dimension_numbers<[1], [0], [0], [1], [0, 0, 1, 1], [], []>, transpose_lhs_hint = false} : vector<10000x32xf32>, vector<32x1xf32>, vector<10000x1xf32> -> vector<10000x1xf32>
    %get3A_28 = arith.constant 0 : index
    %get3A_29 = arith.constant 0 : index
    %get3A_30 = vector.load %arg5[%get3A_28, %get3A_29] : memref<1x1xf32, #tpu.memory_space<vmem>>, vector<1x1xf32>
    %add3A_31 = vector.broadcast %get3A_30 : vector<1x1xf32> to vector<10000x1xf32>
    %add3A_32 = arith.addf %dot_general3A_27, %add3A_31 : vector<10000x1xf32>
    %logistic3A = arith.negf %add3A_32 : vector<10000x1xf32>
    %logistic3A_33 = math.exp %logistic3A : vector<10000x1xf32>
    %logistic3A_34 = arith.constant 1.000000e+00 : f32
    %logistic3A_35 = vector.broadcast %logistic3A_34 : f32 to vector<10000x1xf32>
    %logistic3A_36 = arith.addf %logistic3A_35, %logistic3A_33 : vector<10000x1xf32>
    %logistic3A_37 = arith.divf %logistic3A_35, %logistic3A_36 : vector<10000x1xf32>
    %swap3A = arith.constant 0 : index
    %swap3A_38 = arith.constant 0 : index
    %swap3A_39 = vector.load %arg6[%swap3A, %swap3A_38] : memref<10000x1xf32, #tpu.memory_space<vmem>>, vector<10000x1xf32>
    tpu.vector_store %arg6[%swap3A, %swap3A_38], %logistic3A_37 {strides = array<i32>} : memref<10000x1xf32, #tpu.memory_space<vmem>>, vector<10000x1xf32>,
    return
  }
}

</mosaic_0001>

<sc_bundles>
// kernel: kernel.12.cloned.1.call-start
scs
__scs_entry_jumppad:
0x0: {  	(pc) =	sbr.rel $0x88, $3  }
0x1: {  	(tag) =	ssettag $0x0;
	lr =	simm.s32 $0x1  }
0x2: {  	[smem:$0x3F99] =	sst lr;
	_ =	strace $0xD0000000  }
0x3: {  	_ = 	snop  }
0x4: {  	_ = 	snop  }
0x5: {  	_ = 	snop  }
0x6: {  	_ = 	snop  }
0x7: {  	_ = 	snop  }
__scs_overlays_trampoline_lowered:
0x8: {  	[smem:$0x3FA8] =	sst s0  }
0x9: {  	[smem:$0x3FA9] =	sst s1  }
0xa: {  	[smem:$0x3FAA] =	sst s2  }
0xb: {  	[smem:$0x3FAB] =	sst s3  }
0xc: {  	[smem:$0x3FAC] =	sst s4  }
0xd: {  	[smem:$0x3FAD] =	sst s5  }
0xe: {  	[smem:$0x3FAE] =	sst s6  }
0xf: {  	[smem:$0x3FAF] =	sst s7  }
0x10: {  	[smem:$0x3FB0] =	sst s8  }
0x11: {  	[smem:$0x3FB1] =	sst s9;
	s0 =	simm.s32 @!p0 $0x0  }
0x12: {  	s1 =	sld [smem:$0x3F97];
	s0 =	simm.s32 @p0 $0x1  }
0x13: {  	[smem:$0x3FB2] =	sst s0;
	s0 =	simm.s32 @!p1 $0x0  }
0x14: {  	s2 =	sld [smem:$0x3F96];
	s0 =	simm.s32 @p1 $0x1  }
0x15: {  	[smem:$0x3FB3] =	sst s0;
	s0 =	simm.s32 @!p2 $0x0  }
0x16: {  	s3 =	sld [smem:$0x3FDB];
	s0 =	simm.s32 @p2 $0x1  }
0x17: {  	s4 =	simm.s32 $0x1BF5;
	[smem:$0x3FB5] =	sst s0  }
0x18: {  	s0 =	sld [smem:$0x3F98];
	_ =	swait.ge [sflag:s4], $0x0  }
0x19: {  	s7 =	sld [smem:$0x3F99]  }
0x1a: {  	s8 =	sadd.s32 $0xFFFFE003, lr  }
0x1b: {  	s9 =	sadd.s32 $0xFFFFFEF7, lr;
	s5 =	simm.s32 $0xFFFFFFFF;
	p2 =	slt.u32 s8, $0xFFFFF086  }
0x1c: {  	p1 =	slt.u32 s9, $0xF7A;
	s5 =	simm.s32 @!p2 $0x0  }
0x1d: {  	s5 =	simm.s32 @p1 $0x1;
	p0 =	seq.s32 s7, s2  }
0x1e: {  	s7 =	smul.u32 @!p0 $0xF7A, s2;
	p2 =	seq.s32 @!p0 s5, $0x0  }
0x1f: {  	s9 =	smul.u32 $0xF7A, s1;
	s8 =	simm.s32 @!p0 $0x1BF5;
	p2 =	por !p2, p0  }
0x20: {  	[sflag:s8] =	ssyncset.s32 @!p0 $0xFFFFF086;
	s6 =	sadd.s32 @!p0 s3, s7;
	s7 =	simm.s32 @!p0 $0x108  }
0x21: {  	s3 =	sadd.s32 s3, s9;
	s6 =	sadd.s32 @!p0 $0x88, s6;
	s7 =	simm.s32 @p2 $0x1082  }
0x22: {  	[simem:s7], [sflag:s8] =	dma.local @!p0 [hbm:s6], $0xF7A  }
0x23: {  	s9 =	sor.u32 $0xD0000000, s2;
	s6 =	simm.s32 $0x108;
	_ =	swait.ge @!p0 [sflag:s8], $0x0  }
0x24: {  	s3 =	sadd.s32 $0x88, s3;
	s6 =	simm.s32 @!p1 $0x1082;
	[sflag:s4] =	ssyncset.s32 $0xFFFFF086  }
0x25: {  	[simem:s6], [sflag:s4] =	dma.local [hbm:s3], $0xF7A  }
0x26: {  	[smem:$0x3F99] =	sst s1;
	(tag) =	ssettag s2;
	_ =	strace s9  }
0x27: {  	s1 =	sld [smem:$0x3FA9]  }
0x28: {  	s2 =	sld [smem:$0x3FAA]  }
0x29: {  	s4 =	sld [smem:$0x3FAC]  }
0x2a: {  	p0 =	seq.s32 s5, $0x0;
	s5 =	sld [smem:$0x3FAD]  }
0x2b: {  	s6 =	sld [smem:$0x3FAE]  }
0x2c: {  	s7 =	sld [smem:$0x3FAF]  }
0x2d: {  	s3 =	simm.s32 $0x108;
	s8 =	sld [smem:$0x3FB0]  }
0x2e: {  	s3 =	simm.s32 @!p0 $0x1082;
	s9 =	sld [smem:$0x3FB1]  }
0x2f: {  	lr =	sadd.s32 s0, s3;
	s0 =	sld [smem:$0x3FA8]  }
0x30: {  	s3 =	sld [smem:$0x3FAB]  }
0x31: {  	[smem:$0x3FB4] =	sst s10  }
0x32: {  	s10 =	sld [smem:$0x3FB2];
	_ =	sdelay $0x3  }
0x33: {  	p0 =	seq.s32 s10, $0x1;
	s10 =	sld [smem:$0x3FB4];
	_ =	sdelay $0x3  }
0x34: {  	[smem:$0x3FB4] =	sst s10  }
0x35: {  	s10 =	sld [smem:$0x3FB3];
	_ =	sdelay $0x3  }
0x36: {  	p1 =	seq.s32 s10, $0x1;
	s10 =	sld [smem:$0x3FB4];
	_ =	sdelay $0x3  }
0x37: {  	[smem:$0x3FB4] =	sst s10  }
0x38: {  	s10 =	sld [smem:$0x3FB5]  }
0x39: {  	_ = 	snop;
	(pc) =	sbr.ind lr, $3  }
0x3a: {  	_ = 	snop  }
0x3b: {  	_ = 	snop  }
0x3c: {  	p2 =	seq.s32 s10, $0x1;
	s10 =	sld [smem:$0x3FB4]  }
0x3d: {  	_ =	shalt  }
0x3e: {  	_ =	shalt  }
0x3f: {  	_ =	shalt  }
0x40: {  	_ =	shalt  }
0x41: {  	_ =	shalt  }
0x42: {  	_ =	shalt  }
0x43: {  	_ =	shalt  }
0x44: {  	_ =	shalt  }
0x45: {  	_ =	shalt  }
0x46: {  	_ =	shalt  }
0x47: {  	_ =	shalt  }
0x48: {  	_ =	shalt  }
0x49: {  	_ =	shalt  }
0x4a: {  	_ =	shalt  }
0x4b: {  	_ =	shalt  }
0x4c: {  	_ =	shalt  }
0x4d: {  	_ =	shalt  }
0x4e: {  	_ =	shalt  }
0x4f: {  	_ =	shalt  }
0x50: {  	_ =	shalt  }
0x51: {  	_ =	shalt  }
0x52: {  	_ =	shalt  }
0x53: {  	_ =	shalt  }
0x54: {  	_ =	shalt  }
0x55: {  	_ =	shalt  }
0x56: {  	_ =	shalt  }
0x57: {  	_ =	shalt  }
0x58: {  	_ =	shalt  }
0x59: {  	_ =	shalt  }
0x5a: {  	_ =	shalt  }
0x5b: {  	_ =	shalt  }
0x5c: {  	_ =	shalt  }
0x5d: {  	_ =	shalt  }
0x5e: {  	_ =	shalt  }
0x5f: {  	_ =	shalt  }
0x60: {  	_ =	shalt  }
0x61: {  	_ =	shalt  }
0x62: {  	_ =	shalt  }
0x63: {  	_ =	shalt  }
0x64: {  	_ =	shalt  }
0x65: {  	_ =	shalt  }
0x66: {  	_ =	shalt  }
0x67: {  	_ =	shalt  }
0x68: {  	_ =	shalt  }
0x69: {  	_ =	shalt  }
0x6a: {  	_ =	shalt  }
0x6b: {  	_ =	shalt  }
0x6c: {  	_ =	shalt  }
0x6d: {  	_ =	shalt  }
0x6e: {  	_ =	shalt  }
0x6f: {  	_ =	shalt  }
0x70: {  	_ =	shalt  }
0x71: {  	_ =	shalt  }
0x72: {  	_ =	shalt  }
0x73: {  	_ =	shalt  }
0x74: {  	_ =	shalt  }
0x75: {  	_ =	shalt  }
0x76: {  	_ =	shalt  }
0x77: {  	_ =	shalt  }
0x78: {  	_ =	shalt  }
0x79: {  	_ =	shalt  }
0x7a: {  	_ =	shalt  }
0x7b: {  	_ =	shalt  }
0x7c: {  	_ =	shalt  }
0x7d: {  	_ =	shalt  }
0x7e: {  	_ =	shalt  }
0x7f: {  	_ =	shalt  }
0x80: {  	_ =	shalt  }
0x81: {  	_ =	shalt  }
0x82: {  	_ =	shalt  }
0x83: {  	_ =	shalt  }
0x84: {  	_ =	shalt  }
0x85: {  	_ =	shalt  }
0x86: {  	_ =	shalt  }
0x87: {  	_ =	shalt  }
.Lfunc_end0:
.L_simem_size_0:
called_computation.1_lowered:
.L_overlay_start_0:
0x88: {  	s2 =	sld [smem:$0x3FD9]  }
0x89: {  	s3 =	sld [smem:$0x3FFE];
	_ =	sdelay $0x1  }
0x8a: {  	s1 =	srdreg.scid  }
0x8b: {  	s0 =	sand.u32 $0x1, s1  }
0x8c: {  	s16 =	sshll.u32 s0, $0xA;
	s2 =	sadd.s32 s3, s2  }
0x8d: {  	s2 =	sadd.s32 s2, s16  }
0x8e: {  	[smem:$0x3FC0] =	sst s2  }
0x8f: {  	_ = 	snop  }
0x90: {  	(tm) =	ssettm $0x1  }
0x91: {  	s17 =	sld [smem:$0x3FFB];
	_ =	sdelay $0x3  }
0x92: {  	_ =	strace s17  }
0x93: {  	s2 =	sld [smem:$0x3FFC];
	_ =	sdelay $0x3  }
0x94: {  	_ =	strace s2  }
0x95: {  	s2 =	sld [smem:$0x3FFD];
	_ =	sdelay $0x3  }
0x96: {  	_ =	strace s2  }
0x97: {  	_ =	strace $0x8FFFFFFF  }
0x98: {  	s18 =	sld [smem:$0x3FDB];
	_ =	sdelay $0x1  }
0x99: {  	s19 =	simm.s32 $_scs_section_size  }
0x9a: {  	s4 =	simm.s32 $_size__tile_overlayer_lowered;
	s5 =	simm.s32 $_tile_overlayer_lowered  }
0x9b: {  	s22 =	simm.s32 $0x1BFF;
	s21 =	sshll.u32 s5, $0x1;
	s2 =	sadd.s32 s19, s18  }
0x9c: {  	s6 =	simm.s32 $0x0;
	s20 =	sshll.u32 s4, $0x1;
	s4 =	sadd.s32 s21, s2  }
0x9d: {  	[timem:s6], [sflag:s22] =	dma.local [hbm:s4], s20  }
0x9e: {  	_ =	swait.ge [sflag:s22], s20  }
0x9f: {  	s3 =	ssub.s32 $0x0, s20;
	[sflag:s22] =	ssyncset.done $0x0  }
0xa0: {  	[sflag:s22] =	ssyncadd.s32 s3;
	_ =	sdelay $0x1  }
0xa1: {  	s23 =	simm.s32 $0x1B8B  }
0xa2: {  	_ =	swait.ge [sflag:s23], $0x1  }
0xa3: {  	[sflag:s23] =	ssyncset.done $0x0  }
0xa4: {  	s25 =	simm.s32 $0x1B8E;
	s24 =	sld [smem:$0x3FFE];
	[sflag:s23] =	ssyncadd.s32 $0xFFFFFFFF  }
0xa5: {  	s26 =	simm.s32 $execute0_lowered;
	[smem:$0x3FD2] =	sst s25  }
0xa6: {  	s4 =	sshll.u32 s26, $0x1;
	_ =	strace $0x80000049;
	[dreg:$0x1] =	wrdreg $0xFFFFFFFF  }
0xa7: {  	s28 =	simm.s32 $_size_execute0_lowered;
	s2 =	sadd.s32 s2, s4;
	[dreg:$0x0] =	wrdreg $0x0  }
0xa8: {  	s4 =	sshll.u32 s28, $0x1;
	[dreg:$0x2] =	wrdreg s2  }
0xa9: {  	[dreg:$0x3] =	wrdreg s4  }
0xaa: {  	[dreg:$0x4] =	wrdreg $0xC0  }
0xab: {  	_ =	task [dreg:s6], $0x5FFFF  }
0xac: {  	[dreg:$0x1] =	wrdreg $0xFFFFFFFF  }
0xad: {  	[dreg:$0x0] =	wrdreg $0x60  }
0xae: {  	[dreg:$0x2] =	wrdreg s24  }
0xaf: {  	[dreg:$0x3] =	wrdreg $0x140000  }
0xb0: {  	[dreg:$0x4] =	wrdreg $0xF0000  }
0xb1: {  	[dreg:$0x5] =	wrdreg $0x9  }
0xb2: {  	_ =	task.clear_ibuf [dreg:s6], $0x6FFFF;
	_ =	strace $0x90000049  }
0xb3: {  	s29 =	simm.s32 $0x9;
	_ =	strace $0x8000004B  }
0xb4: {  	_ =	swait.ge [sflag:s29], $0x1  }
0xb5: {  	[sflag:s29] =	ssyncadd.s32 $0xFFFFFFFF  }
0xb6: {  	_ =	strace $0x9000004B  }
0xb7: {  	_ =	sfence  }
0xb8: {  	s30 =	sld [smem:$0x0];
	_ =	sdelay $0x2  }
0xb9: {  	s31 =	sshll.u32 s1, $0xD;
	s1 =	sshrl.u32 s1, $0x2  }
0xba: {  	s3 =	sand.u32 $0x4000, s31;
	s1 =	sadd.s32 s1, s30  }
0xbb: {  	s0 =	sor.u32 s3, s0;
	s1 =	sshll.u32 s1, $0x11  }
0xbc: {  	s0 =	sor.u32 s1, s0  }
0xbd: {  	s0 =	sadd.s32 $0x8F2B, s0  }
0xbe: {  	[sflag:s0] =	ssyncadd.remote.s32 $0x1  }
0xbf: {  	_ =	sfence.sel $0xFFFF  }
0xc0: {  	[dreg:$0x0] =	wrdreg $0xFFFFFFFF;
	(pc) =	sbr.abs _section_cstart, $3  }
0xc1: {  	[dreg:$0x1] =	wrdreg $0xFFFFFFFF  }
0xc2: {  	_ =	task.clear_ibuf [dreg:s6], $0x2FFFF;
	_ =	strace $0x9FFFFFFF  }
0xc3: {  	(tm) =	ssettm $0x7FFFFFFF  }
tec
execute0_lowered:
.L_overlay_start_1:
0x0: {  	(tag) =	ssettag $0x1  }
0x1: {  	s0 =	rddreg [dreg:$0x0]  }
0x2: {  	s2 =	rddreg [dreg:$0x1]  }
0x3: {  	s3 =	rddreg [dreg:$0x2]  }
0x4: {  	s9 =	stileid.u32;
	s1 =	srdreg.scid  }
0x5: {  	s4 =	simm.s32 $0x0;
	s16 =	simm.s32 $0x2800;
	s17 =	simm.s32 $0xA000  }
0x6: {  	s18 =	simm.s32 $0x9000;
	s19 =	simm.s32 $0x9;
	s20 =	simm.s32 $0x1  }
0x7: {  	s21 =	simm.s32 $0x2;
	s28 =	simm.s32 $0x7000;
	s30 =	simm.s32 $0x8000  }
0x8: {  	s29 =	simm.s32 $0x6;
	s5 =	smul.u32 $0x5000, s9;
	s1 =	sand.u32 $0x1, s1  }
0x9: {  	[smem:$0x7FF] =	sst s4;
	s6 =	sshll.u32 s9, $0x1;
	s9 =	smul.u32 $0x14000, s9  }
0xa: {  	s31 =	simm.s32 $0x7;
	s7 =	smul.u32 $0x50000, s1;
	_ =	strace $0x8000004A  }
0xb: {  	s6 =	sor.u32 s1, s6;
	s1 =	ssub.s32 $0x2, s1;
	s8 =	sshrl.u32 s5, $0x3  }
0xc: {  	s6 =	smul.u32 $0x500, s6;
	s22 =	sshrl.u32 s1, $0x1;
	s24 =	sshrl.u32 s9, $0x2  }
0xd: {  	s13 =	sadd.s32 s5, s3;
	s8 =	sadd.s32 s8, s0;
	s7 =	sadd.s32 s5, s7  }
0xe: {  	s1 =	ssub.s32 s1, s22;
	s26 =	sadd.s32 s24, s2;
	s22 =	simm.s32 $0x3  }
0xf: {  	s24 =	simm.s32 $0x5000;
	s7 =	sshrl.u32 s7, $0x3;
	s6 =	sadd.s32 s6, s0  }
0x10: {  	s25 =	sadd.s32 $0xB800, s8;
	s8 =	sadd.s32 s5, s2;
	s10 =	sadd.s32 $0x2000, s26  }
0x11: {  	s11 =	sadd.s32 $0x3000, s26;
	s12 =	sadd.s32 $0x4000, s26;
	s15 =	smax.u32 s1, $0x1  }
0x12: {  	s1 =	simm.s32 $0x4;
	s23 =	sadd.s32 $0x15800, s6;
	[dreg:$0x6] =	wrdreg s25  }
0x13: {  	s5 =	simm.s32 $0x0;
	s6 =	sadd.s32 $0x1800, s6;
	[dreg:$0x4] =	wrdreg s23  }
0x14: {  	s0 =	sadd.s32 s7, s0;
	s7 =	sadd.s32 $0x1000, s26;
	[dreg:$0x5] =	wrdreg s6  }
0x15: {  	s25 =	simm.s32 $0x6000;
	s26 =	simm.s32 $0x8;
	[dreg:$0x7] =	wrdreg s7  }
0x16: {  	v0 =	vimm.f32 $0.0e+00;
	s14 =	sadd.s32 $0x1F800, s0;
	s23 =	simm.s32 $0x80;
	s0 =	simm.s32 $0x5  }
.LBB2_1:
0x17: {  	s6 =	rddreg [dreg:$0x4]  }
0x18: {  	[tilespmem:s4], [sflag:$0x1] =	stream.linear.gather [hbm4b:s6+s4], $0x2800, $0x38;
	[tilespmem:$0x19000] =	vst v63  }
0x19: {  	s7 =	rddreg [dreg:$0x5]  }
0x1a: {  	[tilespmem:s16], [sflag:$0x2] =	stream.linear.gather [hbm4b:s7+s4], $0x2800, $0x38;
	[tilespmem:$0x19000] =	vst v63  }
0x1b: {  	s9 =	rddreg [dreg:$0x6];
	s6 =	simm.s32 $0x80;
	s7 =	simm.s32 $0x0  }
0x1c: {  	[tilespmem:s17], [sflag:$0x3] =	stream.linear.gather [hbm4b:s9+s4], $0x5000, $0x38;
	[tilespmem:$0x19000] =	vst v63  }
.LBB2_2:
0x1d: {  	p0 =	sne.s32 s6, $0x3F80;
	[tilespmem:s7+$0x9000] =	vst v0;
	s9 =	smov.u32 s6;
	s6 =	sadd.s32 $0x80, s6  }
.Ltmp0:
0x1e: {  	[tilespmem:s7+$0x9010] =	vst v0;
	(pc) =	sbr.rel @p0 .LBB2_2-.Ltmp0, $2  }
0x1f: {  	_ =	sdelay $0x2  }
0x20: {  	s7 =	sshra.s32 s9, $0x2  }
0x21: {  	[tilespmem:s7+$0x9000] =	vst v0  }
0x22: {  	[tilespmem:s7+$0x9010] =	vst v0  }
0x23: {  	[spmem:s8] =	stream.linear.scatter [tilespmem:s18], [sflag:$0x9], $0x1000, $0x38;
	[tilespmem:$0x19000] =	vst v63  }
0x24: {  	_ =	swait.ge [sflag:s19], $0x1000  }
0x25: {  	[sflag:s19] =	ssyncset.done $0x0  }
0x26: {  	s6 =	rddreg [dreg:$0x7];
	[sflag:s19] =	ssyncadd.s32 $0xFFFFF000  }
0x27: {  	[spmem:s6] =	stream.linear.scatter [tilespmem:s18], [sflag:$0x9], $0x1000, $0x38;
	[tilespmem:$0x19000] =	vst v63  }
0x28: {  	_ =	swait.ge [sflag:s19], $0x1000  }
0x29: {  	[sflag:s19] =	ssyncset.done $0x0  }
0x2a: {  	[sflag:s19] =	ssyncadd.s32 $0xFFFFF000  }
0x2b: {  	[spmem:s10] =	stream.linear.scatter [tilespmem:s18], [sflag:$0x9], $0x1000, $0x38;
	[tilespmem:$0x19000] =	vst v63  }
0x2c: {  	_ =	swait.ge [sflag:s19], $0x1000  }
0x2d: {  	[sflag:s19] =	ssyncset.done $0x0  }
0x2e: {  	[sflag:s19] =	ssyncadd.s32 $0xFFFFF000  }
0x2f: {  	[spmem:s11] =	stream.linear.scatter [tilespmem:s18], [sflag:$0x9], $0x1000, $0x38;
	[tilespmem:$0x19000] =	vst v63  }
0x30: {  	_ =	swait.ge [sflag:s19], $0x1000  }
0x31: {  	[sflag:s19] =	ssyncset.done $0x0  }
0x32: {  	[sflag:s19] =	ssyncadd.s32 $0xFFFFF000  }
0x33: {  	[spmem:s12] =	stream.linear.scatter [tilespmem:s18], [sflag:$0x9], $0x1000, $0x38;
	[tilespmem:$0x19000] =	vst v63  }
0x34: {  	_ =	swait.ge [sflag:s19], $0x1000  }
0x35: {  	[sflag:s19] =	ssyncset.done $0x0  }
0x36: {  	[sflag:s19] =	ssyncadd.s32 $0xFFFFF000  }
0x37: {  	_ =	swait.ge [sflag:s20], $0x2800  }
0x38: {  	[sflag:s20] =	ssyncset.done $0x0  }
0x39: {  	[sflag:s20] =	ssyncadd.s32 $0xFFFFD800  }
0x3a: {  	_ =	swait.ge [sflag:s21], $0x2800  }
0x3b: {  	[sflag:s21] =	ssyncset.done $0x0  }
0x3c: {  	[sflag:s21] =	ssyncadd.s32 $0xFFFFD800  }
0x3d: {  	_ =	swait.ge [sflag:s22], $0x5000  }
0x3e: {  	[sflag:s22] =	ssyncset.done $0x0  }
0x3f: {  	[sflag:s22] =	ssyncadd.s32 $0xFFFFB000  }
0x40: {  	[spmem:s13] =	stream.linear.scatter [tilespmem:s17], [sflag:$0x9], $0x5000, $0x38;
	[tilespmem:$0x19000] =	vst v63  }
0x41: {  	_ =	swait.ge [sflag:s19], $0x5000  }
0x42: {  	[sflag:s19] =	ssyncset.done $0x0  }
0x43: {  	[sflag:s19] =	ssyncadd.s32 $0xFFFFB000  }
0x44: {  	s9 =	simm.s32 $0x0;
	[bflag:$0x0] =	sbarrier.arrive $0xFFFF  }
0x45: {  	[tilespmem:s24], [sflag:$0x1] =	stream.indirect.gather [spmem:s3], $0x20, s9, s23, $0xb8;
	[tilespmem:$0x19000] =	vst v63  }
0x46: {  	_ = 	snop  }
0x47: {  	[tilespmem:s25], [sflag:$0x2] =	stream.indirect.gather [spmem:s3], $0x20, s23, s23, $0xb8;
	[tilespmem:$0x19000] =	vst v63  }
0x48: {  	s7 =	simm.s32 $0x100  }
0x49: {  	[tilespmem:s28], [sflag:$0x3] =	stream.indirect.gather [spmem:s3], $0x20, s7, s23, $0xb8;
	[tilespmem:$0x19000] =	vst v63  }
0x4a: {  	_ =	swait.ge [sflag:s20], $0x1000  }
0x4b: {  	[sflag:s20] =	ssyncset.done $0x0  }
0x4c: {  	[sflag:s20] =	ssyncadd.s32 $0xFFFFF000  }
0x4d: {  	[spmem:s2] =	stream.indirect.scatter.add.f32 [tilespmem:s24], [sflag:$0x5], $0x20, s16, s23, $0xb8;
	[tilespmem:$0x19000] =	vst v63  }
0x4e: {  	s9 =	simm.s32 $0x180  }
0x4f: {  	[tilespmem:s30], [sflag:$0x4] =	stream.indirect.gather [spmem:s3], $0x20, s9, s23, $0xb8;
	[tilespmem:$0x19000] =	vst v63  }
0x50: {  	_ =	swait.ge [sflag:s21], $0x1000  }
0x51: {  	[sflag:s21] =	ssyncset.done $0x0  }
0x52: {  	s7 =	simm.s32 $0x2880;
	[sflag:s21] =	ssyncadd.s32 $0xFFFFF000  }
0x53: {  	[spmem:s2] =	stream.indirect.scatter.add.f32 [tilespmem:s25], [sflag:$0x6], $0x20, s7, s23, $0xb8;
	[tilespmem:$0x19000] =	vst v63  }
0x54: {  	_ =	swait.ge [sflag:s0], $0x1000  }
0x55: {  	[sflag:s0] =	ssyncset.done $0x0  }
0x56: {  	s9 =	simm.s32 $0x200;
	[sflag:s0] =	ssyncadd.s32 $0xFFFFF000  }
0x57: {  	[tilespmem:s24], [sflag:$0x1] =	stream.indirect.gather [spmem:s3], $0x20, s9, s23, $0xb8;
	[tilespmem:$0x19000] =	vst v63  }
0x58: {  	_ =	swait.ge [sflag:s22], $0x1000  }
0x59: {  	[sflag:s22] =	ssyncset.done $0x0  }
0x5a: {  	s7 =	simm.s32 $0x2900;
	[sflag:s22] =	ssyncadd.s32 $0xFFFFF000  }
0x5b: {  	[spmem:s2] =	stream.indirect.scatter.add.f32 [tilespmem:s28], [sflag:$0x7], $0x20, s7, s23, $0xb8;
	[tilespmem:$0x19000] =	vst v63  }
0x5c: {  	_ =	swait.ge [sflag:s29], $0x1000  }
0x5d: {  	[sflag:s29] =	ssyncset.done $0x0  }
0x5e: {  	s9 =	simm.s32 $0x280;
	[sflag:s29] =	ssyncadd.s32 $0xFFFFF000  }
0x5f: {  	[tilespmem:s25], [sflag:$0x2] =	stream.indirect.gather [spmem:s3], $0x20, s9, s23, $0xb8;
	[tilespmem:$0x19000] =	vst v63  }
0x60: {  	_ =	swait.ge [sflag:s1], $0x1000  }
0x61: {  	[sflag:s1] =	ssyncset.done $0x0  }
0x62: {  	s7 =	simm.s32 $0x2980;
	[sflag:s1] =	ssyncadd.s32 $0xFFFFF000  }
0x63: {  	[spmem:s2] =	stream.indirect.scatter.add.f32 [tilespmem:s30], [sflag:$0x8], $0x20, s7, s23, $0xb8;
	[tilespmem:$0x19000] =	vst v63  }
0x64: {  	_ =	swait.ge [sflag:s31], $0x1000  }
0x65: {  	[sflag:s31] =	ssyncset.done $0x0  }
0x66: {  	s9 =	simm.s32 $0x300;
	[sflag:s31] =	ssyncadd.s32 $0xFFFFF000  }
0x67: {  	[tilespmem:s28], [sflag:$0x3] =	stream.indirect.gather [spmem:s3], $0x20, s9, s23, $0xb8;
	[tilespmem:$0x19000] =	vst v63  }
0x68: {  	_ =	swait.ge [sflag:s20], $0x1000  }
0x69: {  	[sflag:s20] =	ssyncset.done $0x0  }
0x6a: {  	s7 =	simm.s32 $0x2A00;
	[sflag:s20] =	ssyncadd.s32 $0xFFFFF000  }
0x6b: {  	[spmem:s2] =	stream.indirect.scatter.add.f32 [tilespmem:s24], [sflag:$0x5], $0x20, s7, s23, $0xb8;
	[tilespmem:$0x19000] =	vst v63  }
0x6c: {  	_ =	swait.ge [sflag:s26], $0x1000  }
0x6d: {  	[sflag:s26] =	ssyncset.done $0x0  }
0x6e: {  	s9 =	simm.s32 $0x380;
	[sflag:s26] =	ssyncadd.s32 $0xFFFFF000  }
0x6f: {  	[tilespmem:s30], [sflag:$0x4] =	stream.indirect.gather [spmem:s3], $0x20, s9, s23, $0xb8;
	[tilespmem:$0x19000] =	vst v63  }
0x70: {  	_ =	swait.ge [sflag:s21], $0x1000  }
0x71: {  	[sflag:s21] =	ssyncset.done $0x0  }
0x72: {  	s7 =	simm.s32 $0x2A80;
	[sflag:s21] =	ssyncadd.s32 $0xFFFFF000  }
0x73: {  	[spmem:s2] =	stream.indirect.scatter.add.f32 [tilespmem:s25], [sflag:$0x6], $0x20, s7, s23, $0xb8;
	[tilespmem:$0x19000] =	vst v63  }
0x74: {  	_ =	swait.ge [sflag:s0], $0x1000  }
0x75: {  	[sflag:s0] =	ssyncset.done $0x0  }
0x76: {  	s9 =	simm.s32 $0x400;
	[sflag:s0] =	ssyncadd.s32 $0xFFFFF000  }
0x77: {  	[tilespmem:s24], [sflag:$0x1] =	stream.indirect.gather [spmem:s3], $0x20, s9, s23, $0xb8;
	[tilespmem:$0x19000] =	vst v63  }
0x78: {  	_ =	swait.ge [sflag:s22], $0x1000  }
0x79: {  	[sflag:s22] =	ssyncset.done $0x0  }
0x7a: {  	s7 =	simm.s32 $0x2B00;
	[sflag:s22] =	ssyncadd.s32 $0xFFFFF000  }
0x7b: {  	[spmem:s2] =	stream.indirect.scatter.add.f32 [tilespmem:s28], [sflag:$0x7], $0x20, s7, s23, $0xb8;
	[tilespmem:$0x19000] =	vst v63  }
0x7c: {  	_ =	swait.ge [sflag:s29], $0x1000  }
0x7d: {  	[sflag:s29] =	ssyncset.done $0x0  }
0x7e: {  	s9 =	simm.s32 $0x480;
	[sflag:s29] =	ssyncadd.s32 $0xFFFFF000  }
0x7f: {  	[tilespmem:s25], [sflag:$0x2] =	stream.indirect.gather [spmem:s3], $0x20, s9, s23, $0xb8;
	[tilespmem:$0x19000] =	vst v63  }
0x80: {  	_ =	swait.ge [sflag:s1], $0x1000  }
0x81: {  	[sflag:s1] =	ssyncset.done $0x0  }
0x82: {  	s6 =	simm.s32 $0x800;
	s7 =	simm.s32 $0x2B80;
	[sflag:s1] =	ssyncadd.s32 $0xFFFFF000  }
.LBB2_4:
0x83: {  	[spmem:s2] =	stream.indirect.scatter.add.f32 [tilespmem:s30], [sflag:$0x8], $0x20, s7, s23, $0xb8;
	[tilespmem:$0x19000] =	vst v63  }
0x84: {  	s7 =	smov.u32 s6  }
0x85: {  	p0 =	sne.s32 s6, $0x8800;
	s6 =	sadd.s32 $0x800, s6;
	_ =	swait.ge [sflag:s31], $0x1000  }
0x86: {  	s7 =	sshra.s32 s7, $0x2;
	[sflag:s31] =	ssyncset.done $0x0  }
0x87: {  	s9 =	sadd.s32 $0x300, s7;
	[sflag:s31] =	ssyncadd.s32 $0xFFFFF000  }
0x88: {  	[tilespmem:s28], [sflag:$0x3] =	stream.indirect.gather [spmem:s3], $0x20, s9, s23, $0xb8;
	[tilespmem:$0x19000] =	vst v63  }
0x89: {  	_ =	swait.ge [sflag:s20], $0x1000  }
0x8a: {  	[sflag:s20] =	ssyncset.done $0x0  }
0x8b: {  	s9 =	sadd.s32 $0x2A00, s7;
	[sflag:s20] =	ssyncadd.s32 $0xFFFFF000  }
0x8c: {  	[spmem:s2] =	stream.indirect.scatter.add.f32 [tilespmem:s24], [sflag:$0x5], $0x20, s9, s23, $0xb8;
	[tilespmem:$0x19000] =	vst v63  }
0x8d: {  	_ =	swait.ge [sflag:s26], $0x1000  }
0x8e: {  	[sflag:s26] =	ssyncset.done $0x0  }
0x8f: {  	s9 =	sadd.s32 $0x380, s7;
	[sflag:s26] =	ssyncadd.s32 $0xFFFFF000  }
0x90: {  	[tilespmem:s30], [sflag:$0x4] =	stream.indirect.gather [spmem:s3], $0x20, s9, s23, $0xb8;
	[tilespmem:$0x19000] =	vst v63  }
0x91: {  	_ =	swait.ge [sflag:s21], $0x1000  }
0x92: {  	[sflag:s21] =	ssyncset.done $0x0  }
0x93: {  	s9 =	sadd.s32 $0x2A80, s7;
	[sflag:s21] =	ssyncadd.s32 $0xFFFFF000  }
0x94: {  	[spmem:s2] =	stream.indirect.scatter.add.f32 [tilespmem:s25], [sflag:$0x6], $0x20, s9, s23, $0xb8;
	[tilespmem:$0x19000] =	vst v63  }
0x95: {  	_ =	swait.ge [sflag:s0], $0x1000  }
0x96: {  	[sflag:s0] =	ssyncset.done $0x0  }
0x97: {  	s9 =	sadd.s32 $0x400, s7;
	[sflag:s0] =	ssyncadd.s32 $0xFFFFF000  }
0x98: {  	[tilespmem:s24], [sflag:$0x1] =	stream.indirect.gather [spmem:s3], $0x20, s9, s23, $0xb8;
	[tilespmem:$0x19000] =	vst v63  }
0x99: {  	_ =	swait.ge [sflag:s22], $0x1000  }
0x9a: {  	[sflag:s22] =	ssyncset.done $0x0  }
0x9b: {  	s9 =	sadd.s32 $0x2B00, s7;
	[sflag:s22] =	ssyncadd.s32 $0xFFFFF000  }
0x9c: {  	[spmem:s2] =	stream.indirect.scatter.add.f32 [tilespmem:s28], [sflag:$0x7], $0x20, s9, s23, $0xb8;
	[tilespmem:$0x19000] =	vst v63  }
0x9d: {  	_ =	swait.ge [sflag:s29], $0x1000  }
0x9e: {  	[sflag:s29] =	ssyncset.done $0x0  }
.Ltmp1:
0x9f: {  	s9 =	sadd.s32 $0x480, s7;
	[sflag:s29] =	ssyncadd.s32 $0xFFFFF000;
	(pc) =	sbr.rel @p0 .LBB2_4-.Ltmp1, $4  }
0xa0: {  	[tilespmem:s25], [sflag:$0x2] =	stream.indirect.gather [spmem:s3], $0x20, s9, s23, $0xb8;
	[tilespmem:$0x19000] =	vst v63  }
0xa1: {  	_ =	swait.ge [sflag:s1], $0x1000  }
0xa2: {  	[sflag:s1] =	ssyncset.done $0x0  }
0xa3: {  	s7 =	sadd.s32 $0x2B80, s7;
	[sflag:s1] =	ssyncadd.s32 $0xFFFFF000  }
0xa4: {  	[spmem:s2] =	stream.indirect.scatter.add.f32 [tilespmem:s30], [sflag:$0x8], $0x20, s7, s23, $0xb8;
	[tilespmem:$0x19000] =	vst v63  }
0xa5: {  	_ =	swait.ge [sflag:s31], $0x1000  }
0xa6: {  	[sflag:s31] =	ssyncset.done $0x0  }
0xa7: {  	s6 =	simm.s32 $0x2700;
	[sflag:s31] =	ssyncadd.s32 $0xFFFFF000  }
0xa8: {  	[tilespmem:s28], [sflag:$0x3] =	stream.indirect.gather [spmem:s3], $0x20, s6, s23, $0xb8;
	[tilespmem:$0x19000] =	vst v63  }
0xa9: {  	_ =	swait.ge [sflag:s20], $0x1000  }
0xaa: {  	[sflag:s20] =	ssyncset.done $0x0  }
0xab: {  	s9 =	simm.s32 $0x4E00;
	[sflag:s20] =	ssyncadd.s32 $0xFFFFF000  }
0xac: {  	[spmem:s2] =	stream.indirect.scatter.add.f32 [tilespmem:s24], [sflag:$0x5], $0x20, s9, s23, $0xb8;
	[tilespmem:$0x19000] =	vst v63  }
0xad: {  	_ =	swait.ge [sflag:s26], $0x1000  }
0xae: {  	[sflag:s26] =	ssyncset.done $0x0  }
0xaf: {  	s7 =	simm.s32 $0x2780;
	[sflag:s26] =	ssyncadd.s32 $0xFFFFF000  }
0xb0: {  	[tilespmem:s30], [sflag:$0x4] =	stream.indirect.gather [spmem:s3], $0x20, s7, s23, $0xb8;
	[tilespmem:$0x19000] =	vst v63  }
0xb1: {  	_ =	swait.ge [sflag:s21], $0x1000  }
0xb2: {  	[sflag:s21] =	ssyncset.done $0x0  }
0xb3: {  	s9 =	simm.s32 $0x4E80;
	[sflag:s21] =	ssyncadd.s32 $0xFFFFF000  }
0xb4: {  	[spmem:s2] =	stream.indirect.scatter.add.f32 [tilespmem:s25], [sflag:$0x6], $0x20, s9, s23, $0xb8;
	[tilespmem:$0x19000] =	vst v63  }
0xb5: {  	_ =	swait.ge [sflag:s0], $0x1000  }
0xb6: {  	[sflag:s0] =	ssyncset.done $0x0  }
0xb7: {  	[sflag:s0] =	ssyncadd.s32 $0xFFFFF000  }
0xb8: {  	_ =	swait.ge [sflag:s22], $0x1000  }
0xb9: {  	[sflag:s22] =	ssyncset.done $0x0  }
0xba: {  	s7 =	simm.s32 $0x4F00;
	[sflag:s22] =	ssyncadd.s32 $0xFFFFF000  }
0xbb: {  	[spmem:s2] =	stream.indirect.scatter.add.f32 [tilespmem:s28], [sflag:$0x7], $0x20, s7, s23, $0xb8;
	[tilespmem:$0x19000] =	vst v63  }
0xbc: {  	_ =	swait.ge [sflag:s29], $0x1000  }
0xbd: {  	[sflag:s29] =	ssyncset.done $0x0  }
0xbe: {  	[sflag:s29] =	ssyncadd.s32 $0xFFFFF000  }
0xbf: {  	_ =	swait.ge [sflag:s1], $0x1000  }
0xc0: {  	[sflag:s1] =	ssyncset.done $0x0  }
0xc1: {  	s9 =	simm.s32 $0x4F80;
	[sflag:s1] =	ssyncadd.s32 $0xFFFFF000  }
0xc2: {  	[spmem:s2] =	stream.indirect.scatter.add.f32 [tilespmem:s30], [sflag:$0x8], $0x20, s9, s23, $0xb8;
	[tilespmem:$0x19000] =	vst v63  }
0xc3: {  	_ =	swait.ge [sflag:s31], $0x1000  }
0xc4: {  	[sflag:s31] =	ssyncset.done $0x0  }
0xc5: {  	[sflag:s31] =	ssyncadd.s32 $0xFFFFF000  }
0xc6: {  	s7 =	stileid.u32;
	_ =	swait.ge [sflag:s26], $0x1000  }
0xc7: {  	s5 =	sadd.s32 $0x1, s5;
	s6 =	sshll.u32 s7, $0x6;
	[sflag:s26] =	ssyncset.done $0x0  }
0xc8: {  	p0 =	sne.s32 s5, s15;
	s6 =	sor.u32 $0x1C09, s6;
	[sflag:s26] =	ssyncadd.s32 $0xFFFFF000  }
.Ltmp2:
0xc9: {  	s9 =	sshrl.u32 s8, $0x3;
	[bflag:$0x0] =	sbarrier.arrive $0xFFFF;
	(pc) =	sbr.rel @p0 .LBB2_1-.Ltmp2, $4  }
0xca: {  	[hbm:s14], [sflag:s6] =	dma.local [spmem:s9], $0xA00  }
0xcb: {  	_ =	swait.ge [sflag:s19], $0xA00  }
0xcc: {  	[sflag:s19] =	ssyncset.done $0x0  }
0xcd: {  	[sflag:s19] =	ssyncadd.s32 $0xFFFFF600  }
0xce: {  	_ =	sfence.sel $0x180000  }
0xcf: {  	[bflag:$0x0] =	sbarrier.arrive $0xFFFF  }
0xd0: {  	_ =	strace $0x9000004A  }
0xd1: {  	s0 =	stileid.u32;
	[bflag:$0x2] =	sbarrier.arrive $0xFFFF  }
0xd2: {  	p0 =	sne.s32 s0, $0x0;
	s0 =	rddreg [dreg:$0x3]  }
0xd3: {  	s0 =	sadd.s32 @!p0 $0x100000, s0  }
0xd4: {  	[sflag:s0] =	ssyncadd.tile.s32 @!p0 $0x1;
	_ =	shalt  }
.Lfunc_end2:
_tile_overlayer_lowered:
.L_overlay_start_2:
0xd5: {  	(tag) =	ssettag $0x2  }
0xd6: {  	s0 =	rddreg [dreg:$0x0];
	s2 =	stileid.u32  }
0xd7: {  	s1 =	rddreg [dreg:$0x1];
	p0 =	sne.s32 s2, $0x0  }
0xd8: {  	s3 =	rddreg [dreg:$0x2];
	[bflag:$0x3] =	sbarrier.arrive $0xFFFF;
	s2 =	simm.s32 @!p0 $0x1C09  }
0xd9: {  	[timem:s3], [sflag:s2] =	dma.local @!p0 [hbm:s0], s1  }
0xda: {  	s0 =	simm.s32 @!p0 $0x9  }
0xdb: {  	_ =	swait.ge @!p0 [sflag:s0], s1  }
0xdc: {  	s1 =	ssub.s32 @!p0 $0x0, s1;
	[sflag:s0] =	ssyncset.done @!p0 $0x0  }
0xdd: {  	[sflag:s0] =	ssyncadd.s32 @!p0 s1  }
0xde: {  	[bflag:$0x3] =	sbarrier.arrive $0xFFFF  }
0xdf: {  	_ =	shalt  }

// kernel: kernel.15.cloned.1.call-start
scs
__scs_entry_jumppad:
0x0: {  	(pc) =	sbr.rel $0x88, $3  }
0x1: {  	(tag) =	ssettag $0x0;
	lr =	simm.s32 $0x1  }
0x2: {  	[smem:$0x3F99] =	sst lr;
	_ =	strace $0xD0000000  }
0x3: {  	_ = 	snop  }
0x4: {  	_ = 	snop  }
0x5: {  	_ = 	snop  }
0x6: {  	_ = 	snop  }
0x7: {  	_ = 	snop  }
__scs_overlays_trampoline_lowered:
0x8: {  	[smem:$0x3FA8] =	sst s0  }
0x9: {  	[smem:$0x3FA9] =	sst s1  }
0xa: {  	[smem:$0x3FAA] =	sst s2  }
0xb: {  	[smem:$0x3FAB] =	sst s3  }
0xc: {  	[smem:$0x3FAC] =	sst s4  }
0xd: {  	[smem:$0x3FAD] =	sst s5  }
0xe: {  	[smem:$0x3FAE] =	sst s6  }
0xf: {  	[smem:$0x3FAF] =	sst s7  }
0x10: {  	[smem:$0x3FB0] =	sst s8  }
0x11: {  	[smem:$0x3FB1] =	sst s9;
	s0 =	simm.s32 @!p0 $0x0  }
0x12: {  	s1 =	sld [smem:$0x3F97];
	s0 =	simm.s32 @p0 $0x1  }
0x13: {  	[smem:$0x3FB2] =	sst s0;
	s0 =	simm.s32 @!p1 $0x0  }
0x14: {  	s2 =	sld [smem:$0x3F96];
	s0 =	simm.s32 @p1 $0x1  }
0x15: {  	[smem:$0x3FB3] =	sst s0;
	s0 =	simm.s32 @!p2 $0x0  }
0x16: {  	s3 =	sld [smem:$0x3FDB];
	s0 =	simm.s32 @p2 $0x1  }
0x17: {  	s4 =	simm.s32 $0x1BF5;
	[smem:$0x3FB5] =	sst s0  }
0x18: {  	s0 =	sld [smem:$0x3F98];
	_ =	swait.ge [sflag:s4], $0x0  }
0x19: {  	s7 =	sld [smem:$0x3F99]  }
0x1a: {  	s8 =	sadd.s32 $0xFFFFE003, lr  }
0x1b: {  	s9 =	sadd.s32 $0xFFFFFEF7, lr;
	s5 =	simm.s32 $0xFFFFFFFF;
	p2 =	slt.u32 s8, $0xFFFFF086  }
0x1c: {  	p1 =	slt.u32 s9, $0xF7A;
	s5 =	simm.s32 @!p2 $0x0  }
0x1d: {  	s5 =	simm.s32 @p1 $0x1;
	p0 =	seq.s32 s7, s2  }
0x1e: {  	s7 =	smul.u32 @!p0 $0xF7A, s2;
	p2 =	seq.s32 @!p0 s5, $0x0  }
0x1f: {  	s9 =	smul.u32 $0xF7A, s1;
	s8 =	simm.s32 @!p0 $0x1BF5;
	p2 =	por !p2, p0  }
0x20: {  	[sflag:s8] =	ssyncset.s32 @!p0 $0xFFFFF086;
	s6 =	sadd.s32 @!p0 s3, s7;
	s7 =	simm.s32 @!p0 $0x108  }
0x21: {  	s3 =	sadd.s32 s3, s9;
	s6 =	sadd.s32 @!p0 $0x88, s6;
	s7 =	simm.s32 @p2 $0x1082  }
0x22: {  	[simem:s7], [sflag:s8] =	dma.local @!p0 [hbm:s6], $0xF7A  }
0x23: {  	s9 =	sor.u32 $0xD0000000, s2;
	s6 =	simm.s32 $0x108;
	_ =	swait.ge @!p0 [sflag:s8], $0x0  }
0x24: {  	s3 =	sadd.s32 $0x88, s3;
	s6 =	simm.s32 @!p1 $0x1082;
	[sflag:s4] =	ssyncset.s32 $0xFFFFF086  }
0x25: {  	[simem:s6], [sflag:s4] =	dma.local [hbm:s3], $0xF7A  }
0x26: {  	[smem:$0x3F99] =	sst s1;
	(tag) =	ssettag s2;
	_ =	strace s9  }
0x27: {  	s1 =	sld [smem:$0x3FA9]  }
0x28: {  	s2 =	sld [smem:$0x3FAA]  }
0x29: {  	s4 =	sld [smem:$0x3FAC]  }
0x2a: {  	p0 =	seq.s32 s5, $0x0;
	s5 =	sld [smem:$0x3FAD]  }
0x2b: {  	s6 =	sld [smem:$0x3FAE]  }
0x2c: {  	s7 =	sld [smem:$0x3FAF]  }
0x2d: {  	s3 =	simm.s32 $0x108;
	s8 =	sld [smem:$0x3FB0]  }
0x2e: {  	s3 =	simm.s32 @!p0 $0x1082;
	s9 =	sld [smem:$0x3FB1]  }
0x2f: {  	lr =	sadd.s32 s0, s3;
	s0 =	sld [smem:$0x3FA8]  }
0x30: {  	s3 =	sld [smem:$0x3FAB]  }
0x31: {  	[smem:$0x3FB4] =	sst s10  }
0x32: {  	s10 =	sld [smem:$0x3FB2];
	_ =	sdelay $0x3  }
0x33: {  	p0 =	seq.s32 s10, $0x1;
	s10 =	sld [smem:$0x3FB4];
	_ =	sdelay $0x3  }
0x34: {  	[smem:$0x3FB4] =	sst s10  }
0x35: {  	s10 =	sld [smem:$0x3FB3];
	_ =	sdelay $0x3  }
0x36: {  	p1 =	seq.s32 s10, $0x1;
	s10 =	sld [smem:$0x3FB4];
	_ =	sdelay $0x3  }
0x37: {  	[smem:$0x3FB4] =	sst s10  }
0x38: {  	s10 =	sld [smem:$0x3FB5]  }
0x39: {  	_ = 	snop;
	(pc) =	sbr.ind lr, $3  }
0x3a: {  	_ = 	snop  }
0x3b: {  	_ = 	snop  }
0x3c: {  	p2 =	seq.s32 s10, $0x1;
	s10 =	sld [smem:$0x3FB4]  }
0x3d: {  	_ =	shalt  }
0x3e: {  	_ =	shalt  }
0x3f: {  	_ =	shalt  }
0x40: {  	_ =	shalt  }
0x41: {  	_ =	shalt  }
0x42: {  	_ =	shalt  }
0x43: {  	_ =	shalt  }
0x44: {  	_ =	shalt  }
0x45: {  	_ =	shalt  }
0x46: {  	_ =	shalt  }
0x47: {  	_ =	shalt  }
0x48: {  	_ =	shalt  }
0x49: {  	_ =	shalt  }
0x4a: {  	_ =	shalt  }
0x4b: {  	_ =	shalt  }
0x4c: {  	_ =	shalt  }
0x4d: {  	_ =	shalt  }
0x4e: {  	_ =	shalt  }
0x4f: {  	_ =	shalt  }
0x50: {  	_ =	shalt  }
0x51: {  	_ =	shalt  }
0x52: {  	_ =	shalt  }
0x53: {  	_ =	shalt  }
0x54: {  	_ =	shalt  }
0x55: {  	_ =	shalt  }
0x56: {  	_ =	shalt  }
0x57: {  	_ =	shalt  }
0x58: {  	_ =	shalt  }
0x59: {  	_ =	shalt  }
0x5a: {  	_ =	shalt  }
0x5b: {  	_ =	shalt  }
0x5c: {  	_ =	shalt  }
0x5d: {  	_ =	shalt  }
0x5e: {  	_ =	shalt  }
0x5f: {  	_ =	shalt  }
0x60: {  	_ =	shalt  }
0x61: {  	_ =	shalt  }
0x62: {  	_ =	shalt  }
0x63: {  	_ =	shalt  }
0x64: {  	_ =	shalt  }
0x65: {  	_ =	shalt  }
0x66: {  	_ =	shalt  }
0x67: {  	_ =	shalt  }
0x68: {  	_ =	shalt  }
0x69: {  	_ =	shalt  }
0x6a: {  	_ =	shalt  }
0x6b: {  	_ =	shalt  }
0x6c: {  	_ =	shalt  }
0x6d: {  	_ =	shalt  }
0x6e: {  	_ =	shalt  }
0x6f: {  	_ =	shalt  }
0x70: {  	_ =	shalt  }
0x71: {  	_ =	shalt  }
0x72: {  	_ =	shalt  }
0x73: {  	_ =	shalt  }
0x74: {  	_ =	shalt  }
0x75: {  	_ =	shalt  }
0x76: {  	_ =	shalt  }
0x77: {  	_ =	shalt  }
0x78: {  	_ =	shalt  }
0x79: {  	_ =	shalt  }
0x7a: {  	_ =	shalt  }
0x7b: {  	_ =	shalt  }
0x7c: {  	_ =	shalt  }
0x7d: {  	_ =	shalt  }
0x7e: {  	_ =	shalt  }
0x7f: {  	_ =	shalt  }
0x80: {  	_ =	shalt  }
0x81: {  	_ =	shalt  }
0x82: {  	_ =	shalt  }
0x83: {  	_ =	shalt  }
0x84: {  	_ =	shalt  }
0x85: {  	_ =	shalt  }
0x86: {  	_ =	shalt  }
0x87: {  	_ =	shalt  }
.Lfunc_end0:
.L_simem_size_0:
called_computation.2_lowered:
.L_overlay_start_0:
0x88: {  	s2 =	sld [smem:$0x3FD9]  }
0x89: {  	s3 =	sld [smem:$0x3FFE];
	_ =	sdelay $0x1  }
0x8a: {  	s1 =	srdreg.scid  }
0x8b: {  	s0 =	sand.u32 $0x1, s1  }
0x8c: {  	s16 =	sshll.u32 s0, $0xA;
	s2 =	sadd.s32 s3, s2  }
0x8d: {  	s2 =	sadd.s32 s2, s16  }
0x8e: {  	[smem:$0x3FC0] =	sst s2  }
0x8f: {  	_ = 	snop  }
0x90: {  	(tm) =	ssettm $0x1  }
0x91: {  	s17 =	sld [smem:$0x3FFB];
	_ =	sdelay $0x3  }
0x92: {  	_ =	strace s17  }
0x93: {  	s2 =	sld [smem:$0x3FFC];
	_ =	sdelay $0x3  }
0x94: {  	_ =	strace s2  }
0x95: {  	s2 =	sld [smem:$0x3FFD];
	_ =	sdelay $0x3  }
0x96: {  	_ =	strace s2  }
0x97: {  	_ =	strace $0x8FFFFFFF  }
0x98: {  	s18 =	sld [smem:$0x3FDB];
	_ =	sdelay $0x1  }
0x99: {  	s19 =	simm.s32 $_scs_section_size  }
0x9a: {  	s4 =	simm.s32 $_size__tile_overlayer_lowered;
	s5 =	simm.s32 $_tile_overlayer_lowered  }
0x9b: {  	s22 =	simm.s32 $0x1BFF;
	s21 =	sshll.u32 s5, $0x1;
	s2 =	sadd.s32 s19, s18  }
0x9c: {  	s6 =	simm.s32 $0x0;
	s20 =	sshll.u32 s4, $0x1;
	s4 =	sadd.s32 s21, s2  }
0x9d: {  	[timem:s6], [sflag:s22] =	dma.local [hbm:s4], s20  }
0x9e: {  	_ =	swait.ge [sflag:s22], s20  }
0x9f: {  	s3 =	ssub.s32 $0x0, s20;
	[sflag:s22] =	ssyncset.done $0x0  }
0xa0: {  	[sflag:s22] =	ssyncadd.s32 s3;
	_ =	sdelay $0x1  }
0xa1: {  	s23 =	simm.s32 $0x1B8B  }
0xa2: {  	_ =	swait.ge [sflag:s23], $0x1  }
0xa3: {  	[sflag:s23] =	ssyncset.done $0x0  }
0xa4: {  	s25 =	simm.s32 $0x1B8E;
	s24 =	sld [smem:$0x3FFE];
	[sflag:s23] =	ssyncadd.s32 $0xFFFFFFFF  }
0xa5: {  	s26 =	simm.s32 $execute0_lowered;
	[smem:$0x3FD2] =	sst s25  }
0xa6: {  	s4 =	sshll.u32 s26, $0x1;
	_ =	strace $0x8000004C;
	[dreg:$0x1] =	wrdreg $0xFFFFFFFF  }
0xa7: {  	s28 =	simm.s32 $_size_execute0_lowered;
	s2 =	sadd.s32 s2, s4;
	[dreg:$0x0] =	wrdreg $0x0  }
0xa8: {  	s4 =	sshll.u32 s28, $0x1;
	[dreg:$0x2] =	wrdreg s2  }
0xa9: {  	[dreg:$0x3] =	wrdreg s4  }
0xaa: {  	[dreg:$0x4] =	wrdreg $0xC0  }
0xab: {  	_ =	task [dreg:s6], $0x5FFFF  }
0xac: {  	[dreg:$0x1] =	wrdreg $0xFFFFFFFF  }
0xad: {  	[dreg:$0x0] =	wrdreg $0x60  }
0xae: {  	[dreg:$0x2] =	wrdreg s24  }
0xaf: {  	[dreg:$0x3] =	wrdreg $0x140000  }
0xb0: {  	[dreg:$0x4] =	wrdreg $0xF0000  }
0xb1: {  	[dreg:$0x5] =	wrdreg $0x9  }
0xb2: {  	_ =	task.clear_ibuf [dreg:s6], $0x6FFFF;
	_ =	strace $0x9000004C  }
0xb3: {  	s29 =	simm.s32 $0x9;
	_ =	strace $0x8000004E  }
0xb4: {  	_ =	swait.ge [sflag:s29], $0x1  }
0xb5: {  	[sflag:s29] =	ssyncadd.s32 $0xFFFFFFFF  }
0xb6: {  	_ =	strace $0x9000004E  }
0xb7: {  	_ =	sfence  }
0xb8: {  	s30 =	sld [smem:$0x0];
	_ =	sdelay $0x2  }
0xb9: {  	s31 =	sshll.u32 s1, $0xD;
	s1 =	sshrl.u32 s1, $0x2  }
0xba: {  	s3 =	sand.u32 $0x4000, s31;
	s1 =	sadd.s32 s1, s30  }
0xbb: {  	s0 =	sor.u32 s3, s0;
	s1 =	sshll.u32 s1, $0x11  }
0xbc: {  	s0 =	sor.u32 s1, s0  }
0xbd: {  	s0 =	sadd.s32 $0x8F2B, s0  }
0xbe: {  	[sflag:s0] =	ssyncadd.remote.s32 $0x1  }
0xbf: {  	_ =	sfence.sel $0xFFFF  }
0xc0: {  	[dreg:$0x0] =	wrdreg $0xFFFFFFFF;
	(pc) =	sbr.abs _section_cstart, $3  }
0xc1: {  	[dreg:$0x1] =	wrdreg $0xFFFFFFFF  }
0xc2: {  	_ =	task.clear_ibuf [dreg:s6], $0x2FFFF;
	_ =	strace $0x9FFFFFFF  }
0xc3: {  	(tm) =	ssettm $0x7FFFFFFF  }
tec
execute0_lowered:
.L_overlay_start_1:
0x0: {  	(tag) =	ssettag $0x1  }
0x1: {  	s0 =	rddreg [dreg:$0x0]  }
0x2: {  	s2 =	rddreg [dreg:$0x1]  }
0x3: {  	s3 =	rddreg [dreg:$0x2]  }
0x4: {  	s9 =	stileid.u32;
	s1 =	srdreg.scid  }
0x5: {  	s4 =	simm.s32 $0x0;
	s16 =	simm.s32 $0x2800;
	s17 =	simm.s32 $0xA000  }
0x6: {  	s18 =	simm.s32 $0x9000;
	s19 =	simm.s32 $0x9;
	s20 =	simm.s32 $0x1  }
0x7: {  	s21 =	simm.s32 $0x2;
	s28 =	simm.s32 $0x7000;
	s30 =	simm.s32 $0x8000  }
0x8: {  	s29 =	simm.s32 $0x6;
	s5 =	smul.u32 $0x5000, s9;
	s1 =	sand.u32 $0x1, s1  }
0x9: {  	[smem:$0x7FF] =	sst s4;
	s6 =	sshll.u32 s9, $0x1;
	s9 =	smul.u32 $0x14000, s9  }
0xa: {  	s31 =	simm.s32 $0x7;
	s7 =	smul.u32 $0x50000, s1;
	_ =	strace $0x8000004D  }
0xb: {  	s6 =	sor.u32 s1, s6;
	s1 =	ssub.s32 $0x2, s1;
	s8 =	sshrl.u32 s5, $0x3  }
0xc: {  	s6 =	smul.u32 $0x500, s6;
	s22 =	sshrl.u32 s1, $0x1;
	s24 =	sshrl.u32 s9, $0x2  }
0xd: {  	s13 =	sadd.s32 s5, s3;
	s8 =	sadd.s32 s8, s0;
	s7 =	sadd.s32 s5, s7  }
0xe: {  	s1 =	ssub.s32 s1, s22;
	s26 =	sadd.s32 s24, s2;
	s22 =	simm.s32 $0x3  }
0xf: {  	s24 =	simm.s32 $0x5000;
	s7 =	sshrl.u32 s7, $0x3;
	s6 =	sadd.s32 s6, s0  }
0x10: {  	s25 =	sadd.s32 $0xB800, s8;
	s8 =	sadd.s32 s5, s2;
	s10 =	sadd.s32 $0x2000, s26  }
0x11: {  	s11 =	sadd.s32 $0x3000, s26;
	s12 =	sadd.s32 $0x4000, s26;
	s15 =	smax.u32 s1, $0x1  }
0x12: {  	s1 =	simm.s32 $0x4;
	s23 =	sadd.s32 $0x15800, s6;
	[dreg:$0x6] =	wrdreg s25  }
0x13: {  	s5 =	simm.s32 $0x0;
	s6 =	sadd.s32 $0x1800, s6;
	[dreg:$0x4] =	wrdreg s23  }
0x14: {  	s0 =	sadd.s32 s7, s0;
	s7 =	sadd.s32 $0x1000, s26;
	[dreg:$0x5] =	wrdreg s6  }
0x15: {  	s25 =	simm.s32 $0x6000;
	s26 =	simm.s32 $0x8;
	[dreg:$0x7] =	wrdreg s7  }
0x16: {  	v0 =	vimm.f32 $0.0e+00;
	s14 =	sadd.s32 $0x1F800, s0;
	s23 =	simm.s32 $0x80;
	s0 =	simm.s32 $0x5  }
.LBB2_1:
0x17: {  	s6 =	rddreg [dreg:$0x4]  }
0x18: {  	[tilespmem:s4], [sflag:$0x1] =	stream.linear.gather [hbm4b:s6+s4], $0x2800, $0x38;
	[tilespmem:$0x19000] =	vst v63  }
0x19: {  	s7 =	rddreg [dreg:$0x5]  }
0x1a: {  	[tilespmem:s16], [sflag:$0x2] =	stream.linear.gather [hbm4b:s7+s4], $0x2800, $0x38;
	[tilespmem:$0x19000] =	vst v63  }
0x1b: {  	s9 =	rddreg [dreg:$0x6];
	s6 =	simm.s32 $0x80;
	s7 =	simm.s32 $0x0  }
0x1c: {  	[tilespmem:s17], [sflag:$0x3] =	stream.linear.gather [hbm4b:s9+s4], $0x5000, $0x38;
	[tilespmem:$0x19000] =	vst v63  }
.LBB2_2:
0x1d: {  	p0 =	sne.s32 s6, $0x3F80;
	[tilespmem:s7+$0x9000] =	vst v0;
	s9 =	smov.u32 s6;
	s6 =	sadd.s32 $0x80, s6  }
.Ltmp0:
0x1e: {  	[tilespmem:s7+$0x9010] =	vst v0;
	(pc) =	sbr.rel @p0 .LBB2_2-.Ltmp0, $2  }
0x1f: {  	_ =	sdelay $0x2  }
0x20: {  	s7 =	sshra.s32 s9, $0x2  }
0x21: {  	[tilespmem:s7+$0x9000] =	vst v0  }
0x22: {  	[tilespmem:s7+$0x9010] =	vst v0  }
0x23: {  	[spmem:s8] =	stream.linear.scatter [tilespmem:s18], [sflag:$0x9], $0x1000, $0x38;
	[tilespmem:$0x19000] =	vst v63  }
0x24: {  	_ =	swait.ge [sflag:s19], $0x1000  }
0x25: {  	[sflag:s19] =	ssyncset.done $0x0  }
0x26: {  	s6 =	rddreg [dreg:$0x7];
	[sflag:s19] =	ssyncadd.s32 $0xFFFFF000  }
0x27: {  	[spmem:s6] =	stream.linear.scatter [tilespmem:s18], [sflag:$0x9], $0x1000, $0x38;
	[tilespmem:$0x19000] =	vst v63  }
0x28: {  	_ =	swait.ge [sflag:s19], $0x1000  }
0x29: {  	[sflag:s19] =	ssyncset.done $0x0  }
0x2a: {  	[sflag:s19] =	ssyncadd.s32 $0xFFFFF000  }
0x2b: {  	[spmem:s10] =	stream.linear.scatter [tilespmem:s18], [sflag:$0x9], $0x1000, $0x38;
	[tilespmem:$0x19000] =	vst v63  }
0x2c: {  	_ =	swait.ge [sflag:s19], $0x1000  }
0x2d: {  	[sflag:s19] =	ssyncset.done $0x0  }
0x2e: {  	[sflag:s19] =	ssyncadd.s32 $0xFFFFF000  }
0x2f: {  	[spmem:s11] =	stream.linear.scatter [tilespmem:s18], [sflag:$0x9], $0x1000, $0x38;
	[tilespmem:$0x19000] =	vst v63  }
0x30: {  	_ =	swait.ge [sflag:s19], $0x1000  }
0x31: {  	[sflag:s19] =	ssyncset.done $0x0  }
0x32: {  	[sflag:s19] =	ssyncadd.s32 $0xFFFFF000  }
0x33: {  	[spmem:s12] =	stream.linear.scatter [tilespmem:s18], [sflag:$0x9], $0x1000, $0x38;
	[tilespmem:$0x19000] =	vst v63  }
0x34: {  	_ =	swait.ge [sflag:s19], $0x1000  }
0x35: {  	[sflag:s19] =	ssyncset.done $0x0  }
0x36: {  	[sflag:s19] =	ssyncadd.s32 $0xFFFFF000  }
0x37: {  	_ =	swait.ge [sflag:s20], $0x2800  }
0x38: {  	[sflag:s20] =	ssyncset.done $0x0  }
0x39: {  	[sflag:s20] =	ssyncadd.s32 $0xFFFFD800  }
0x3a: {  	_ =	swait.ge [sflag:s21], $0x2800  }
0x3b: {  	[sflag:s21] =	ssyncset.done $0x0  }
0x3c: {  	[sflag:s21] =	ssyncadd.s32 $0xFFFFD800  }
0x3d: {  	_ =	swait.ge [sflag:s22], $0x5000  }
0x3e: {  	[sflag:s22] =	ssyncset.done $0x0  }
0x3f: {  	[sflag:s22] =	ssyncadd.s32 $0xFFFFB000  }
0x40: {  	[spmem:s13] =	stream.linear.scatter [tilespmem:s17], [sflag:$0x9], $0x5000, $0x38;
	[tilespmem:$0x19000] =	vst v63  }
0x41: {  	_ =	swait.ge [sflag:s19], $0x5000  }
0x42: {  	[sflag:s19] =	ssyncset.done $0x0  }
0x43: {  	[sflag:s19] =	ssyncadd.s32 $0xFFFFB000  }
0x44: {  	s9 =	simm.s32 $0x0;
	[bflag:$0x0] =	sbarrier.arrive $0xFFFF  }
0x45: {  	[tilespmem:s24], [sflag:$0x1] =	stream.indirect.gather [spmem:s3], $0x20, s9, s23, $0xb8;
	[tilespmem:$0x19000] =	vst v63  }
0x46: {  	_ = 	snop  }
0x47: {  	[tilespmem:s25], [sflag:$0x2] =	stream.indirect.gather [spmem:s3], $0x20, s23, s23, $0xb8;
	[tilespmem:$0x19000] =	vst v63  }
0x48: {  	s7 =	simm.s32 $0x100  }
0x49: {  	[tilespmem:s28], [sflag:$0x3] =	stream.indirect.gather [spmem:s3], $0x20, s7, s23, $0xb8;
	[tilespmem:$0x19000] =	vst v63  }
0x4a: {  	_ =	swait.ge [sflag:s20], $0x1000  }
0x4b: {  	[sflag:s20] =	ssyncset.done $0x0  }
0x4c: {  	[sflag:s20] =	ssyncadd.s32 $0xFFFFF000  }
0x4d: {  	[spmem:s2] =	stream.indirect.scatter.add.f32 [tilespmem:s24], [sflag:$0x5], $0x20, s16, s23, $0xb8;
	[tilespmem:$0x19000] =	vst v63  }
0x4e: {  	s9 =	simm.s32 $0x180  }
0x4f: {  	[tilespmem:s30], [sflag:$0x4] =	stream.indirect.gather [spmem:s3], $0x20, s9, s23, $0xb8;
	[tilespmem:$0x19000] =	vst v63  }
0x50: {  	_ =	swait.ge [sflag:s21], $0x1000  }
0x51: {  	[sflag:s21] =	ssyncset.done $0x0  }
0x52: {  	s7 =	simm.s32 $0x2880;
	[sflag:s21] =	ssyncadd.s32 $0xFFFFF000  }
0x53: {  	[spmem:s2] =	stream.indirect.scatter.add.f32 [tilespmem:s25], [sflag:$0x6], $0x20, s7, s23, $0xb8;
	[tilespmem:$0x19000] =	vst v63  }
0x54: {  	_ =	swait.ge [sflag:s0], $0x1000  }
0x55: {  	[sflag:s0] =	ssyncset.done $0x0  }
0x56: {  	s9 =	simm.s32 $0x200;
	[sflag:s0] =	ssyncadd.s32 $0xFFFFF000  }
0x57: {  	[tilespmem:s24], [sflag:$0x1] =	stream.indirect.gather [spmem:s3], $0x20, s9, s23, $0xb8;
	[tilespmem:$0x19000] =	vst v63  }
0x58: {  	_ =	swait.ge [sflag:s22], $0x1000  }
0x59: {  	[sflag:s22] =	ssyncset.done $0x0  }
0x5a: {  	s7 =	simm.s32 $0x2900;
	[sflag:s22] =	ssyncadd.s32 $0xFFFFF000  }
0x5b: {  	[spmem:s2] =	stream.indirect.scatter.add.f32 [tilespmem:s28], [sflag:$0x7], $0x20, s7, s23, $0xb8;
	[tilespmem:$0x19000] =	vst v63  }
0x5c: {  	_ =	swait.ge [sflag:s29], $0x1000  }
0x5d: {  	[sflag:s29] =	ssyncset.done $0x0  }
0x5e: {  	s9 =	simm.s32 $0x280;
	[sflag:s29] =	ssyncadd.s32 $0xFFFFF000  }
0x5f: {  	[tilespmem:s25], [sflag:$0x2] =	stream.indirect.gather [spmem:s3], $0x20, s9, s23, $0xb8;
	[tilespmem:$0x19000] =	vst v63  }
0x60: {  	_ =	swait.ge [sflag:s1], $0x1000  }
0x61: {  	[sflag:s1] =	ssyncset.done $0x0  }
0x62: {  	s7 =	simm.s32 $0x2980;
	[sflag:s1] =	ssyncadd.s32 $0xFFFFF000  }
0x63: {  	[spmem:s2] =	stream.indirect.scatter.add.f32 [tilespmem:s30], [sflag:$0x8], $0x20, s7, s23, $0xb8;
	[tilespmem:$0x19000] =	vst v63  }
0x64: {  	_ =	swait.ge [sflag:s31], $0x1000  }
0x65: {  	[sflag:s31] =	ssyncset.done $0x0  }
0x66: {  	s9 =	simm.s32 $0x300;
	[sflag:s31] =	ssyncadd.s32 $0xFFFFF000  }
0x67: {  	[tilespmem:s28], [sflag:$0x3] =	stream.indirect.gather [spmem:s3], $0x20, s9, s23, $0xb8;
	[tilespmem:$0x19000] =	vst v63  }
0x68: {  	_ =	swait.ge [sflag:s20], $0x1000  }
0x69: {  	[sflag:s20] =	ssyncset.done $0x0  }
0x6a: {  	s7 =	simm.s32 $0x2A00;
	[sflag:s20] =	ssyncadd.s32 $0xFFFFF000  }
0x6b: {  	[spmem:s2] =	stream.indirect.scatter.add.f32 [tilespmem:s24], [sflag:$0x5], $0x20, s7, s23, $0xb8;
	[tilespmem:$0x19000] =	vst v63  }
0x6c: {  	_ =	swait.ge [sflag:s26], $0x1000  }
0x6d: {  	[sflag:s26] =	ssyncset.done $0x0  }
0x6e: {  	s9 =	simm.s32 $0x380;
	[sflag:s26] =	ssyncadd.s32 $0xFFFFF000  }
0x6f: {  	[tilespmem:s30], [sflag:$0x4] =	stream.indirect.gather [spmem:s3], $0x20, s9, s23, $0xb8;
	[tilespmem:$0x19000] =	vst v63  }
0x70: {  	_ =	swait.ge [sflag:s21], $0x1000  }
0x71: {  	[sflag:s21] =	ssyncset.done $0x0  }
0x72: {  	s7 =	simm.s32 $0x2A80;
	[sflag:s21] =	ssyncadd.s32 $0xFFFFF000  }
0x73: {  	[spmem:s2] =	stream.indirect.scatter.add.f32 [tilespmem:s25], [sflag:$0x6], $0x20, s7, s23, $0xb8;
	[tilespmem:$0x19000] =	vst v63  }
0x74: {  	_ =	swait.ge [sflag:s0], $0x1000  }
0x75: {  	[sflag:s0] =	ssyncset.done $0x0  }
0x76: {  	s9 =	simm.s32 $0x400;
	[sflag:s0] =	ssyncadd.s32 $0xFFFFF000  }
0x77: {  	[tilespmem:s24], [sflag:$0x1] =	stream.indirect.gather [spmem:s3], $0x20, s9, s23, $0xb8;
	[tilespmem:$0x19000] =	vst v63  }
0x78: {  	_ =	swait.ge [sflag:s22], $0x1000  }
0x79: {  	[sflag:s22] =	ssyncset.done $0x0  }
0x7a: {  	s7 =	simm.s32 $0x2B00;
	[sflag:s22] =	ssyncadd.s32 $0xFFFFF000  }
0x7b: {  	[spmem:s2] =	stream.indirect.scatter.add.f32 [tilespmem:s28], [sflag:$0x7], $0x20, s7, s23, $0xb8;
	[tilespmem:$0x19000] =	vst v63  }
0x7c: {  	_ =	swait.ge [sflag:s29], $0x1000  }
0x7d: {  	[sflag:s29] =	ssyncset.done $0x0  }
0x7e: {  	s9 =	simm.s32 $0x480;
	[sflag:s29] =	ssyncadd.s32 $0xFFFFF000  }
0x7f: {  	[tilespmem:s25], [sflag:$0x2] =	stream.indirect.gather [spmem:s3], $0x20, s9, s23, $0xb8;
	[tilespmem:$0x19000] =	vst v63  }
0x80: {  	_ =	swait.ge [sflag:s1], $0x1000  }
0x81: {  	[sflag:s1] =	ssyncset.done $0x0  }
0x82: {  	s6 =	simm.s32 $0x800;
	s7 =	simm.s32 $0x2B80;
	[sflag:s1] =	ssyncadd.s32 $0xFFFFF000  }
.LBB2_4:
0x83: {  	[spmem:s2] =	stream.indirect.scatter.add.f32 [tilespmem:s30], [sflag:$0x8], $0x20, s7, s23, $0xb8;
	[tilespmem:$0x19000] =	vst v63  }
0x84: {  	s7 =	smov.u32 s6  }
0x85: {  	p0 =	sne.s32 s6, $0x8800;
	s6 =	sadd.s32 $0x800, s6;
	_ =	swait.ge [sflag:s31], $0x1000  }
0x86: {  	s7 =	sshra.s32 s7, $0x2;
	[sflag:s31] =	ssyncset.done $0x0  }
0x87: {  	s9 =	sadd.s32 $0x300, s7;
	[sflag:s31] =	ssyncadd.s32 $0xFFFFF000  }
0x88: {  	[tilespmem:s28], [sflag:$0x3] =	stream.indirect.gather [spmem:s3], $0x20, s9, s23, $0xb8;
	[tilespmem:$0x19000] =	vst v63  }
0x89: {  	_ =	swait.ge [sflag:s20], $0x1000  }
0x8a: {  	[sflag:s20] =	ssyncset.done $0x0  }
0x8b: {  	s9 =	sadd.s32 $0x2A00, s7;
	[sflag:s20] =	ssyncadd.s32 $0xFFFFF000  }
0x8c: {  	[spmem:s2] =	stream.indirect.scatter.add.f32 [tilespmem:s24], [sflag:$0x5], $0x20, s9, s23, $0xb8;
	[tilespmem:$0x19000] =	vst v63  }
0x8d: {  	_ =	swait.ge [sflag:s26], $0x1000  }
0x8e: {  	[sflag:s26] =	ssyncset.done $0x0  }
0x8f: {  	s9 =	sadd.s32 $0x380, s7;
	[sflag:s26] =	ssyncadd.s32 $0xFFFFF000  }
0x90: {  	[tilespmem:s30], [sflag:$0x4] =	stream.indirect.gather [spmem:s3], $0x20, s9, s23, $0xb8;
	[tilespmem:$0x19000] =	vst v63  }
0x91: {  	_ =	swait.ge [sflag:s21], $0x1000  }
0x92: {  	[sflag:s21] =	ssyncset.done $0x0  }
0x93: {  	s9 =	sadd.s32 $0x2A80, s7;
	[sflag:s21] =	ssyncadd.s32 $0xFFFFF000  }
0x94: {  	[spmem:s2] =	stream.indirect.scatter.add.f32 [tilespmem:s25], [sflag:$0x6], $0x20, s9, s23, $0xb8;
	[tilespmem:$0x19000] =	vst v63  }
0x95: {  	_ =	swait.ge [sflag:s0], $0x1000  }
0x96: {  	[sflag:s0] =	ssyncset.done $0x0  }
0x97: {  	s9 =	sadd.s32 $0x400, s7;
	[sflag:s0] =	ssyncadd.s32 $0xFFFFF000  }
0x98: {  	[tilespmem:s24], [sflag:$0x1] =	stream.indirect.gather [spmem:s3], $0x20, s9, s23, $0xb8;
	[tilespmem:$0x19000] =	vst v63  }
0x99: {  	_ =	swait.ge [sflag:s22], $0x1000  }
0x9a: {  	[sflag:s22] =	ssyncset.done $0x0  }
0x9b: {  	s9 =	sadd.s32 $0x2B00, s7;
	[sflag:s22] =	ssyncadd.s32 $0xFFFFF000  }
0x9c: {  	[spmem:s2] =	stream.indirect.scatter.add.f32 [tilespmem:s28], [sflag:$0x7], $0x20, s9, s23, $0xb8;
	[tilespmem:$0x19000] =	vst v63  }
0x9d: {  	_ =	swait.ge [sflag:s29], $0x1000  }
0x9e: {  	[sflag:s29] =	ssyncset.done $0x0  }
.Ltmp1:
0x9f: {  	s9 =	sadd.s32 $0x480, s7;
	[sflag:s29] =	ssyncadd.s32 $0xFFFFF000;
	(pc) =	sbr.rel @p0 .LBB2_4-.Ltmp1, $4  }
0xa0: {  	[tilespmem:s25], [sflag:$0x2] =	stream.indirect.gather [spmem:s3], $0x20, s9, s23, $0xb8;
	[tilespmem:$0x19000] =	vst v63  }
0xa1: {  	_ =	swait.ge [sflag:s1], $0x1000  }
0xa2: {  	[sflag:s1] =	ssyncset.done $0x0  }
0xa3: {  	s7 =	sadd.s32 $0x2B80, s7;
	[sflag:s1] =	ssyncadd.s32 $0xFFFFF000  }
0xa4: {  	[spmem:s2] =	stream.indirect.scatter.add.f32 [tilespmem:s30], [sflag:$0x8], $0x20, s7, s23, $0xb8;
	[tilespmem:$0x19000] =	vst v63  }
0xa5: {  	_ =	swait.ge [sflag:s31], $0x1000  }
0xa6: {  	[sflag:s31] =	ssyncset.done $0x0  }
0xa7: {  	s6 =	simm.s32 $0x2700;
	[sflag:s31] =	ssyncadd.s32 $0xFFFFF000  }
0xa8: {  	[tilespmem:s28], [sflag:$0x3] =	stream.indirect.gather [spmem:s3], $0x20, s6, s23, $0xb8;
	[tilespmem:$0x19000] =	vst v63  }
0xa9: {  	_ =	swait.ge [sflag:s20], $0x1000  }
0xaa: {  	[sflag:s20] =	ssyncset.done $0x0  }
0xab: {  	s9 =	simm.s32 $0x4E00;
	[sflag:s20] =	ssyncadd.s32 $0xFFFFF000  }
0xac: {  	[spmem:s2] =	stream.indirect.scatter.add.f32 [tilespmem:s24], [sflag:$0x5], $0x20, s9, s23, $0xb8;
	[tilespmem:$0x19000] =	vst v63  }
0xad: {  	_ =	swait.ge [sflag:s26], $0x1000  }
0xae: {  	[sflag:s26] =	ssyncset.done $0x0  }
0xaf: {  	s7 =	simm.s32 $0x2780;
	[sflag:s26] =	ssyncadd.s32 $0xFFFFF000  }
0xb0: {  	[tilespmem:s30], [sflag:$0x4] =	stream.indirect.gather [spmem:s3], $0x20, s7, s23, $0xb8;
	[tilespmem:$0x19000] =	vst v63  }
0xb1: {  	_ =	swait.ge [sflag:s21], $0x1000  }
0xb2: {  	[sflag:s21] =	ssyncset.done $0x0  }
0xb3: {  	s9 =	simm.s32 $0x4E80;
	[sflag:s21] =	ssyncadd.s32 $0xFFFFF000  }
0xb4: {  	[spmem:s2] =	stream.indirect.scatter.add.f32 [tilespmem:s25], [sflag:$0x6], $0x20, s9, s23, $0xb8;
	[tilespmem:$0x19000] =	vst v63  }
0xb5: {  	_ =	swait.ge [sflag:s0], $0x1000  }
0xb6: {  	[sflag:s0] =	ssyncset.done $0x0  }
0xb7: {  	[sflag:s0] =	ssyncadd.s32 $0xFFFFF000  }
0xb8: {  	_ =	swait.ge [sflag:s22], $0x1000  }
0xb9: {  	[sflag:s22] =	ssyncset.done $0x0  }
0xba: {  	s7 =	simm.s32 $0x4F00;
	[sflag:s22] =	ssyncadd.s32 $0xFFFFF000  }
0xbb: {  	[spmem:s2] =	stream.indirect.scatter.add.f32 [tilespmem:s28], [sflag:$0x7], $0x20, s7, s23, $0xb8;
	[tilespmem:$0x19000] =	vst v63  }
0xbc: {  	_ =	swait.ge [sflag:s29], $0x1000  }
0xbd: {  	[sflag:s29] =	ssyncset.done $0x0  }
0xbe: {  	[sflag:s29] =	ssyncadd.s32 $0xFFFFF000  }
0xbf: {  	_ =	swait.ge [sflag:s1], $0x1000  }
0xc0: {  	[sflag:s1] =	ssyncset.done $0x0  }
0xc1: {  	s9 =	simm.s32 $0x4F80;
	[sflag:s1] =	ssyncadd.s32 $0xFFFFF000  }
0xc2: {  	[spmem:s2] =	stream.indirect.scatter.add.f32 [tilespmem:s30], [sflag:$0x8], $0x20, s9, s23, $0xb8;
	[tilespmem:$0x19000] =	vst v63  }
0xc3: {  	_ =	swait.ge [sflag:s31], $0x1000  }
0xc4: {  	[sflag:s31] =	ssyncset.done $0x0  }
0xc5: {  	[sflag:s31] =	ssyncadd.s32 $0xFFFFF000  }
0xc6: {  	s7 =	stileid.u32;
	_ =	swait.ge [sflag:s26], $0x1000  }
0xc7: {  	s5 =	sadd.s32 $0x1, s5;
	s6 =	sshll.u32 s7, $0x6;
	[sflag:s26] =	ssyncset.done $0x0  }
0xc8: {  	p0 =	sne.s32 s5, s15;
	s6 =	sor.u32 $0x1C09, s6;
	[sflag:s26] =	ssyncadd.s32 $0xFFFFF000  }
.Ltmp2:
0xc9: {  	s9 =	sshrl.u32 s8, $0x3;
	[bflag:$0x0] =	sbarrier.arrive $0xFFFF;
	(pc) =	sbr.rel @p0 .LBB2_1-.Ltmp2, $4  }
0xca: {  	[hbm:s14], [sflag:s6] =	dma.local [spmem:s9], $0xA00  }
0xcb: {  	_ =	swait.ge [sflag:s19], $0xA00  }
0xcc: {  	[sflag:s19] =	ssyncset.done $0x0  }
0xcd: {  	[sflag:s19] =	ssyncadd.s32 $0xFFFFF600  }
0xce: {  	_ =	sfence.sel $0x180000  }
0xcf: {  	[bflag:$0x0] =	sbarrier.arrive $0xFFFF  }
0xd0: {  	_ =	strace $0x9000004D  }
0xd1: {  	s0 =	stileid.u32;
	[bflag:$0x2] =	sbarrier.arrive $0xFFFF  }
0xd2: {  	p0 =	sne.s32 s0, $0x0;
	s0 =	rddreg [dreg:$0x3]  }
0xd3: {  	s0 =	sadd.s32 @!p0 $0x100000, s0  }
0xd4: {  	[sflag:s0] =	ssyncadd.tile.s32 @!p0 $0x1;
	_ =	shalt  }
.Lfunc_end2:
_tile_overlayer_lowered:
.L_overlay_start_2:
0xd5: {  	(tag) =	ssettag $0x2  }
0xd6: {  	s0 =	rddreg [dreg:$0x0];
	s2 =	stileid.u32  }
0xd7: {  	s1 =	rddreg [dreg:$0x1];
	p0 =	sne.s32 s2, $0x0  }
0xd8: {  	s3 =	rddreg [dreg:$0x2];
	[bflag:$0x3] =	sbarrier.arrive $0xFFFF;
	s2 =	simm.s32 @!p0 $0x1C09  }
0xd9: {  	[timem:s3], [sflag:s2] =	dma.local @!p0 [hbm:s0], s1  }
0xda: {  	s0 =	simm.s32 @!p0 $0x9  }
0xdb: {  	_ =	swait.ge @!p0 [sflag:s0], s1  }
0xdc: {  	s1 =	ssub.s32 @!p0 $0x0, s1;
	[sflag:s0] =	ssyncset.done @!p0 $0x0  }
0xdd: {  	[sflag:s0] =	ssyncadd.s32 @!p0 s1  }
0xde: {  	[bflag:$0x3] =	sbarrier.arrive $0xFFFF  }
0xdf: {  	_ =	shalt  }

// kernel: kernel.9.cloned.1.call-start
scs
__scs_entry_jumppad:
0x0: {  	(pc) =	sbr.rel $0x88, $3  }
0x1: {  	(tag) =	ssettag $0x0;
	lr =	simm.s32 $0x1  }
0x2: {  	[smem:$0x3F99] =	sst lr;
	_ =	strace $0xD0000000  }
0x3: {  	_ = 	snop  }
0x4: {  	_ = 	snop  }
0x5: {  	_ = 	snop  }
0x6: {  	_ = 	snop  }
0x7: {  	_ = 	snop  }
__scs_overlays_trampoline_lowered:
0x8: {  	[smem:$0x3FA8] =	sst s0  }
0x9: {  	[smem:$0x3FA9] =	sst s1  }
0xa: {  	[smem:$0x3FAA] =	sst s2  }
0xb: {  	[smem:$0x3FAB] =	sst s3  }
0xc: {  	[smem:$0x3FAC] =	sst s4  }
0xd: {  	[smem:$0x3FAD] =	sst s5  }
0xe: {  	[smem:$0x3FAE] =	sst s6  }
0xf: {  	[smem:$0x3FAF] =	sst s7  }
0x10: {  	[smem:$0x3FB0] =	sst s8  }
0x11: {  	[smem:$0x3FB1] =	sst s9;
	s0 =	simm.s32 @!p0 $0x0  }
0x12: {  	s1 =	sld [smem:$0x3F97];
	s0 =	simm.s32 @p0 $0x1  }
0x13: {  	[smem:$0x3FB2] =	sst s0;
	s0 =	simm.s32 @!p1 $0x0  }
0x14: {  	s2 =	sld [smem:$0x3F96];
	s0 =	simm.s32 @p1 $0x1  }
0x15: {  	[smem:$0x3FB3] =	sst s0;
	s0 =	simm.s32 @!p2 $0x0  }
0x16: {  	s3 =	sld [smem:$0x3FDB];
	s0 =	simm.s32 @p2 $0x1  }
0x17: {  	s4 =	simm.s32 $0x1BF5;
	[smem:$0x3FB5] =	sst s0  }
0x18: {  	s0 =	sld [smem:$0x3F98];
	_ =	swait.ge [sflag:s4], $0x0  }
0x19: {  	s7 =	sld [smem:$0x3F99]  }
0x1a: {  	s8 =	sadd.s32 $0xFFFFE003, lr  }
0x1b: {  	s9 =	sadd.s32 $0xFFFFFEF7, lr;
	s5 =	simm.s32 $0xFFFFFFFF;
	p2 =	slt.u32 s8, $0xFFFFF086  }
0x1c: {  	p1 =	slt.u32 s9, $0xF7A;
	s5 =	simm.s32 @!p2 $0x0  }
0x1d: {  	s5 =	simm.s32 @p1 $0x1;
	p0 =	seq.s32 s7, s2  }
0x1e: {  	s7 =	smul.u32 @!p0 $0xF7A, s2;
	p2 =	seq.s32 @!p0 s5, $0x0  }
0x1f: {  	s9 =	smul.u32 $0xF7A, s1;
	s8 =	simm.s32 @!p0 $0x1BF5;
	p2 =	por !p2, p0  }
0x20: {  	[sflag:s8] =	ssyncset.s32 @!p0 $0xFFFFF086;
	s6 =	sadd.s32 @!p0 s3, s7;
	s7 =	simm.s32 @!p0 $0x108  }
0x21: {  	s3 =	sadd.s32 s3, s9;
	s6 =	sadd.s32 @!p0 $0x88, s6;
	s7 =	simm.s32 @p2 $0x1082  }
0x22: {  	[simem:s7], [sflag:s8] =	dma.local @!p0 [hbm:s6], $0xF7A  }
0x23: {  	s9 =	sor.u32 $0xD0000000, s2;
	s6 =	simm.s32 $0x108;
	_ =	swait.ge @!p0 [sflag:s8], $0x0  }
0x24: {  	s3 =	sadd.s32 $0x88, s3;
	s6 =	simm.s32 @!p1 $0x1082;
	[sflag:s4] =	ssyncset.s32 $0xFFFFF086  }
0x25: {  	[simem:s6], [sflag:s4] =	dma.local [hbm:s3], $0xF7A  }
0x26: {  	[smem:$0x3F99] =	sst s1;
	(tag) =	ssettag s2;
	_ =	strace s9  }
0x27: {  	s1 =	sld [smem:$0x3FA9]  }
0x28: {  	s2 =	sld [smem:$0x3FAA]  }
0x29: {  	s4 =	sld [smem:$0x3FAC]  }
0x2a: {  	p0 =	seq.s32 s5, $0x0;
	s5 =	sld [smem:$0x3FAD]  }
0x2b: {  	s6 =	sld [smem:$0x3FAE]  }
0x2c: {  	s7 =	sld [smem:$0x3FAF]  }
0x2d: {  	s3 =	simm.s32 $0x108;
	s8 =	sld [smem:$0x3FB0]  }
0x2e: {  	s3 =	simm.s32 @!p0 $0x1082;
	s9 =	sld [smem:$0x3FB1]  }
0x2f: {  	lr =	sadd.s32 s0, s3;
	s0 =	sld [smem:$0x3FA8]  }
0x30: {  	s3 =	sld [smem:$0x3FAB]  }
0x31: {  	[smem:$0x3FB4] =	sst s10  }
0x32: {  	s10 =	sld [smem:$0x3FB2];
	_ =	sdelay $0x3  }
0x33: {  	p0 =	seq.s32 s10, $0x1;
	s10 =	sld [smem:$0x3FB4];
	_ =	sdelay $0x3  }
0x34: {  	[smem:$0x3FB4] =	sst s10  }
0x35: {  	s10 =	sld [smem:$0x3FB3];
	_ =	sdelay $0x3  }
0x36: {  	p1 =	seq.s32 s10, $0x1;
	s10 =	sld [smem:$0x3FB4];
	_ =	sdelay $0x3  }
0x37: {  	[smem:$0x3FB4] =	sst s10  }
0x38: {  	s10 =	sld [smem:$0x3FB5]  }
0x39: {  	_ = 	snop;
	(pc) =	sbr.ind lr, $3  }
0x3a: {  	_ = 	snop  }
0x3b: {  	_ = 	snop  }
0x3c: {  	p2 =	seq.s32 s10, $0x1;
	s10 =	sld [smem:$0x3FB4]  }
0x3d: {  	_ =	shalt  }
0x3e: {  	_ =	shalt  }
0x3f: {  	_ =	shalt  }
0x40: {  	_ =	shalt  }
0x41: {  	_ =	shalt  }
0x42: {  	_ =	shalt  }
0x43: {  	_ =	shalt  }
0x44: {  	_ =	shalt  }
0x45: {  	_ =	shalt  }
0x46: {  	_ =	shalt  }
0x47: {  	_ =	shalt  }
0x48: {  	_ =	shalt  }
0x49: {  	_ =	shalt  }
0x4a: {  	_ =	shalt  }
0x4b: {  	_ =	shalt  }
0x4c: {  	_ =	shalt  }
0x4d: {  	_ =	shalt  }
0x4e: {  	_ =	shalt  }
0x4f: {  	_ =	shalt  }
0x50: {  	_ =	shalt  }
0x51: {  	_ =	shalt  }
0x52: {  	_ =	shalt  }
0x53: {  	_ =	shalt  }
0x54: {  	_ =	shalt  }
0x55: {  	_ =	shalt  }
0x56: {  	_ =	shalt  }
0x57: {  	_ =	shalt  }
0x58: {  	_ =	shalt  }
0x59: {  	_ =	shalt  }
0x5a: {  	_ =	shalt  }
0x5b: {  	_ =	shalt  }
0x5c: {  	_ =	shalt  }
0x5d: {  	_ =	shalt  }
0x5e: {  	_ =	shalt  }
0x5f: {  	_ =	shalt  }
0x60: {  	_ =	shalt  }
0x61: {  	_ =	shalt  }
0x62: {  	_ =	shalt  }
0x63: {  	_ =	shalt  }
0x64: {  	_ =	shalt  }
0x65: {  	_ =	shalt  }
0x66: {  	_ =	shalt  }
0x67: {  	_ =	shalt  }
0x68: {  	_ =	shalt  }
0x69: {  	_ =	shalt  }
0x6a: {  	_ =	shalt  }
0x6b: {  	_ =	shalt  }
0x6c: {  	_ =	shalt  }
0x6d: {  	_ =	shalt  }
0x6e: {  	_ =	shalt  }
0x6f: {  	_ =	shalt  }
0x70: {  	_ =	shalt  }
0x71: {  	_ =	shalt  }
0x72: {  	_ =	shalt  }
0x73: {  	_ =	shalt  }
0x74: {  	_ =	shalt  }
0x75: {  	_ =	shalt  }
0x76: {  	_ =	shalt  }
0x77: {  	_ =	shalt  }
0x78: {  	_ =	shalt  }
0x79: {  	_ =	shalt  }
0x7a: {  	_ =	shalt  }
0x7b: {  	_ =	shalt  }
0x7c: {  	_ =	shalt  }
0x7d: {  	_ =	shalt  }
0x7e: {  	_ =	shalt  }
0x7f: {  	_ =	shalt  }
0x80: {  	_ =	shalt  }
0x81: {  	_ =	shalt  }
0x82: {  	_ =	shalt  }
0x83: {  	_ =	shalt  }
0x84: {  	_ =	shalt  }
0x85: {  	_ =	shalt  }
0x86: {  	_ =	shalt  }
0x87: {  	_ =	shalt  }
.Lfunc_end0:
.L_simem_size_0:
called_computation_lowered:
.L_overlay_start_0:
0x88: {  	s2 =	sld [smem:$0x3FD9]  }
0x89: {  	s3 =	sld [smem:$0x3FFE];
	_ =	sdelay $0x1  }
0x8a: {  	s1 =	srdreg.scid  }
0x8b: {  	s0 =	sand.u32 $0x1, s1  }
0x8c: {  	s16 =	sshll.u32 s0, $0xA;
	s2 =	sadd.s32 s3, s2  }
0x8d: {  	s2 =	sadd.s32 s2, s16  }
0x8e: {  	[smem:$0x3FC0] =	sst s2  }
0x8f: {  	_ = 	snop  }
0x90: {  	(tm) =	ssettm $0x1  }
0x91: {  	s17 =	sld [smem:$0x3FFB];
	_ =	sdelay $0x3  }
0x92: {  	_ =	strace s17  }
0x93: {  	s2 =	sld [smem:$0x3FFC];
	_ =	sdelay $0x3  }
0x94: {  	_ =	strace s2  }
0x95: {  	s2 =	sld [smem:$0x3FFD];
	_ =	sdelay $0x3  }
0x96: {  	_ =	strace s2  }
0x97: {  	_ =	strace $0x8FFFFFFF  }
0x98: {  	s18 =	sld [smem:$0x3FDB];
	_ =	sdelay $0x1  }
0x99: {  	s19 =	simm.s32 $_scs_section_size  }
0x9a: {  	s4 =	simm.s32 $_size__tile_overlayer_lowered;
	s5 =	simm.s32 $_tile_overlayer_lowered  }
0x9b: {  	s22 =	simm.s32 $0x1BFF;
	s21 =	sshll.u32 s5, $0x1;
	s2 =	sadd.s32 s19, s18  }
0x9c: {  	s6 =	simm.s32 $0x0;
	s20 =	sshll.u32 s4, $0x1;
	s4 =	sadd.s32 s21, s2  }
0x9d: {  	[timem:s6], [sflag:s22] =	dma.local [hbm:s4], s20  }
0x9e: {  	_ =	swait.ge [sflag:s22], s20  }
0x9f: {  	s3 =	ssub.s32 $0x0, s20;
	[sflag:s22] =	ssyncset.done $0x0  }
0xa0: {  	[sflag:s22] =	ssyncadd.s32 s3;
	_ =	sdelay $0x1  }
0xa1: {  	s23 =	simm.s32 $0x1B8B  }
0xa2: {  	_ =	swait.ge [sflag:s23], $0x1  }
0xa3: {  	[sflag:s23] =	ssyncset.done $0x0  }
0xa4: {  	s25 =	simm.s32 $0x1B8E;
	s24 =	sld [smem:$0x3FFE];
	[sflag:s23] =	ssyncadd.s32 $0xFFFFFFFF  }
0xa5: {  	s26 =	simm.s32 $execute0_lowered;
	[smem:$0x3FD2] =	sst s25  }
0xa6: {  	s4 =	sshll.u32 s26, $0x1;
	_ =	strace $0x80000046;
	[dreg:$0x1] =	wrdreg $0xFFFFFFFF  }
0xa7: {  	s28 =	simm.s32 $_size_execute0_lowered;
	s2 =	sadd.s32 s2, s4;
	[dreg:$0x0] =	wrdreg $0x0  }
0xa8: {  	s4 =	sshll.u32 s28, $0x1;
	[dreg:$0x2] =	wrdreg s2  }
0xa9: {  	[dreg:$0x3] =	wrdreg s4  }
0xaa: {  	[dreg:$0x4] =	wrdreg $0xC0  }
0xab: {  	_ =	task [dreg:s6], $0x5FFFF  }
0xac: {  	[dreg:$0x1] =	wrdreg $0xFFFFFFFF  }
0xad: {  	[dreg:$0x0] =	wrdreg $0x60  }
0xae: {  	[dreg:$0x2] =	wrdreg s24  }
0xaf: {  	[dreg:$0x3] =	wrdreg $0x30000  }
0xb0: {  	[dreg:$0x4] =	wrdreg $0x9  }
0xb1: {  	_ =	task.clear_ibuf [dreg:s6], $0x5FFFF;
	_ =	strace $0x90000046  }
0xb2: {  	s29 =	simm.s32 $0x9;
	_ =	strace $0x80000048  }
0xb3: {  	_ =	swait.ge [sflag:s29], $0x1  }
0xb4: {  	[sflag:s29] =	ssyncadd.s32 $0xFFFFFFFF  }
0xb5: {  	_ =	strace $0x90000048  }
0xb6: {  	_ =	sfence  }
0xb7: {  	s30 =	sld [smem:$0x0];
	_ =	sdelay $0x2  }
0xb8: {  	s31 =	sshll.u32 s1, $0xD;
	s1 =	sshrl.u32 s1, $0x2  }
0xb9: {  	s3 =	sand.u32 $0x4000, s31;
	s1 =	sadd.s32 s1, s30  }
0xba: {  	s0 =	sor.u32 s3, s0;
	s1 =	sshll.u32 s1, $0x11  }
0xbb: {  	s0 =	sor.u32 s1, s0  }
0xbc: {  	s0 =	sadd.s32 $0x8F2B, s0  }
0xbd: {  	[sflag:s0] =	ssyncadd.remote.s32 $0x1  }
0xbe: {  	_ =	sfence.sel $0xFFFF  }
0xbf: {  	[dreg:$0x0] =	wrdreg $0xFFFFFFFF;
	(pc) =	sbr.abs _section_cstart, $3  }
0xc0: {  	[dreg:$0x1] =	wrdreg $0xFFFFFFFF  }
0xc1: {  	_ =	task.clear_ibuf [dreg:s6], $0x2FFFF;
	_ =	strace $0x9FFFFFFF  }
0xc2: {  	(tm) =	ssettm $0x7FFFFFFF  }
0xc3: {  	_ =	shalt  }
tec
execute0_lowered:
.L_overlay_start_1:
0x0: {  	(tag) =	ssettag $0x1  }
0x1: {  	s4 =	rddreg [dreg:$0x0]  }
0x2: {  	s2 =	rddreg [dreg:$0x1]  }
0x3: {  	s0 =	rddreg [dreg:$0x2];
	s3 =	srdreg.scid  }
0x4: {  	s1 =	stileid.u32;
	s12 =	simm.s32 $0x2;
	s13 =	simm.s32 $0x2800  }
0x5: {  	s14 =	simm.s32 $0x80;
	s15 =	simm.s32 $0x1;
	s18 =	simm.s32 $0x0  }
0x6: {  	s5 =	sand.u32 $0x1, s3;
	s6 =	sshll.u32 s1, $0x1;
	s7 =	smul.u32 $0x2800, s1  }
0x7: {  	s3 =	simm.s32 $0x0;
	s9 =	smul.u32 $0xA000, s1;
	s16 =	sshll.u32 s1, $0x6  }
0x8: {  	s6 =	sor.u32 s5, s6;
	s8 =	smul.u32 $0x28000, s5;
	[smem:$0x7FF] =	sst s3  }
0x9: {  	s5 =	ssub.s32 $0x2, s5;
	s16 =	sor.u32 $0x1C02, s16;
	s6 =	smul.u32 $0x500, s6  }
0xa: {  	_ =	strace $0x80000047;
	s30 =	sshrl.u32 s5, $0x1;
	s31 =	sshrl.u32 s9, $0x2  }
0xb: {  	s8 =	sadd.s32 s7, s8;
	s11 =	ssub.s32 s5, s30;
	s9 =	sadd.s32 s31, s2  }
0xc: {  	s5 =	sadd.s32 s7, s2;
	s6 =	sadd.s32 s6, s4;
	s8 =	sshrl.u32 s8, $0x3  }
0xd: {  	s7 =	sadd.s32 $0x1000, s9;
	s11 =	smax.u32 s11, $0x1;
	s17 =	sshrl.u32 s5, $0x3  }
0xe: {  	s10 =	sadd.s32 s8, s4;
	s4 =	sadd.s32 $0x1800, s6;
	s6 =	sadd.s32 $0x800, s9  }
0xf: {  	v0 =	vimm.f32 $0.0e+00;
	v1 =	vimm.f32 $1.000000000e+00;
	s8 =	sadd.s32 $0x1800, s9;
	s9 =	sadd.s32 $0x2000, s9;
	s10 =	sadd.s32 $0xB800, s10  }
.LBB2_1:
0x10: {  	[tilespmem:s3], [sflag:$0x2] =	stream.linear.gather [hbm4b:s4+s3], $0x2800, $0x38;
	[tilespmem:$0x5800] =	vst v63  }
0x11: {  	_ =	swait.ge [sflag:s12], $0x2800  }
0x12: {  	[sflag:s12] =	ssyncset.done $0x0  }
0x13: {  	s19 =	simm.s32 $0x40;
	s20 =	simm.s32 $0x0;
	[sflag:s12] =	ssyncadd.s32 $0xFFFFD800  }
.LBB2_2:
0x14: {  	p0 =	sne.s32 s19, $0x1FC0;
	[tilespmem:s20+$0x2800] =	vst v0;
	s20 =	smov.u32 s19;
	s19 =	sadd.s32 $0x40, s19  }
.Ltmp0:
0x15: {  	(pc) =	sbr.rel @p0 .LBB2_2-.Ltmp0, $2  }
0x16: {  	_ =	sdelay $0x2  }
0x17: {  	s20 =	sshra.s32 s20, $0x2  }
0x18: {  	[tilespmem:s20+$0x2800] =	vst v0  }
0x19: {  	[spmem:s5] =	stream.linear.scatter [tilespmem:s13], [sflag:$0x2], $0x800, $0x38;
	[tilespmem:$0x5800] =	vst v63  }
0x1a: {  	_ =	swait.ge [sflag:s12], $0x800  }
0x1b: {  	[sflag:s12] =	ssyncset.done $0x0  }
0x1c: {  	[sflag:s12] =	ssyncadd.s32 $0xFFFFF800  }
0x1d: {  	[spmem:s6] =	stream.linear.scatter [tilespmem:s13], [sflag:$0x2], $0x800, $0x38;
	[tilespmem:$0x5800] =	vst v63  }
0x1e: {  	_ =	swait.ge [sflag:s12], $0x800  }
0x1f: {  	[sflag:s12] =	ssyncset.done $0x0  }
0x20: {  	[sflag:s12] =	ssyncadd.s32 $0xFFFFF800  }
0x21: {  	[spmem:s7] =	stream.linear.scatter [tilespmem:s13], [sflag:$0x2], $0x800, $0x38;
	[tilespmem:$0x5800] =	vst v63  }
0x22: {  	_ =	swait.ge [sflag:s12], $0x800  }
0x23: {  	[sflag:s12] =	ssyncset.done $0x0  }
0x24: {  	[sflag:s12] =	ssyncadd.s32 $0xFFFFF800  }
0x25: {  	[spmem:s8] =	stream.linear.scatter [tilespmem:s13], [sflag:$0x2], $0x800, $0x38;
	[tilespmem:$0x5800] =	vst v63  }
0x26: {  	_ =	swait.ge [sflag:s12], $0x800  }
0x27: {  	[sflag:s12] =	ssyncset.done $0x0  }
0x28: {  	[sflag:s12] =	ssyncadd.s32 $0xFFFFF800  }
0x29: {  	[spmem:s9] =	stream.linear.scatter [tilespmem:s13], [sflag:$0x2], $0x800, $0x38;
	[tilespmem:$0x5800] =	vst v63  }
0x2a: {  	_ =	swait.ge [sflag:s12], $0x800  }
0x2b: {  	[sflag:s12] =	ssyncset.done $0x0  }
0x2c: {  	s19 =	simm.s32 $0x40;
	s20 =	simm.s32 $0x0;
	[sflag:s12] =	ssyncadd.s32 $0xFFFFF800  }
.LBB2_4:
0x2d: {  	p0 =	sne.s32 s19, $0x1FC0;
	[tilespmem:s20+$0x2800] =	vst v1;
	s20 =	smov.u32 s19;
	s19 =	sadd.s32 $0x40, s19  }
.Ltmp1:
0x2e: {  	(pc) =	sbr.rel @p0 .LBB2_4-.Ltmp1, $2  }
0x2f: {  	_ =	sdelay $0x2  }
0x30: {  	s20 =	sshra.s32 s20, $0x2  }
0x31: {  	[tilespmem:s20+$0x2800] =	vst v1  }
0x32: {  	s19 =	simm.s32 $0x0;
	[bflag:$0x0] =	sbarrier.arrive $0xFFFF  }
.LBB2_6:
0x33: {  	p0 =	sne.s32 s19, $0x9E00  }
.Ltmp2:
0x34: {  	_ = 	snop;
	(pc) =	sbr.rel @p0 .LBB2_6-.Ltmp2, $3  }
0x35: {  	_ =	sdelay $0x1  }
0x36: {  	s20 =	sshra.s32 s19, $0x2;
	s19 =	sadd.s32 $0x200, s19  }
0x37: {  	[spmem:s2] =	stream.indirect.scatter.add.f32 [tilespmem:s13], [sflag:$0x1], $0x10, s20, s14, $0xb8;
	[tilespmem:$0x5800] =	vst v63  }
0x38: {  	_ =	swait.ge [sflag:s15], $0x800  }
0x39: {  	s19 =	simm.s32 $0x4F;
	[sflag:s15] =	ssyncset.done $0x0  }
.LBB2_8:
0x3a: {  	p0 =	sne.s32 s19, $0x1;
	s19 =	sadd.s32 $0xFFFFFFFF, s19;
	[sflag:s15] =	ssyncadd.s32 $0xFFFFF800  }
.Ltmp3:
0x3b: {  	(pc) =	sbr.rel @p0 .LBB2_8-.Ltmp3, $3  }
0x3c: {  	_ =	sdelay $0x1  }
0x3d: {  	_ =	swait.ge [sflag:s15], $0x800  }
0x3e: {  	[sflag:s15] =	ssyncset.done $0x0  }
0x3f: {  	s18 =	sadd.s32 $0x1, s18  }
0x40: {  	[sflag:s15] =	ssyncadd.s32 $0xFFFFF800;
	p0 =	sne.s32 s18, s11  }
.Ltmp4:
0x41: {  	[bflag:$0x0] =	sbarrier.arrive $0xFFFF;
	(pc) =	sbr.rel @p0 .LBB2_1-.Ltmp4, $4  }
0x42: {  	[hbm:s10], [sflag:s16] =	dma.local [spmem:s17], $0x500  }
0x43: {  	_ =	swait.ge [sflag:s12], $0x500  }
0x44: {  	[sflag:s12] =	ssyncset.done $0x0  }
0x45: {  	[sflag:s12] =	ssyncadd.s32 $0xFFFFFB00  }
0x46: {  	_ =	sfence.sel $0x180000  }
0x47: {  	[bflag:$0x0] =	sbarrier.arrive $0xFFFF  }
0x48: {  	p0 =	sne.s32 s1, $0x0;
	_ =	strace $0x90000047  }
0x49: {  	s0 =	sadd.s32 @!p0 $0x100000, s0;
	[bflag:$0x2] =	sbarrier.arrive $0xFFFF  }
0x4a: {  	[sflag:s0] =	ssyncadd.tile.s32 @!p0 $0x1;
	_ =	shalt  }
.Lfunc_end2:
_tile_overlayer_lowered:
.L_overlay_start_2:
0x4b: {  	(tag) =	ssettag $0x2  }
0x4c: {  	s0 =	rddreg [dreg:$0x0];
	s2 =	stileid.u32  }
0x4d: {  	s1 =	rddreg [dreg:$0x1];
	p0 =	sne.s32 s2, $0x0  }
0x4e: {  	s3 =	rddreg [dreg:$0x2];
	[bflag:$0x3] =	sbarrier.arrive $0xFFFF;
	s2 =	simm.s32 @!p0 $0x1C02  }
0x4f: {  	[timem:s3], [sflag:s2] =	dma.local @!p0 [hbm:s0], s1  }
0x50: {  	s0 =	simm.s32 @!p0 $0x2  }
0x51: {  	_ =	swait.ge @!p0 [sflag:s0], s1  }
0x52: {  	s1 =	ssub.s32 @!p0 $0x0, s1;
	[sflag:s0] =	ssyncset.done @!p0 $0x0  }
0x53: {  	[sflag:s0] =	ssyncadd.s32 @!p0 s1  }
0x54: {  	[bflag:$0x3] =	sbarrier.arrive $0xFFFF  }
0x55: {  	_ =	shalt  }

</sc_bundles>
